<compile_context>
chip_gen: v7x
topology: tpu7x:2x2x1
jax: 0.10.2.dev20260603
libtpu: 0.0.44.dev20260713+nightly
codegen_flags: <defaults>
</compile_context>

<pallas_src>
import functools

import jax
import jax.numpy as jnp
from jax import lax
from jax.experimental import pallas as pl
from jax.experimental.pallas import tpu as pltpu, tpu_sc as plsc

N = 50000
E = 1600000
B = 50
NPG = N // B
KTOP = 800

NSLAB = E // 128
NSLAB_PAD = 12520
NPAD_EDGES = (NSLAB_PAD - NSLAB) * 128
NACC = 50048

SPB = 20
BEc = SPB * 128
G1 = NSLAB_PAD // SPB


def _edge_mlp_body(a_ref, w1_ref, b1_ref, w2_ref, b2_ref, out_ref):
    a = a_ref[...]
    h = jnp.maximum(jnp.dot(w1_ref[...], a, preferred_element_type=jnp.float32)
                    + b1_ref[...], 0.0)
    o = jnp.maximum(jnp.dot(w2_ref[...], h, preferred_element_type=jnp.float32)
                    + b2_ref[...], 0.0)
    for j in range(SPB):
        out_ref[j] = o[:, 128 * j:128 * (j + 1)]


def _edge_mlp(a_t, W1t, b1c, W2t, b2c):
    return pl.pallas_call(
        _edge_mlp_body,
        grid=(G1,),
        in_specs=[
            pl.BlockSpec((100, BEc), lambda i: (0, i)),
            pl.BlockSpec((64, 100), lambda i: (0, 0)),
            pl.BlockSpec((64, 1), lambda i: (0, 0)),
            pl.BlockSpec((32, 64), lambda i: (0, 0)),
            pl.BlockSpec((32, 1), lambda i: (0, 0)),
        ],
        out_specs=pl.BlockSpec((SPB, 32, 128), lambda i: (i, 0, 0)),
        out_shape=jax.ShapeDtypeStruct((NSLAB_PAD, 32, 128), jnp.float32),
    )(a_t, W1t, b1c, W2t, b2c)


NGRP = NSLAB_PAD // 8
ROWS_PER_TILE = NACC // 16
ZR = 136


def _sc_body(src_hbm, dst_hbm, ea_hbm, xlo_hbm, xhi_hbm, out_hbm,
             sbA, dbA, ebA, xbA, mbA, sbB, dbB, ebB, xbB, mbB, zbuf, acc,
             gsemA, esemA, ssemA, gsemB, esemB, ssemB):
    c = lax.axis_index("c")
    s = lax.axis_index("s")
    w = c * 16 + s
    row0 = s * ROWS_PER_TILE
    gbase = w * 97 + jnp.minimum(w, 26)
    ng = jnp.where(w < 26, 98, 97)
    iota = lax.iota(jnp.int32, 16)
    jv = jnp.full((16,), 0, jnp.int32)
    bufs = ((sbA, dbA, ebA, xbA, mbA, gsemA, esemA, ssemA),
            (sbB, dbB, ebB, xbB, mbB, gsemB, esemB, ssemB))

    for half, x_hbm in ((0, xlo_hbm), (1, xhi_hbm)):
        def zinit(i, _):
            zbuf[i, pl.ds(0, 16)] = jnp.zeros((16,), jnp.float32)
            return 0
        lax.fori_loop(0, ZR, zinit, 0)

        def zfill(k, _):
            pltpu.sync_copy(zbuf, acc.at[pl.ds(row0 + k * ZR, ZR)])
            return 0
        lax.fori_loop(0, ROWS_PER_TILE // ZR, zfill, 0)
        plsc.subcore_barrier()

        def prefetch(l, sb, db, eb, xb, gsem, esem):
            gg = gbase + l
            pltpu.sync_copy(src_hbm.at[pl.ds(512 * gg, 512)], sb)
            pltpu.sync_copy(dst_hbm.at[pl.ds(512 * gg, 512)], db)
            pltpu.async_copy(
                ea_hbm.at[pl.ds(4 * gg, 4), pl.ds(16 * half, 16)], eb, esem)
            pltpu.async_copy(x_hbm.at[sb], xb, gsem)

        def group(l, _):
            for par in range(2):
                sb, db, eb, xb, mb, gsem, esem, ssem = bufs[par]

                @pl.when((l & 1) == par)
                def _():
                    pltpu.make_async_copy(
                        ea_hbm.at[pl.ds(0, 4), pl.ds(0, 16)], eb, esem).wait()
                    pltpu.make_async_copy(
                        x_hbm.at[pl.ds(0, 512)], xb, gsem).wait()

                    def combine(i, _):
                        jvj = jv + lax.shift_right_logical(i, 4)
                        ebase = (i & 15) * 8
                        e0 = i * 8
                        res = []
                        for k in range(8):
                            v = plsc.load_gather(eb, [jvj, iota,
                                                      jv + (ebase + k)])
                            u = xb[e0 + k, pl.ds(0, 16)]
                            res.append(jnp.maximum(u + v, 0.0))
                        for k in range(8):
                            mb[e0 + k, pl.ds(0, 16)] = res[k]
                        return 0
                    lax.fori_loop(0, 64, combine, 0)
                    pltpu.async_copy(mb, acc.at[db], ssem, add=True).wait()
                    @pl.when(l + 2 < ng)
                    def _():
                        prefetch(l + 2, sb, db, eb, xb, gsem, esem)
            return 0

        prefetch(0, *bufs[0][:4], *bufs[0][5:7])
        @pl.when(ng > 1)
        def _():
            prefetch(1, *bufs[1][:4], *bufs[1][5:7])
        lax.fori_loop(0, ng, group, 0)
        plsc.subcore_barrier()

        pltpu.sync_copy(acc.at[pl.ds(row0, ROWS_PER_TILE)],
                        out_hbm.at[c, half, pl.ds(row0, ROWS_PER_TILE)])
        plsc.subcore_barrier()


def _sc_aggregate(src2, dst2, ea3, xlo, xhi):
    mesh = plsc.VectorSubcoreMesh(core_axis_name="c", subcore_axis_name="s")
    f = pl.kernel(
        _sc_body,
        out_type=jax.ShapeDtypeStruct((2, 2, NACC, 16), jnp.float32),
        mesh=mesh,
        scratch_types=(
            [pltpu.VMEM((512,), jnp.int32),
             pltpu.VMEM((512,), jnp.int32),
             pltpu.VMEM((4, 16, 128), jnp.float32),
             pltpu.VMEM((512, 16), jnp.float32),
             pltpu.VMEM((512, 16), jnp.float32)] * 2
            + [pltpu.VMEM((ZR, 16), jnp.float32),
               pltpu.VMEM_SHARED((NACC, 16), jnp.float32)]
            + [pltpu.SemaphoreType.DMA] * 6
        ),
        compiler_params=pltpu.CompilerParams(use_tc_tiling_on_sc=False,
                                             needs_layout_passes=False),
    )
    return f(src2, dst2, ea3, xlo, xhi)


def _graph_body(x_ref, apl_ref, aph_ref, w1_ref, w1lo_ref, w1hi_ref,
                b1_ref, w2_ref, b2_ref, pw_ref, out_ref):
    lo = apl_ref[0, 0] + apl_ref[1, 0]
    hi = aph_ref[0, 0] + aph_ref[1, 0]
    pre = (jnp.dot(x_ref[...], w1_ref[...], preferred_element_type=jnp.float32)
           + jnp.dot(lo, w1lo_ref[...], preferred_element_type=jnp.float32)
           + jnp.dot(hi, w1hi_ref[...], preferred_element_type=jnp.float32))
    t = jnp.maximum(pre + b1_ref[...], 0.0)
    xh = jnp.maximum(jnp.dot(t, w2_ref[...], preferred_element_type=jnp.float32)
                     + b2_ref[...], 0.0)
    s = jnp.tanh(jnp.sum(xh * pw_ref[...], axis=1, keepdims=True))

    def bis(_, carry):
        lo, hi = carry
        mid = (lo + hi) * 0.5
        cnt = jnp.sum((s >= mid).astype(jnp.float32))
        big = cnt >= float(KTOP)
        return jnp.where(big, mid, lo), jnp.where(big, hi, mid)
    lo, _ = lax.fori_loop(0, 50, bis, (jnp.float32(-1.001), jnp.float32(1.001)))

    mask = s >= lo
    g = xh * s
    mx = jnp.max(jnp.where(mask, g, -jnp.inf), axis=0)
    mn = jnp.sum(jnp.where(mask, g, 0.0), axis=0) * (1.0 / KTOP)
    out_ref[0, 0, :] = jnp.concatenate([mx, mn])


def _graph_pool(x, ap, W1, b1, W2, b2, pwn):
    apl = ap[:, 0:1]
    aph = ap[:, 1:2]
    return pl.pallas_call(
        _graph_body,
        grid=(B,),
        in_specs=[
            pl.BlockSpec((NPG, 32), lambda i: (i, 0)),
            pl.BlockSpec((2, 1, NPG, 16), lambda i: (0, 0, i, 0)),
            pl.BlockSpec((2, 1, NPG, 16), lambda i: (0, 0, i, 0)),
            pl.BlockSpec((32, 128), lambda i: (0, 0)),
            pl.BlockSpec((16, 128), lambda i: (0, 0)),
            pl.BlockSpec((16, 128), lambda i: (0, 0)),
            pl.BlockSpec((1, 128), lambda i: (0, 0)),
            pl.BlockSpec((128, 256), lambda i: (0, 0)),
            pl.BlockSpec((1, 256), lambda i: (0, 0)),
            pl.BlockSpec((1, 256), lambda i: (0, 0)),
        ],
        out_specs=pl.BlockSpec((1, 1, 512), lambda i: (i, 0, 0)),
        out_shape=jax.ShapeDtypeStruct((B, 1, 512), jnp.float32),
    )(x, apl, aph, W1, W1[0:16], W1[16:32], b1.reshape(1, 128),
      W2, b2.reshape(1, 256), pwn.reshape(1, 256))


def _readout_body(p_ref, w1_ref, b1_ref, w2_ref, b2_ref, w3_ref, b3_ref, out_ref):
    o = jnp.maximum(jnp.dot(p_ref[...], w1_ref[...],
                            preferred_element_type=jnp.float32) + b1_ref[...], 0.0)
    o = jnp.maximum(jnp.dot(o, w2_ref[...],
                            preferred_element_type=jnp.float32) + b2_ref[...], 0.0)
    logits = jnp.dot(o, w3_ref[...], preferred_element_type=jnp.float32) + b3_ref[...]
    m = jnp.max(logits, axis=1, keepdims=True)
    e = jnp.exp(logits - m)
    out_ref[...] = logits - m - jnp.log(jnp.sum(e, axis=1, keepdims=True))


def _readout(pooled, W1, b1, W2, b2, W3, b3):
    return pl.pallas_call(
        _readout_body,
        in_specs=[pl.BlockSpec(s, lambda s=s: (0,) * len(s)) for s in
                  [(64, 512), (512, 128), (1, 128), (128, 64), (1, 64),
                   (64, 2), (1, 2)]],
        out_specs=pl.BlockSpec((64, 2), lambda: (0, 0)),
        out_shape=jax.ShapeDtypeStruct((64, 2), jnp.float32),
    )(pooled, W1, b1.reshape(1, 128), W2, b2.reshape(1, 64), W3, b3.reshape(1, 2))


def kernel(x, edge_index, batch, edge_attr, W_dec1, b_dec1, W_dec2, b_dec2,
           W_mlp1, b_mlp1, W_mlp2, b_mlp2, pool_w,
           W_lin1, b_lin1, W_lin2, b_lin2, W_lin3, b_lin3):
    ea3 = _edge_mlp(edge_attr.T, W_dec1.T, b_dec1.reshape(64, 1),
                    W_dec2.T, b_dec2.reshape(32, 1))
    src2 = jnp.pad(edge_index[0], (0, NPAD_EDGES))
    padv = N + (jnp.arange(NPAD_EDGES, dtype=jnp.int32) % (NACC - N))
    dst2 = jnp.concatenate([edge_index[1], padv], axis=0)
    ap = _sc_aggregate(src2, dst2, ea3, x[:, 0:16], x[:, 16:32])
    pwn = pool_w / jnp.linalg.norm(pool_w)
    pooled = _graph_pool(x, ap, W_mlp1, b_mlp1, W_mlp2, b_mlp2, pwn)
    pooled = jnp.pad(pooled.reshape(B, 512), ((0, 14), (0, 0)))
    out = _readout(pooled, W_lin1, b_lin1, W_lin2, b_lin2, W_lin3, b_lin3)
    return out[:B]

# --- scband reference (transcript-rebuilt; emitter-appended) ---
"""Pipeline reference for scband-net-without-gatg-pool-17051020165259 (READ-ONLY COPY).

The authoritative reference and input builder live on the scoring server;
editing this copy changes nothing except your own understanding.
"""

import jax, jax.numpy as jnp
import numpy as np

N = 50000
E = 1600000
B = 50
NPG = N // B
K = 800  # ceil(0.8 * NPG)


def setup_inputs(seed: int = 0) -> dict:
    key = jax.random.key(seed)
    ks = jax.random.split(key, 20)
    x = jax.random.normal(ks[0], (N, 32), dtype=jnp.float32)
    edge_index = jax.random.randint(ks[1], (2, E), 0, N, dtype=jnp.int32)
    # 50 graphs of 1000 nodes each (balanced batch vector)
    batch = jnp.repeat(jnp.arange(B, dtype=jnp.int32), NPG)
    edge_attr = jax.random.normal(ks[2], (E, 100), dtype=jnp.float32)

    def lin(k, fi, fo):
        s = 1.0 / np.sqrt(fi)
        kw, kb = jax.random.split(k)
        return (jax.random.uniform(kw, (fi, fo), jnp.float32, -s, s),
                jax.random.uniform(kb, (fo,), jnp.float32, -s, s))

    W_dec1, b_dec1 = lin(ks[3], 100, 64)
    W_dec2, b_dec2 = lin(ks[4], 64, 32)
    W_mlp1, b_mlp1 = lin(ks[5], 32, 128)
    W_mlp2, b_mlp2 = lin(ks[6], 128, 256)
    pool_w = jax.random.normal(ks[7], (256,), dtype=jnp.float32) * 0.1
    W_lin1, b_lin1 = lin(ks[8], 512, 128)
    W_lin2, b_lin2 = lin(ks[9], 128, 64)
    W_lin3, b_lin3 = lin(ks[10], 64, 2)

    return {"x": x, "edge_index": edge_index, "batch": batch, "edge_attr": edge_attr,
            "W_dec1": W_dec1, "b_dec1": b_dec1, "W_dec2": W_dec2, "b_dec2": b_dec2,
            "W_mlp1": W_mlp1, "b_mlp1": b_mlp1, "W_mlp2": W_mlp2, "b_mlp2": b_mlp2,
            "pool_w": pool_w, "W_lin1": W_lin1, "b_lin1": b_lin1,
            "W_lin2": W_lin2, "b_lin2": b_lin2, "W_lin3": W_lin3, "b_lin3": b_lin3}


def reference(x, edge_index, batch, edge_attr,
              W_dec1, b_dec1, W_dec2, b_dec2,
              W_mlp1, b_mlp1, W_mlp2, b_mlp2,
              pool_w, W_lin1, b_lin1, W_lin2, b_lin2, W_lin3, b_lin3):
    # edge_attr decoder
    ea = jax.nn.relu(edge_attr @ W_dec1 + b_dec1)
    ea = jax.nn.relu(ea @ W_dec2 + b_dec2)  # [E, 32]
    # GINEConv: aggr_i = sum_j relu(x_j + e_ji); out = mlp((1+eps)*x + aggr), eps=0
    src = edge_index[0]
    dst = edge_index[1]
    msg = jax.nn.relu(x[src] + ea)
    aggr = jax.ops.segment_sum(msg, dst, num_segments=N)
    h = x + aggr
    h = jax.nn.relu(h @ W_mlp1 + b_mlp1) @ W_mlp2 + b_mlp2  # [N, 256]
    xh = jax.nn.relu(h)
    # TopKPooling(256, ratio=0.8): score = tanh((x . w)/||w||), per-graph top-k, gate
    score = jnp.tanh((xh @ pool_w) / jnp.linalg.norm(pool_w))
    score_b = score.reshape(B, NPG)
    vals, idx = jax.lax.top_k(score_b, K)  # per-graph top-k (graphs are balanced)
    xg = xh.reshape(B, NPG, 256)
    sel = jnp.take_along_axis(xg, idx[:, :, None], axis=1) * vals[:, :, None]  # [B, K, 256]
    # global max pool || global mean pool
    x1 = jnp.concatenate([sel.max(axis=1), sel.mean(axis=1)], axis=1)  # [B, 512]
    out = jax.nn.relu(x1 @ W_lin1 + b_lin1)
    out = jax.nn.relu(out @ W_lin2 + b_lin2)  # dropout identity in eval mode
    out = jax.nn.log_softmax(out @ W_lin3 + b_lin3, axis=-1)
    return out

if __name__ == "__main__":
    import jax
    _d = setup_inputs()
    print(jax.jit(kernel)(*tuple(_d.values())))

</pallas_src>

<mosaic_0001>
#map = affine_map<(d0, d1) -> (0)>
#map1 = affine_map<(d0, d1) -> (0, 0, 0)>
#map2 = affine_map<(d0, d1) -> (0, 0)>
#map3 = affine_map<(d0, d1) -> (0, 0, 0, 0)>
module attributes {stable_mosaic.version = 14 : i64} {
  func.func @_sc_body(%arg0: i32, %arg1: i32, %arg2: memref<1602560xi32, #tpu.memory_space<hbm>>, %arg3: memref<1602560xi32, #tpu.memory_space<hbm>>, %arg4: memref<12520x32x128xf32, #tpu.memory_space<hbm>>, %arg5: memref<50000x16xf32, #tpu.memory_space<hbm>>, %arg6: memref<50000x16xf32, #tpu.memory_space<hbm>>, %arg7: memref<2x2x50048x16xf32, #tpu.memory_space<hbm>>, %arg8: memref<512xi32, #tpu.memory_space<vmem>>, %arg9: memref<512xi32, #tpu.memory_space<vmem>>, %arg10: memref<4x16x128xf32, #tpu.memory_space<vmem>>, %arg11: memref<512x16xf32, #tpu.memory_space<vmem>>, %arg12: memref<512x16xf32, #tpu.memory_space<vmem>>, %arg13: memref<512xi32, #tpu.memory_space<vmem>>, %arg14: memref<512xi32, #tpu.memory_space<vmem>>, %arg15: memref<4x16x128xf32, #tpu.memory_space<vmem>>, %arg16: memref<512x16xf32, #tpu.memory_space<vmem>>, %arg17: memref<512x16xf32, #tpu.memory_space<vmem>>, %arg18: memref<136x16xf32, #tpu.memory_space<vmem>>, %arg19: memref<50048x16xf32, #tpu.memory_space<vmem_shared>>, %arg20: memref<!tpu.dma_semaphore, #tpu.memory_space<semaphore_mem>>, %arg21: memref<!tpu.dma_semaphore, #tpu.memory_space<semaphore_mem>>, %arg22: memref<!tpu.dma_semaphore, #tpu.memory_space<semaphore_mem>>, %arg23: memref<!tpu.dma_semaphore, #tpu.memory_space<semaphore_mem>>, %arg24: memref<!tpu.dma_semaphore, #tpu.memory_space<semaphore_mem>>, %arg25: memref<!tpu.dma_semaphore, #tpu.memory_space<semaphore_mem>>) attributes {dimension_semantics = [#tpu.dimension_semantics<core_parallel>, #tpu.dimension_semantics<subcore_parallel>], iteration_bounds = array<i64: 2, 16>, scalar_prefetch = 0 : i64, scratch_operands = 18 : i64, tpu.core_type = #tpu.core_type<sc_vector_subcore>, window_params = [{transform_indices = #map}, {transform_indices = #map}, {transform_indices = #map1}, {transform_indices = #map2}, {transform_indices = #map2}, {transform_indices = #map3}]} {
    %mul3A = arith.constant 16 : i32
    %mul3A_0 = arith.muli %arg0, %mul3A : i32
    %add3A = arith.addi %mul3A_0, %arg1 : i32
    %mul3A_1 = arith.constant 3128 : i32
    %mul3A_2 = arith.muli %arg1, %mul3A_1 : i32
    %mul3A_3 = arith.constant 97 : i32
    %mul3A_4 = arith.muli %add3A, %mul3A_3 : i32
    %min3A = arith.constant 26 : i32
    %min3A_5 = arith.minsi %add3A, %min3A : i32
    %add3A_6 = arith.addi %mul3A_4, %min3A_5 : i32
    %lt3A = arith.constant 26 : i32
    %lt3A_7 = arith.cmpi slt, %add3A, %lt3A : i32
    %jit3A = arith.constant 98 : i32
    %jit3A_8 = arith.constant 97 : i32
    %select_n3A = arith.select %lt3A_7, %jit3A, %jit3A_8 : i32
    %iota3A = tpu.iota {dimensions = array<i32: 0>} : vector<16xi32>
    %broadcast_in_dim3A = arith.constant 0 : i32
    %broadcast_in_dim3A_9 = vector.broadcast %broadcast_in_dim3A : i32 to vector<16xi32>
    %scan3A = arith.constant 0 : i32
    %scan3A_10 = arith.constant 0 : i32
    %scan3A_11 = arith.constant 136 : i32
    %scan3A_12 = arith.addi %scan3A_10, %scan3A_11 : i32
    %scan3A_13 = arith.constant 1 : i32
    %scan3A_14 = scf.for %scan3A_106 = %scan3A_10 to %scan3A_12 step %scan3A_13 iter_args(%scan3A_107 = %scan3A) -> (i32)  : i32 {
      %broadcast_in_dim3A_108 = arith.constant 0.000000e+00 : f32
      %broadcast_in_dim3A_109 = vector.broadcast %broadcast_in_dim3A_108 : f32 to vector<16xf32>
      %swap3A = arith.index_cast %scan3A_106 : i32 to index
      %swap3A_110 = arith.constant 0 : index
      %swap3A_111 = tpu.vector_load %arg18[%swap3A, %swap3A_110] {strides = array<i32>} : memref<136x16xf32, #tpu.memory_space<vmem>>, vector<16xf32>,
      tpu.vector_store %arg18[%swap3A, %swap3A_110], %broadcast_in_dim3A_109 {strides = array<i32>} : memref<136x16xf32, #tpu.memory_space<vmem>>, vector<16xf32>,
      %scan3A_112 = arith.constant 0 : i32
      scf.yield %scan3A_112 : i32
    }
    %scan3A_15 = arith.constant 136 : i32
    %scan3A_16 = arith.constant 0 : i32
    %scan3A_17 = arith.constant 0 : i32
    %scan3A_18 = arith.constant 23 : i32
    %scan3A_19 = arith.addi %scan3A_17, %scan3A_18 : i32
    %scan3A_20 = arith.constant 1 : i32
    %scan3A_21 = scf.for %scan3A_106 = %scan3A_17 to %scan3A_19 step %scan3A_20 iter_args(%scan3A_107 = %scan3A_16) -> (i32)  : i32 {
      %mul3A_108 = arith.constant 136 : i32
      %mul3A_109 = arith.muli %scan3A_106, %mul3A_108 : i32
      %add3A_110 = arith.addi %mul3A_2, %mul3A_109 : i32
      "tpu.region"() ({
        %run_scoped3A_112 = tpu.sem_alloc : memref<!tpu.dma_semaphore, #tpu.memory_space<semaphore_mem>>
        %dma_start3A_113 = arith.constant 0 : i32
        %dma_start3A_114 = tpu.memref_slice %arg19[%add3A_110, %dma_start3A_113] : memref<50048x16xf32, #tpu.memory_space<vmem_shared>> -> memref<136x16xf32, #tpu.memory_space<vmem_shared>>
        %dma_start3A_115 = arith.constant 0 : i32
        %dma_start3A_116 = tpu.memref_slice %arg19[%add3A_110, %dma_start3A_115] : memref<50048x16xf32, #tpu.memory_space<vmem_shared>> -> memref<136x16xf32, #tpu.memory_space<vmem_shared>>
        tpu.enqueue_dma source(%arg18 : memref<136x16xf32, #tpu.memory_space<vmem>>) target(%dma_start3A_116 : memref<136x16xf32, #tpu.memory_space<vmem_shared>>) target_semaphore(%run_scoped3A_112 : memref<!tpu.dma_semaphore, #tpu.memory_space<semaphore_mem>>)
        %dma_wait3A = arith.constant 0 : i32
        %dma_wait3A_117 = tpu.memref_slice %arg19[%add3A_110, %dma_wait3A] : memref<50048x16xf32, #tpu.memory_space<vmem_shared>> -> memref<136x16xf32, #tpu.memory_space<vmem_shared>>
        %dma_wait3A_118 = arith.constant 0 : i32
        %dma_wait3A_119 = tpu.memref_slice %arg19[%add3A_110, %dma_wait3A_118] : memref<50048x16xf32, #tpu.memory_space<vmem_shared>> -> memref<136x16xf32, #tpu.memory_space<vmem_shared>>
        tpu.wait_dma2 semaphore(%run_scoped3A_112 : memref<!tpu.dma_semaphore, #tpu.memory_space<semaphore_mem>>) src(%arg18 : memref<136x16xf32, #tpu.memory_space<vmem>>) dst(%dma_wait3A_119 : memref<136x16xf32, #tpu.memory_space<vmem_shared>>)
        tpu.yield
      }) : () -> ()
      %scan3A_111 = arith.constant 0 : i32
      scf.yield %scan3A_111 : i32
    }
    %scan3A_22 = arith.constant 23 : i32
    %barrier3A = arith.constant 0 : index
    tpu.barrier barrier_id(%barrier3A)
    %add3A_23 = arith.constant 0 : i32
    %add3A_24 = arith.addi %add3A_6, %add3A_23 : i32
    %mul3A_25 = arith.constant 512 : i32
    %mul3A_26 = arith.muli %mul3A_25, %add3A_24 : i32
    "tpu.region"() ({
      %run_scoped3A_106 = tpu.sem_alloc : memref<!tpu.dma_semaphore, #tpu.memory_space<semaphore_mem>>
      %dma_start3A_107 = tpu.memref_slice %arg2[%mul3A_26] : memref<1602560xi32, #tpu.memory_space<hbm>> -> memref<512xi32, #tpu.memory_space<hbm>>
      %dma_start3A_108 = tpu.memref_slice %arg2[%mul3A_26] : memref<1602560xi32, #tpu.memory_space<hbm>> -> memref<512xi32, #tpu.memory_space<hbm>>
      tpu.enqueue_dma source(%dma_start3A_108 : memref<512xi32, #tpu.memory_space<hbm>>) target(%arg8 : memref<512xi32, #tpu.memory_space<vmem>>) target_semaphore(%run_scoped3A_106 : memref<!tpu.dma_semaphore, #tpu.memory_space<semaphore_mem>>)
      %dma_wait3A = tpu.memref_slice %arg2[%mul3A_26] : memref<1602560xi32, #tpu.memory_space<hbm>> -> memref<512xi32, #tpu.memory_space<hbm>>
      %dma_wait3A_109 = tpu.memref_slice %arg2[%mul3A_26] : memref<1602560xi32, #tpu.memory_space<hbm>> -> memref<512xi32, #tpu.memory_space<hbm>>
      tpu.wait_dma2 semaphore(%run_scoped3A_106 : memref<!tpu.dma_semaphore, #tpu.memory_space<semaphore_mem>>) src(%dma_wait3A_109 : memref<512xi32, #tpu.memory_space<hbm>>) dst(%arg8 : memref<512xi32, #tpu.memory_space<vmem>>)
      tpu.yield
    }) : () -> ()
    %mul3A_27 = arith.constant 512 : i32
    %mul3A_28 = arith.muli %mul3A_27, %add3A_24 : i32
    "tpu.region"() ({
      %run_scoped3A_106 = tpu.sem_alloc : memref<!tpu.dma_semaphore, #tpu.memory_space<semaphore_mem>>
      %dma_start3A_107 = tpu.memref_slice %arg3[%mul3A_28] : memref<1602560xi32, #tpu.memory_space<hbm>> -> memref<512xi32, #tpu.memory_space<hbm>>
      %dma_start3A_108 = tpu.memref_slice %arg3[%mul3A_28] : memref<1602560xi32, #tpu.memory_space<hbm>> -> memref<512xi32, #tpu.memory_space<hbm>>
      tpu.enqueue_dma source(%dma_start3A_108 : memref<512xi32, #tpu.memory_space<hbm>>) target(%arg9 : memref<512xi32, #tpu.memory_space<vmem>>) target_semaphore(%run_scoped3A_106 : memref<!tpu.dma_semaphore, #tpu.memory_space<semaphore_mem>>)
      %dma_wait3A = tpu.memref_slice %arg3[%mul3A_28] : memref<1602560xi32, #tpu.memory_space<hbm>> -> memref<512xi32, #tpu.memory_space<hbm>>
      %dma_wait3A_109 = tpu.memref_slice %arg3[%mul3A_28] : memref<1602560xi32, #tpu.memory_space<hbm>> -> memref<512xi32, #tpu.memory_space<hbm>>
      tpu.wait_dma2 semaphore(%run_scoped3A_106 : memref<!tpu.dma_semaphore, #tpu.memory_space<semaphore_mem>>) src(%dma_wait3A_109 : memref<512xi32, #tpu.memory_space<hbm>>) dst(%arg9 : memref<512xi32, #tpu.memory_space<vmem>>)
      tpu.yield
    }) : () -> ()
    %mul3A_29 = arith.constant 4 : i32
    %mul3A_30 = arith.muli %mul3A_29, %add3A_24 : i32
    %dma_start3A = arith.constant 0 : i32
    %dma_start3A_31 = arith.constant 0 : i32
    %dma_start3A_32 = tpu.memref_slice %arg4[%mul3A_30, %dma_start3A, %dma_start3A_31] : memref<12520x32x128xf32, #tpu.memory_space<hbm>> -> memref<4x16x128xf32, #tpu.memory_space<hbm>>
    %dma_start3A_33 = arith.constant 0 : i32
    %dma_start3A_34 = arith.constant 0 : i32
    %dma_start3A_35 = tpu.memref_slice %arg4[%mul3A_30, %dma_start3A_33, %dma_start3A_34] : memref<12520x32x128xf32, #tpu.memory_space<hbm>> -> memref<4x16x128xf32, #tpu.memory_space<hbm>>
    tpu.enqueue_dma source(%dma_start3A_35 : memref<4x16x128xf32, #tpu.memory_space<hbm>>) target(%arg10 : memref<4x16x128xf32, #tpu.memory_space<vmem>>) target_semaphore(%arg21 : memref<!tpu.dma_semaphore, #tpu.memory_space<semaphore_mem>>)
    %dma_start3A_36 = arith.constant 0 : i32
    %dma_start3A_37 = arith.constant 0 : i32
    %dma_start3A_38 = tpu.memref_slice %arg5[%dma_start3A_36, %dma_start3A_37] : memref<50000x16xf32, #tpu.memory_space<hbm>> -> memref<50000x16xf32, #tpu.memory_space<hbm>>
    tpu.enqueue_indirect_dma source(%dma_start3A_38 : memref<50000x16xf32, #tpu.memory_space<hbm>>) target(%arg11 : memref<512x16xf32, #tpu.memory_space<vmem>>) offsets(%arg8 : memref<512xi32, #tpu.memory_space<vmem>>) semaphore(%arg20 : memref<!tpu.dma_semaphore, #tpu.memory_space<semaphore_mem>>)
    %gt3A = arith.constant 1 : i32
    %gt3A_39 = arith.cmpi sgt, %select_n3A, %gt3A : i32
    %convert_element_type3A = arith.extui %gt3A_39 : i1 to i32
    %cond3A = arith.constant 0 : i32
    %cond3A_40 = arith.cmpi ne, %convert_element_type3A, %cond3A : i32
    scf.if %cond3A_40 {
      %add3A_106 = arith.constant 1 : i32
      %add3A_107 = arith.addi %add3A_6, %add3A_106 : i32
      %mul3A_108 = arith.constant 512 : i32
      %mul3A_109 = arith.muli %mul3A_108, %add3A_107 : i32
      "tpu.region"() ({
        %run_scoped3A_123 = tpu.sem_alloc : memref<!tpu.dma_semaphore, #tpu.memory_space<semaphore_mem>>
        %dma_start3A_124 = tpu.memref_slice %arg2[%mul3A_109] : memref<1602560xi32, #tpu.memory_space<hbm>> -> memref<512xi32, #tpu.memory_space<hbm>>
        %dma_start3A_125 = tpu.memref_slice %arg2[%mul3A_109] : memref<1602560xi32, #tpu.memory_space<hbm>> -> memref<512xi32, #tpu.memory_space<hbm>>
        tpu.enqueue_dma source(%dma_start3A_125 : memref<512xi32, #tpu.memory_space<hbm>>) target(%arg13 : memref<512xi32, #tpu.memory_space<vmem>>) target_semaphore(%run_scoped3A_123 : memref<!tpu.dma_semaphore, #tpu.memory_space<semaphore_mem>>)
        %dma_wait3A = tpu.memref_slice %arg2[%mul3A_109] : memref<1602560xi32, #tpu.memory_space<hbm>> -> memref<512xi32, #tpu.memory_space<hbm>>
        %dma_wait3A_126 = tpu.memref_slice %arg2[%mul3A_109] : memref<1602560xi32, #tpu.memory_space<hbm>> -> memref<512xi32, #tpu.memory_space<hbm>>
        tpu.wait_dma2 semaphore(%run_scoped3A_123 : memref<!tpu.dma_semaphore, #tpu.memory_space<semaphore_mem>>) src(%dma_wait3A_126 : memref<512xi32, #tpu.memory_space<hbm>>) dst(%arg13 : memref<512xi32, #tpu.memory_space<vmem>>)
        tpu.yield
      }) : () -> ()
      %mul3A_110 = arith.constant 512 : i32
      %mul3A_111 = arith.muli %mul3A_110, %add3A_107 : i32
      "tpu.region"() ({
        %run_scoped3A_123 = tpu.sem_alloc : memref<!tpu.dma_semaphore, #tpu.memory_space<semaphore_mem>>
        %dma_start3A_124 = tpu.memref_slice %arg3[%mul3A_111] : memref<1602560xi32, #tpu.memory_space<hbm>> -> memref<512xi32, #tpu.memory_space<hbm>>
        %dma_start3A_125 = tpu.memref_slice %arg3[%mul3A_111] : memref<1602560xi32, #tpu.memory_space<hbm>> -> memref<512xi32, #tpu.memory_space<hbm>>
        tpu.enqueue_dma source(%dma_start3A_125 : memref<512xi32, #tpu.memory_space<hbm>>) target(%arg14 : memref<512xi32, #tpu.memory_space<vmem>>) target_semaphore(%run_scoped3A_123 : memref<!tpu.dma_semaphore, #tpu.memory_space<semaphore_mem>>)
        %dma_wait3A = tpu.memref_slice %arg3[%mul3A_111] : memref<1602560xi32, #tpu.memory_space<hbm>> -> memref<512xi32, #tpu.memory_space<hbm>>
        %dma_wait3A_126 = tpu.memref_slice %arg3[%mul3A_111] : memref<1602560xi32, #tpu.memory_space<hbm>> -> memref<512xi32, #tpu.memory_space<hbm>>
        tpu.wait_dma2 semaphore(%run_scoped3A_123 : memref<!tpu.dma_semaphore, #tpu.memory_space<semaphore_mem>>) src(%dma_wait3A_126 : memref<512xi32, #tpu.memory_space<hbm>>) dst(%arg14 : memref<512xi32, #tpu.memory_space<vmem>>)
        tpu.yield
      }) : () -> ()
      %mul3A_112 = arith.constant 4 : i32
      %mul3A_113 = arith.muli %mul3A_112, %add3A_107 : i32
      %dma_start3A_114 = arith.constant 0 : i32
      %dma_start3A_115 = arith.constant 0 : i32
      %dma_start3A_116 = tpu.memref_slice %arg4[%mul3A_113, %dma_start3A_114, %dma_start3A_115] : memref<12520x32x128xf32, #tpu.memory_space<hbm>> -> memref<4x16x128xf32, #tpu.memory_space<hbm>>
      %dma_start3A_117 = arith.constant 0 : i32
      %dma_start3A_118 = arith.constant 0 : i32
      %dma_start3A_119 = tpu.memref_slice %arg4[%mul3A_113, %dma_start3A_117, %dma_start3A_118] : memref<12520x32x128xf32, #tpu.memory_space<hbm>> -> memref<4x16x128xf32, #tpu.memory_space<hbm>>
      tpu.enqueue_dma source(%dma_start3A_119 : memref<4x16x128xf32, #tpu.memory_space<hbm>>) target(%arg15 : memref<4x16x128xf32, #tpu.memory_space<vmem>>) target_semaphore(%arg24 : memref<!tpu.dma_semaphore, #tpu.memory_space<semaphore_mem>>)
      %dma_start3A_120 = arith.constant 0 : i32
      %dma_start3A_121 = arith.constant 0 : i32
      %dma_start3A_122 = tpu.memref_slice %arg5[%dma_start3A_120, %dma_start3A_121] : memref<50000x16xf32, #tpu.memory_space<hbm>> -> memref<50000x16xf32, #tpu.memory_space<hbm>>
      tpu.enqueue_indirect_dma source(%dma_start3A_122 : memref<50000x16xf32, #tpu.memory_space<hbm>>) target(%arg16 : memref<512x16xf32, #tpu.memory_space<vmem>>) offsets(%arg13 : memref<512xi32, #tpu.memory_space<vmem>>) semaphore(%arg23 : memref<!tpu.dma_semaphore, #tpu.memory_space<semaphore_mem>>)
    } else {
    }
    %while3A = arith.constant 0 : i32
    %while3A_41 = arith.constant 0 : i32
    %while3A_42 = arith.subi %select_n3A, %while3A : i32
    %while3A_43 = arith.addi %while3A, %while3A_42 : i32
    %while3A_44 = arith.constant 1 : i32
    %while3A_45 = arith.divsi %while3A_42, %while3A_44 : i32
    %while3A_46 = arith.muli %while3A_45, %while3A_44 : i32
    %while3A_47 = arith.addi %while3A, %while3A_46 : i32
    %while3A_48 = arith.constant 1 : i32
    %while3A_49 = scf.for %while3A_106 = %while3A to %while3A_47 step %while3A_48 iter_args(%while3A_107 = %while3A_41) -> (i32)  : i32 {
      %and3A = arith.constant 1 : i32
      %and3A_108 = arith.andi %while3A_106, %and3A : i32
      %eq3A = arith.constant 0 : i32
      %eq3A_109 = arith.cmpi eq, %and3A_108, %eq3A : i32
      %convert_element_type3A_110 = arith.extui %eq3A_109 : i1 to i32
      %cond3A_111 = arith.constant 0 : i32
      %cond3A_112 = arith.cmpi ne, %convert_element_type3A_110, %cond3A_111 : i32
      scf.if %cond3A_112 {
        %dma_wait3A = arith.constant 0 : i32
        %dma_wait3A_121 = arith.constant 0 : i32
        %dma_wait3A_122 = arith.constant 0 : i32
        %dma_wait3A_123 = tpu.memref_slice %arg4[%dma_wait3A, %dma_wait3A_121, %dma_wait3A_122] : memref<12520x32x128xf32, #tpu.memory_space<hbm>> -> memref<4x16x128xf32, #tpu.memory_space<hbm>>
        %dma_wait3A_124 = arith.constant 0 : i32
        %dma_wait3A_125 = arith.constant 0 : i32
        %dma_wait3A_126 = arith.constant 0 : i32
        %dma_wait3A_127 = tpu.memref_slice %arg4[%dma_wait3A_124, %dma_wait3A_125, %dma_wait3A_126] : memref<12520x32x128xf32, #tpu.memory_space<hbm>> -> memref<4x16x128xf32, #tpu.memory_space<hbm>>
        tpu.wait_dma2 semaphore(%arg21 : memref<!tpu.dma_semaphore, #tpu.memory_space<semaphore_mem>>) src(%dma_wait3A_127 : memref<4x16x128xf32, #tpu.memory_space<hbm>>) dst(%arg10 : memref<4x16x128xf32, #tpu.memory_space<vmem>>)
        %dma_wait3A_128 = arith.constant 0 : i32
        %dma_wait3A_129 = arith.constant 0 : i32
        %dma_wait3A_130 = tpu.memref_slice %arg5[%dma_wait3A_128, %dma_wait3A_129] : memref<50000x16xf32, #tpu.memory_space<hbm>> -> memref<512x16xf32, #tpu.memory_space<hbm>>
        %dma_wait3A_131 = arith.constant 0 : i32
        %dma_wait3A_132 = arith.constant 0 : i32
        %dma_wait3A_133 = tpu.memref_slice %arg5[%dma_wait3A_131, %dma_wait3A_132] : memref<50000x16xf32, #tpu.memory_space<hbm>> -> memref<512x16xf32, #tpu.memory_space<hbm>>
        tpu.wait_dma2 semaphore(%arg20 : memref<!tpu.dma_semaphore, #tpu.memory_space<semaphore_mem>>) src(%dma_wait3A_133 : memref<512x16xf32, #tpu.memory_space<hbm>>) dst(%arg11 : memref<512x16xf32, #tpu.memory_space<vmem>>)
        %scan3A_134 = arith.constant 0 : i32
        %scan3A_135 = arith.constant 0 : i32
        %scan3A_136 = arith.constant 64 : i32
        %scan3A_137 = arith.addi %scan3A_135, %scan3A_136 : i32
        %scan3A_138 = arith.constant 1 : i32
        %scan3A_139 = scf.for %scan3A_153 = %scan3A_135 to %scan3A_137 step %scan3A_138 iter_args(%scan3A_154 = %scan3A_134) -> (i32)  : i32 {
          %shift_right_logical3A = arith.constant 4 : i32
          %shift_right_logical3A_155 = arith.shrui %scan3A_153, %shift_right_logical3A : i32
          %add3A_156 = vector.broadcast %shift_right_logical3A_155 : i32 to vector<16xi32>
          %add3A_157 = arith.addi %broadcast_in_dim3A_9, %add3A_156 : vector<16xi32>
          %and3A_158 = arith.constant 15 : i32
          %and3A_159 = arith.andi %scan3A_153, %and3A_158 : i32
          %mul3A_160 = arith.constant 8 : i32
          %mul3A_161 = arith.muli %and3A_159, %mul3A_160 : i32
          %mul3A_162 = arith.constant 8 : i32
          %mul3A_163 = arith.muli %scan3A_153, %mul3A_162 : i32
          %add3A_164 = arith.constant 0 : i32
          %add3A_165 = arith.addi %mul3A_161, %add3A_164 : i32
          %add3A_166 = vector.broadcast %add3A_165 : i32 to vector<16xi32>
          %add3A_167 = arith.addi %broadcast_in_dim3A_9, %add3A_166 : vector<16xi32>
          %gather3A = tpu.vector_load_idx %arg10[%add3A_157, %iota3A, %add3A_167] : memref<4x16x128xf32, #tpu.memory_space<vmem>>[vector<16xi32>, vector<16xi32>, vector<16xi32>], vector<16xf32>,
          %add3A_168 = arith.constant 0 : i32
          %add3A_169 = arith.addi %mul3A_163, %add3A_168 : i32
          %get3A = arith.index_cast %add3A_169 : i32 to index
          %get3A_170 = arith.constant 0 : index
          %get3A_171 = tpu.vector_load %arg11[%get3A, %get3A_170] {strides = array<i32>} : memref<512x16xf32, #tpu.memory_space<vmem>>, vector<16xf32>,
          %add3A_172 = arith.addf %get3A_171, %gather3A : vector<16xf32>
          %max3A = arith.constant 0.000000e+00 : f32
          %max3A_173 = vector.broadcast %max3A : f32 to vector<16xf32>
          %max3A_174 = arith.maximumf %add3A_172, %max3A_173 : vector<16xf32>
          %add3A_175 = arith.constant 1 : i32
          %add3A_176 = arith.addi %mul3A_161, %add3A_175 : i32
          %add3A_177 = vector.broadcast %add3A_176 : i32 to vector<16xi32>
          %add3A_178 = arith.addi %broadcast_in_dim3A_9, %add3A_177 : vector<16xi32>
          %gather3A_179 = tpu.vector_load_idx %arg10[%add3A_157, %iota3A, %add3A_178] : memref<4x16x128xf32, #tpu.memory_space<vmem>>[vector<16xi32>, vector<16xi32>, vector<16xi32>], vector<16xf32>,
          %add3A_180 = arith.constant 1 : i32
          %add3A_181 = arith.addi %mul3A_163, %add3A_180 : i32
          %get3A_182 = arith.index_cast %add3A_181 : i32 to index
          %get3A_183 = arith.constant 0 : index
          %get3A_184 = tpu.vector_load %arg11[%get3A_182, %get3A_183] {strides = array<i32>} : memref<512x16xf32, #tpu.memory_space<vmem>>, vector<16xf32>,
          %add3A_185 = arith.addf %get3A_184, %gather3A_179 : vector<16xf32>
          %max3A_186 = arith.constant 0.000000e+00 : f32
          %max3A_187 = vector.broadcast %max3A_186 : f32 to vector<16xf32>
          %max3A_188 = arith.maximumf %add3A_185, %max3A_187 : vector<16xf32>
          %add3A_189 = arith.constant 2 : i32
          %add3A_190 = arith.addi %mul3A_161, %add3A_189 : i32
          %add3A_191 = vector.broadcast %add3A_190 : i32 to vector<16xi32>
          %add3A_192 = arith.addi %broadcast_in_dim3A_9, %add3A_191 : vector<16xi32>
          %gather3A_193 = tpu.vector_load_idx %arg10[%add3A_157, %iota3A, %add3A_192] : memref<4x16x128xf32, #tpu.memory_space<vmem>>[vector<16xi32>, vector<16xi32>, vector<16xi32>], vector<16xf32>,
          %add3A_194 = arith.constant 2 : i32
          %add3A_195 = arith.addi %mul3A_163, %add3A_194 : i32
          %get3A_196 = arith.index_cast %add3A_195 : i32 to index
          %get3A_197 = arith.constant 0 : index
          %get3A_198 = tpu.vector_load %arg11[%get3A_196, %get3A_197] {strides = array<i32>} : memref<512x16xf32, #tpu.memory_space<vmem>>, vector<16xf32>,
          %add3A_199 = arith.addf %get3A_198, %gather3A_193 : vector<16xf32>
          %max3A_200 = arith.constant 0.000000e+00 : f32
          %max3A_201 = vector.broadcast %max3A_200 : f32 to vector<16xf32>
          %max3A_202 = arith.maximumf %add3A_199, %max3A_201 : vector<16xf32>
          %add3A_203 = arith.constant 3 : i32
          %add3A_204 = arith.addi %mul3A_161, %add3A_203 : i32
          %add3A_205 = vector.broadcast %add3A_204 : i32 to vector<16xi32>
          %add3A_206 = arith.addi %broadcast_in_dim3A_9, %add3A_205 : vector<16xi32>
          %gather3A_207 = tpu.vector_load_idx %arg10[%add3A_157, %iota3A, %add3A_206] : memref<4x16x128xf32, #tpu.memory_space<vmem>>[vector<16xi32>, vector<16xi32>, vector<16xi32>], vector<16xf32>,
          %add3A_208 = arith.constant 3 : i32
          %add3A_209 = arith.addi %mul3A_163, %add3A_208 : i32
          %get3A_210 = arith.index_cast %add3A_209 : i32 to index
          %get3A_211 = arith.constant 0 : index
          %get3A_212 = tpu.vector_load %arg11[%get3A_210, %get3A_211] {strides = array<i32>} : memref<512x16xf32, #tpu.memory_space<vmem>>, vector<16xf32>,
          %add3A_213 = arith.addf %get3A_212, %gather3A_207 : vector<16xf32>
          %max3A_214 = arith.constant 0.000000e+00 : f32
          %max3A_215 = vector.broadcast %max3A_214 : f32 to vector<16xf32>
          %max3A_216 = arith.maximumf %add3A_213, %max3A_215 : vector<16xf32>
          %add3A_217 = arith.constant 4 : i32
          %add3A_218 = arith.addi %mul3A_161, %add3A_217 : i32
          %add3A_219 = vector.broadcast %add3A_218 : i32 to vector<16xi32>
          %add3A_220 = arith.addi %broadcast_in_dim3A_9, %add3A_219 : vector<16xi32>
          %gather3A_221 = tpu.vector_load_idx %arg10[%add3A_157, %iota3A, %add3A_220] : memref<4x16x128xf32, #tpu.memory_space<vmem>>[vector<16xi32>, vector<16xi32>, vector<16xi32>], vector<16xf32>,
          %add3A_222 = arith.constant 4 : i32
          %add3A_223 = arith.addi %mul3A_163, %add3A_222 : i32
          %get3A_224 = arith.index_cast %add3A_223 : i32 to index
          %get3A_225 = arith.constant 0 : index
          %get3A_226 = tpu.vector_load %arg11[%get3A_224, %get3A_225] {strides = array<i32>} : memref<512x16xf32, #tpu.memory_space<vmem>>, vector<16xf32>,
          %add3A_227 = arith.addf %get3A_226, %gather3A_221 : vector<16xf32>
          %max3A_228 = arith.constant 0.000000e+00 : f32
          %max3A_229 = vector.broadcast %max3A_228 : f32 to vector<16xf32>
          %max3A_230 = arith.maximumf %add3A_227, %max3A_229 : vector<16xf32>
          %add3A_231 = arith.constant 5 : i32
          %add3A_232 = arith.addi %mul3A_161, %add3A_231 : i32
          %add3A_233 = vector.broadcast %add3A_232 : i32 to vector<16xi32>
          %add3A_234 = arith.addi %broadcast_in_dim3A_9, %add3A_233 : vector<16xi32>
          %gather3A_235 = tpu.vector_load_idx %arg10[%add3A_157, %iota3A, %add3A_234] : memref<4x16x128xf32, #tpu.memory_space<vmem>>[vector<16xi32>, vector<16xi32>, vector<16xi32>], vector<16xf32>,
          %add3A_236 = arith.constant 5 : i32
          %add3A_237 = arith.addi %mul3A_163, %add3A_236 : i32
          %get3A_238 = arith.index_cast %add3A_237 : i32 to index
          %get3A_239 = arith.constant 0 : index
          %get3A_240 = tpu.vector_load %arg11[%get3A_238, %get3A_239] {strides = array<i32>} : memref<512x16xf32, #tpu.memory_space<vmem>>, vector<16xf32>,
          %add3A_241 = arith.addf %get3A_240, %gather3A_235 : vector<16xf32>
          %max3A_242 = arith.constant 0.000000e+00 : f32
          %max3A_243 = vector.broadcast %max3A_242 : f32 to vector<16xf32>
          %max3A_244 = arith.maximumf %add3A_241, %max3A_243 : vector<16xf32>
          %add3A_245 = arith.constant 6 : i32
          %add3A_246 = arith.addi %mul3A_161, %add3A_245 : i32
          %add3A_247 = vector.broadcast %add3A_246 : i32 to vector<16xi32>
          %add3A_248 = arith.addi %broadcast_in_dim3A_9, %add3A_247 : vector<16xi32>
          %gather3A_249 = tpu.vector_load_idx %arg10[%add3A_157, %iota3A, %add3A_248] : memref<4x16x128xf32, #tpu.memory_space<vmem>>[vector<16xi32>, vector<16xi32>, vector<16xi32>], vector<16xf32>,
          %add3A_250 = arith.constant 6 : i32
          %add3A_251 = arith.addi %mul3A_163, %add3A_250 : i32
          %get3A_252 = arith.index_cast %add3A_251 : i32 to index
          %get3A_253 = arith.constant 0 : index
          %get3A_254 = tpu.vector_load %arg11[%get3A_252, %get3A_253] {strides = array<i32>} : memref<512x16xf32, #tpu.memory_space<vmem>>, vector<16xf32>,
          %add3A_255 = arith.addf %get3A_254, %gather3A_249 : vector<16xf32>
          %max3A_256 = arith.constant 0.000000e+00 : f32
          %max3A_257 = vector.broadcast %max3A_256 : f32 to vector<16xf32>
          %max3A_258 = arith.maximumf %add3A_255, %max3A_257 : vector<16xf32>
          %add3A_259 = arith.constant 7 : i32
          %add3A_260 = arith.addi %mul3A_161, %add3A_259 : i32
          %add3A_261 = vector.broadcast %add3A_260 : i32 to vector<16xi32>
          %add3A_262 = arith.addi %broadcast_in_dim3A_9, %add3A_261 : vector<16xi32>
          %gather3A_263 = tpu.vector_load_idx %arg10[%add3A_157, %iota3A, %add3A_262] : memref<4x16x128xf32, #tpu.memory_space<vmem>>[vector<16xi32>, vector<16xi32>, vector<16xi32>], vector<16xf32>,
          %add3A_264 = arith.constant 7 : i32
          %add3A_265 = arith.addi %mul3A_163, %add3A_264 : i32
          %get3A_266 = arith.index_cast %add3A_265 : i32 to index
          %get3A_267 = arith.constant 0 : index
          %get3A_268 = tpu.vector_load %arg11[%get3A_266, %get3A_267] {strides = array<i32>} : memref<512x16xf32, #tpu.memory_space<vmem>>, vector<16xf32>,
          %add3A_269 = arith.addf %get3A_268, %gather3A_263 : vector<16xf32>
          %max3A_270 = arith.constant 0.000000e+00 : f32
          %max3A_271 = vector.broadcast %max3A_270 : f32 to vector<16xf32>
          %max3A_272 = arith.maximumf %add3A_269, %max3A_271 : vector<16xf32>
          %add3A_273 = arith.constant 0 : i32
          %add3A_274 = arith.addi %mul3A_163, %add3A_273 : i32
          %swap3A = arith.index_cast %add3A_274 : i32 to index
          %swap3A_275 = arith.constant 0 : index
          %swap3A_276 = tpu.vector_load %arg12[%swap3A, %swap3A_275] {strides = array<i32>} : memref<512x16xf32, #tpu.memory_space<vmem>>, vector<16xf32>,
          tpu.vector_store %arg12[%swap3A, %swap3A_275], %max3A_174 {strides = array<i32>} : memref<512x16xf32, #tpu.memory_space<vmem>>, vector<16xf32>,
          %add3A_277 = arith.constant 1 : i32
          %add3A_278 = arith.addi %mul3A_163, %add3A_277 : i32
          %swap3A_279 = arith.index_cast %add3A_278 : i32 to index
          %swap3A_280 = arith.constant 0 : index
          %swap3A_281 = tpu.vector_load %arg12[%swap3A_279, %swap3A_280] {strides = array<i32>} : memref<512x16xf32, #tpu.memory_space<vmem>>, vector<16xf32>,
          tpu.vector_store %arg12[%swap3A_279, %swap3A_280], %max3A_188 {strides = array<i32>} : memref<512x16xf32, #tpu.memory_space<vmem>>, vector<16xf32>,
          %add3A_282 = arith.constant 2 : i32
          %add3A_283 = arith.addi %mul3A_163, %add3A_282 : i32
          %swap3A_284 = arith.index_cast %add3A_283 : i32 to index
          %swap3A_285 = arith.constant 0 : index
          %swap3A_286 = tpu.vector_load %arg12[%swap3A_284, %swap3A_285] {strides = array<i32>} : memref<512x16xf32, #tpu.memory_space<vmem>>, vector<16xf32>,
          tpu.vector_store %arg12[%swap3A_284, %swap3A_285], %max3A_202 {strides = array<i32>} : memref<512x16xf32, #tpu.memory_space<vmem>>, vector<16xf32>,
          %add3A_287 = arith.constant 3 : i32
          %add3A_288 = arith.addi %mul3A_163, %add3A_287 : i32
          %swap3A_289 = arith.index_cast %add3A_288 : i32 to index
          %swap3A_290 = arith.constant 0 : index
          %swap3A_291 = tpu.vector_load %arg12[%swap3A_289, %swap3A_290] {strides = array<i32>} : memref<512x16xf32, #tpu.memory_space<vmem>>, vector<16xf32>,
          tpu.vector_store %arg12[%swap3A_289, %swap3A_290], %max3A_216 {strides = array<i32>} : memref<512x16xf32, #tpu.memory_space<vmem>>, vector<16xf32>,
          %add3A_292 = arith.constant 4 : i32
          %add3A_293 = arith.addi %mul3A_163, %add3A_292 : i32
          %swap3A_294 = arith.index_cast %add3A_293 : i32 to index
          %swap3A_295 = arith.constant 0 : index
          %swap3A_296 = tpu.vector_load %arg12[%swap3A_294, %swap3A_295] {strides = array<i32>} : memref<512x16xf32, #tpu.memory_space<vmem>>, vector<16xf32>,
          tpu.vector_store %arg12[%swap3A_294, %swap3A_295], %max3A_230 {strides = array<i32>} : memref<512x16xf32, #tpu.memory_space<vmem>>, vector<16xf32>,
          %add3A_297 = arith.constant 5 : i32
          %add3A_298 = arith.addi %mul3A_163, %add3A_297 : i32
          %swap3A_299 = arith.index_cast %add3A_298 : i32 to index
          %swap3A_300 = arith.constant 0 : index
          %swap3A_301 = tpu.vector_load %arg12[%swap3A_299, %swap3A_300] {strides = array<i32>} : memref<512x16xf32, #tpu.memory_space<vmem>>, vector<16xf32>,
          tpu.vector_store %arg12[%swap3A_299, %swap3A_300], %max3A_244 {strides = array<i32>} : memref<512x16xf32, #tpu.memory_space<vmem>>, vector<16xf32>,
          %add3A_302 = arith.constant 6 : i32
          %add3A_303 = arith.addi %mul3A_163, %add3A_302 : i32
          %swap3A_304 = arith.index_cast %add3A_303 : i32 to index
          %swap3A_305 = arith.constant 0 : index
          %swap3A_306 = tpu.vector_load %arg12[%swap3A_304, %swap3A_305] {strides = array<i32>} : memref<512x16xf32, #tpu.memory_space<vmem>>, vector<16xf32>,
          tpu.vector_store %arg12[%swap3A_304, %swap3A_305], %max3A_258 {strides = array<i32>} : memref<512x16xf32, #tpu.memory_space<vmem>>, vector<16xf32>,
          %add3A_307 = arith.constant 7 : i32
          %add3A_308 = arith.addi %mul3A_163, %add3A_307 : i32
          %swap3A_309 = arith.index_cast %add3A_308 : i32 to index
          %swap3A_310 = arith.constant 0 : index
          %swap3A_311 = tpu.vector_load %arg12[%swap3A_309, %swap3A_310] {strides = array<i32>} : memref<512x16xf32, #tpu.memory_space<vmem>>, vector<16xf32>,
          tpu.vector_store %arg12[%swap3A_309, %swap3A_310], %max3A_272 {strides = array<i32>} : memref<512x16xf32, #tpu.memory_space<vmem>>, vector<16xf32>,
          %scan3A_312 = arith.constant 0 : i32
          scf.yield %scan3A_312 : i32
        }
        %scan3A_140 = arith.constant 64 : i32
        %dma_start3A_141 = arith.constant 0 : i32
        %dma_start3A_142 = arith.constant 0 : i32
        %dma_start3A_143 = tpu.memref_slice %arg19[%dma_start3A_141, %dma_start3A_142] : memref<50048x16xf32, #tpu.memory_space<vmem_shared>> -> memref<50048x16xf32, #tpu.memory_space<vmem_shared>>
        tpu.enqueue_indirect_dma source(%arg12 : memref<512x16xf32, #tpu.memory_space<vmem>>) target(%dma_start3A_143 : memref<50048x16xf32, #tpu.memory_space<vmem_shared>>) offsets(%arg9 : memref<512xi32, #tpu.memory_space<vmem>>) semaphore(%arg22 : memref<!tpu.dma_semaphore, #tpu.memory_space<semaphore_mem>>) {add = true}
        %dma_wait3A_144 = arith.constant 0 : i32
        %dma_wait3A_145 = arith.constant 0 : i32
        %dma_wait3A_146 = tpu.memref_slice %arg19[%dma_wait3A_144, %dma_wait3A_145] : memref<50048x16xf32, #tpu.memory_space<vmem_shared>> -> memref<50048x16xf32, #tpu.memory_space<vmem_shared>>
        tpu.wait_indirect_dma semaphore(%arg22 : memref<!tpu.dma_semaphore, #tpu.memory_space<semaphore_mem>>) src(%arg12 : memref<512x16xf32, #tpu.memory_space<vmem>>) dst(%dma_wait3A_146 : memref<50048x16xf32, #tpu.memory_space<vmem_shared>>)
        %add3A_147 = arith.constant 2 : i32
        %add3A_148 = arith.addi %while3A_106, %add3A_147 : i32
        %lt3A_149 = arith.cmpi slt, %add3A_148, %select_n3A : i32
        %convert_element_type3A_150 = arith.extui %lt3A_149 : i1 to i32
        %cond3A_151 = arith.constant 0 : i32
        %cond3A_152 = arith.cmpi ne, %convert_element_type3A_150, %cond3A_151 : i32
        scf.if %cond3A_152 {
          %add3A_153 = arith.constant 2 : i32
          %add3A_154 = arith.addi %while3A_106, %add3A_153 : i32
          %add3A_155 = arith.addi %add3A_6, %add3A_154 : i32
          %mul3A_156 = arith.constant 512 : i32
          %mul3A_157 = arith.muli %mul3A_156, %add3A_155 : i32
          "tpu.region"() ({
            %run_scoped3A_171 = tpu.sem_alloc : memref<!tpu.dma_semaphore, #tpu.memory_space<semaphore_mem>>
            %dma_start3A_172 = tpu.memref_slice %arg2[%mul3A_157] : memref<1602560xi32, #tpu.memory_space<hbm>> -> memref<512xi32, #tpu.memory_space<hbm>>
            %dma_start3A_173 = tpu.memref_slice %arg2[%mul3A_157] : memref<1602560xi32, #tpu.memory_space<hbm>> -> memref<512xi32, #tpu.memory_space<hbm>>
            tpu.enqueue_dma source(%dma_start3A_173 : memref<512xi32, #tpu.memory_space<hbm>>) target(%arg8 : memref<512xi32, #tpu.memory_space<vmem>>) target_semaphore(%run_scoped3A_171 : memref<!tpu.dma_semaphore, #tpu.memory_space<semaphore_mem>>)
            %dma_wait3A_174 = tpu.memref_slice %arg2[%mul3A_157] : memref<1602560xi32, #tpu.memory_space<hbm>> -> memref<512xi32, #tpu.memory_space<hbm>>
            %dma_wait3A_175 = tpu.memref_slice %arg2[%mul3A_157] : memref<1602560xi32, #tpu.memory_space<hbm>> -> memref<512xi32, #tpu.memory_space<hbm>>
            tpu.wait_dma2 semaphore(%run_scoped3A_171 : memref<!tpu.dma_semaphore, #tpu.memory_space<semaphore_mem>>) src(%dma_wait3A_175 : memref<512xi32, #tpu.memory_space<hbm>>) dst(%arg8 : memref<512xi32, #tpu.memory_space<vmem>>)
            tpu.yield
          }) : () -> ()
          %mul3A_158 = arith.constant 512 : i32
          %mul3A_159 = arith.muli %mul3A_158, %add3A_155 : i32
          "tpu.region"() ({
            %run_scoped3A_171 = tpu.sem_alloc : memref<!tpu.dma_semaphore, #tpu.memory_space<semaphore_mem>>
            %dma_start3A_172 = tpu.memref_slice %arg3[%mul3A_159] : memref<1602560xi32, #tpu.memory_space<hbm>> -> memref<512xi32, #tpu.memory_space<hbm>>
            %dma_start3A_173 = tpu.memref_slice %arg3[%mul3A_159] : memref<1602560xi32, #tpu.memory_space<hbm>> -> memref<512xi32, #tpu.memory_space<hbm>>
            tpu.enqueue_dma source(%dma_start3A_173 : memref<512xi32, #tpu.memory_space<hbm>>) target(%arg9 : memref<512xi32, #tpu.memory_space<vmem>>) target_semaphore(%run_scoped3A_171 : memref<!tpu.dma_semaphore, #tpu.memory_space<semaphore_mem>>)
            %dma_wait3A_174 = tpu.memref_slice %arg3[%mul3A_159] : memref<1602560xi32, #tpu.memory_space<hbm>> -> memref<512xi32, #tpu.memory_space<hbm>>
            %dma_wait3A_175 = tpu.memref_slice %arg3[%mul3A_159] : memref<1602560xi32, #tpu.memory_space<hbm>> -> memref<512xi32, #tpu.memory_space<hbm>>
            tpu.wait_dma2 semaphore(%run_scoped3A_171 : memref<!tpu.dma_semaphore, #tpu.memory_space<semaphore_mem>>) src(%dma_wait3A_175 : memref<512xi32, #tpu.memory_space<hbm>>) dst(%arg9 : memref<512xi32, #tpu.memory_space<vmem>>)
            tpu.yield
          }) : () -> ()
          %mul3A_160 = arith.constant 4 : i32
          %mul3A_161 = arith.muli %mul3A_160, %add3A_155 : i32
          %dma_start3A_162 = arith.constant 0 : i32
          %dma_start3A_163 = arith.constant 0 : i32
          %dma_start3A_164 = tpu.memref_slice %arg4[%mul3A_161, %dma_start3A_162, %dma_start3A_163] : memref<12520x32x128xf32, #tpu.memory_space<hbm>> -> memref<4x16x128xf32, #tpu.memory_space<hbm>>
          %dma_start3A_165 = arith.constant 0 : i32
          %dma_start3A_166 = arith.constant 0 : i32
          %dma_start3A_167 = tpu.memref_slice %arg4[%mul3A_161, %dma_start3A_165, %dma_start3A_166] : memref<12520x32x128xf32, #tpu.memory_space<hbm>> -> memref<4x16x128xf32, #tpu.memory_space<hbm>>
          tpu.enqueue_dma source(%dma_start3A_167 : memref<4x16x128xf32, #tpu.memory_space<hbm>>) target(%arg10 : memref<4x16x128xf32, #tpu.memory_space<vmem>>) target_semaphore(%arg21 : memref<!tpu.dma_semaphore, #tpu.memory_space<semaphore_mem>>)
          %dma_start3A_168 = arith.constant 0 : i32
          %dma_start3A_169 = arith.constant 0 : i32
          %dma_start3A_170 = tpu.memref_slice %arg5[%dma_start3A_168, %dma_start3A_169] : memref<50000x16xf32, #tpu.memory_space<hbm>> -> memref<50000x16xf32, #tpu.memory_space<hbm>>
          tpu.enqueue_indirect_dma source(%dma_start3A_170 : memref<50000x16xf32, #tpu.memory_space<hbm>>) target(%arg11 : memref<512x16xf32, #tpu.memory_space<vmem>>) offsets(%arg8 : memref<512xi32, #tpu.memory_space<vmem>>) semaphore(%arg20 : memref<!tpu.dma_semaphore, #tpu.memory_space<semaphore_mem>>)
        } else {
        }
      } else {
      }
      %and3A_113 = arith.constant 1 : i32
      %and3A_114 = arith.andi %while3A_106, %and3A_113 : i32
      %eq3A_115 = arith.constant 1 : i32
      %eq3A_116 = arith.cmpi eq, %and3A_114, %eq3A_115 : i32
      %convert_element_type3A_117 = arith.extui %eq3A_116 : i1 to i32
      %cond3A_118 = arith.constant 0 : i32
      %cond3A_119 = arith.cmpi ne, %convert_element_type3A_117, %cond3A_118 : i32
      scf.if %cond3A_119 {
        %dma_wait3A = arith.constant 0 : i32
        %dma_wait3A_121 = arith.constant 0 : i32
        %dma_wait3A_122 = arith.constant 0 : i32
        %dma_wait3A_123 = tpu.memref_slice %arg4[%dma_wait3A, %dma_wait3A_121, %dma_wait3A_122] : memref<12520x32x128xf32, #tpu.memory_space<hbm>> -> memref<4x16x128xf32, #tpu.memory_space<hbm>>
        %dma_wait3A_124 = arith.constant 0 : i32
        %dma_wait3A_125 = arith.constant 0 : i32
        %dma_wait3A_126 = arith.constant 0 : i32
        %dma_wait3A_127 = tpu.memref_slice %arg4[%dma_wait3A_124, %dma_wait3A_125, %dma_wait3A_126] : memref<12520x32x128xf32, #tpu.memory_space<hbm>> -> memref<4x16x128xf32, #tpu.memory_space<hbm>>
        tpu.wait_dma2 semaphore(%arg24 : memref<!tpu.dma_semaphore, #tpu.memory_space<semaphore_mem>>) src(%dma_wait3A_127 : memref<4x16x128xf32, #tpu.memory_space<hbm>>) dst(%arg15 : memref<4x16x128xf32, #tpu.memory_space<vmem>>)
        %dma_wait3A_128 = arith.constant 0 : i32
        %dma_wait3A_129 = arith.constant 0 : i32
        %dma_wait3A_130 = tpu.memref_slice %arg5[%dma_wait3A_128, %dma_wait3A_129] : memref<50000x16xf32, #tpu.memory_space<hbm>> -> memref<512x16xf32, #tpu.memory_space<hbm>>
        %dma_wait3A_131 = arith.constant 0 : i32
        %dma_wait3A_132 = arith.constant 0 : i32
        %dma_wait3A_133 = tpu.memref_slice %arg5[%dma_wait3A_131, %dma_wait3A_132] : memref<50000x16xf32, #tpu.memory_space<hbm>> -> memref<512x16xf32, #tpu.memory_space<hbm>>
        tpu.wait_dma2 semaphore(%arg23 : memref<!tpu.dma_semaphore, #tpu.memory_space<semaphore_mem>>) src(%dma_wait3A_133 : memref<512x16xf32, #tpu.memory_space<hbm>>) dst(%arg16 : memref<512x16xf32, #tpu.memory_space<vmem>>)
        %scan3A_134 = arith.constant 0 : i32
        %scan3A_135 = arith.constant 0 : i32
        %scan3A_136 = arith.constant 64 : i32
        %scan3A_137 = arith.addi %scan3A_135, %scan3A_136 : i32
        %scan3A_138 = arith.constant 1 : i32
        %scan3A_139 = scf.for %scan3A_153 = %scan3A_135 to %scan3A_137 step %scan3A_138 iter_args(%scan3A_154 = %scan3A_134) -> (i32)  : i32 {
          %shift_right_logical3A = arith.constant 4 : i32
          %shift_right_logical3A_155 = arith.shrui %scan3A_153, %shift_right_logical3A : i32
          %add3A_156 = vector.broadcast %shift_right_logical3A_155 : i32 to vector<16xi32>
          %add3A_157 = arith.addi %broadcast_in_dim3A_9, %add3A_156 : vector<16xi32>
          %and3A_158 = arith.constant 15 : i32
          %and3A_159 = arith.andi %scan3A_153, %and3A_158 : i32
          %mul3A_160 = arith.constant 8 : i32
          %mul3A_161 = arith.muli %and3A_159, %mul3A_160 : i32
          %mul3A_162 = arith.constant 8 : i32
          %mul3A_163 = arith.muli %scan3A_153, %mul3A_162 : i32
          %add3A_164 = arith.constant 0 : i32
          %add3A_165 = arith.addi %mul3A_161, %add3A_164 : i32
          %add3A_166 = vector.broadcast %add3A_165 : i32 to vector<16xi32>
          %add3A_167 = arith.addi %broadcast_in_dim3A_9, %add3A_166 : vector<16xi32>
          %gather3A = tpu.vector_load_idx %arg15[%add3A_157, %iota3A, %add3A_167] : memref<4x16x128xf32, #tpu.memory_space<vmem>>[vector<16xi32>, vector<16xi32>, vector<16xi32>], vector<16xf32>,
          %add3A_168 = arith.constant 0 : i32
          %add3A_169 = arith.addi %mul3A_163, %add3A_168 : i32
          %get3A = arith.index_cast %add3A_169 : i32 to index
          %get3A_170 = arith.constant 0 : index
          %get3A_171 = tpu.vector_load %arg16[%get3A, %get3A_170] {strides = array<i32>} : memref<512x16xf32, #tpu.memory_space<vmem>>, vector<16xf32>,
          %add3A_172 = arith.addf %get3A_171, %gather3A : vector<16xf32>
          %max3A = arith.constant 0.000000e+00 : f32
          %max3A_173 = vector.broadcast %max3A : f32 to vector<16xf32>
          %max3A_174 = arith.maximumf %add3A_172, %max3A_173 : vector<16xf32>
          %add3A_175 = arith.constant 1 : i32
          %add3A_176 = arith.addi %mul3A_161, %add3A_175 : i32
          %add3A_177 = vector.broadcast %add3A_176 : i32 to vector<16xi32>
          %add3A_178 = arith.addi %broadcast_in_dim3A_9, %add3A_177 : vector<16xi32>
          %gather3A_179 = tpu.vector_load_idx %arg15[%add3A_157, %iota3A, %add3A_178] : memref<4x16x128xf32, #tpu.memory_space<vmem>>[vector<16xi32>, vector<16xi32>, vector<16xi32>], vector<16xf32>,
          %add3A_180 = arith.constant 1 : i32
          %add3A_181 = arith.addi %mul3A_163, %add3A_180 : i32
          %get3A_182 = arith.index_cast %add3A_181 : i32 to index
          %get3A_183 = arith.constant 0 : index
          %get3A_184 = tpu.vector_load %arg16[%get3A_182, %get3A_183] {strides = array<i32>} : memref<512x16xf32, #tpu.memory_space<vmem>>, vector<16xf32>,
          %add3A_185 = arith.addf %get3A_184, %gather3A_179 : vector<16xf32>
          %max3A_186 = arith.constant 0.000000e+00 : f32
          %max3A_187 = vector.broadcast %max3A_186 : f32 to vector<16xf32>
          %max3A_188 = arith.maximumf %add3A_185, %max3A_187 : vector<16xf32>
          %add3A_189 = arith.constant 2 : i32
          %add3A_190 = arith.addi %mul3A_161, %add3A_189 : i32
          %add3A_191 = vector.broadcast %add3A_190 : i32 to vector<16xi32>
          %add3A_192 = arith.addi %broadcast_in_dim3A_9, %add3A_191 : vector<16xi32>
          %gather3A_193 = tpu.vector_load_idx %arg15[%add3A_157, %iota3A, %add3A_192] : memref<4x16x128xf32, #tpu.memory_space<vmem>>[vector<16xi32>, vector<16xi32>, vector<16xi32>], vector<16xf32>,
          %add3A_194 = arith.constant 2 : i32
          %add3A_195 = arith.addi %mul3A_163, %add3A_194 : i32
          %get3A_196 = arith.index_cast %add3A_195 : i32 to index
          %get3A_197 = arith.constant 0 : index
          %get3A_198 = tpu.vector_load %arg16[%get3A_196, %get3A_197] {strides = array<i32>} : memref<512x16xf32, #tpu.memory_space<vmem>>, vector<16xf32>,
          %add3A_199 = arith.addf %get3A_198, %gather3A_193 : vector<16xf32>
          %max3A_200 = arith.constant 0.000000e+00 : f32
          %max3A_201 = vector.broadcast %max3A_200 : f32 to vector<16xf32>
          %max3A_202 = arith.maximumf %add3A_199, %max3A_201 : vector<16xf32>
          %add3A_203 = arith.constant 3 : i32
          %add3A_204 = arith.addi %mul3A_161, %add3A_203 : i32
          %add3A_205 = vector.broadcast %add3A_204 : i32 to vector<16xi32>
          %add3A_206 = arith.addi %broadcast_in_dim3A_9, %add3A_205 : vector<16xi32>
          %gather3A_207 = tpu.vector_load_idx %arg15[%add3A_157, %iota3A, %add3A_206] : memref<4x16x128xf32, #tpu.memory_space<vmem>>[vector<16xi32>, vector<16xi32>, vector<16xi32>], vector<16xf32>,
          %add3A_208 = arith.constant 3 : i32
          %add3A_209 = arith.addi %mul3A_163, %add3A_208 : i32
          %get3A_210 = arith.index_cast %add3A_209 : i32 to index
          %get3A_211 = arith.constant 0 : index
          %get3A_212 = tpu.vector_load %arg16[%get3A_210, %get3A_211] {strides = array<i32>} : memref<512x16xf32, #tpu.memory_space<vmem>>, vector<16xf32>,
          %add3A_213 = arith.addf %get3A_212, %gather3A_207 : vector<16xf32>
          %max3A_214 = arith.constant 0.000000e+00 : f32
          %max3A_215 = vector.broadcast %max3A_214 : f32 to vector<16xf32>
          %max3A_216 = arith.maximumf %add3A_213, %max3A_215 : vector<16xf32>
          %add3A_217 = arith.constant 4 : i32
          %add3A_218 = arith.addi %mul3A_161, %add3A_217 : i32
          %add3A_219 = vector.broadcast %add3A_218 : i32 to vector<16xi32>
          %add3A_220 = arith.addi %broadcast_in_dim3A_9, %add3A_219 : vector<16xi32>
          %gather3A_221 = tpu.vector_load_idx %arg15[%add3A_157, %iota3A, %add3A_220] : memref<4x16x128xf32, #tpu.memory_space<vmem>>[vector<16xi32>, vector<16xi32>, vector<16xi32>], vector<16xf32>,
          %add3A_222 = arith.constant 4 : i32
          %add3A_223 = arith.addi %mul3A_163, %add3A_222 : i32
          %get3A_224 = arith.index_cast %add3A_223 : i32 to index
          %get3A_225 = arith.constant 0 : index
          %get3A_226 = tpu.vector_load %arg16[%get3A_224, %get3A_225] {strides = array<i32>} : memref<512x16xf32, #tpu.memory_space<vmem>>, vector<16xf32>,
          %add3A_227 = arith.addf %get3A_226, %gather3A_221 : vector<16xf32>
          %max3A_228 = arith.constant 0.000000e+00 : f32
          %max3A_229 = vector.broadcast %max3A_228 : f32 to vector<16xf32>
          %max3A_230 = arith.maximumf %add3A_227, %max3A_229 : vector<16xf32>
          %add3A_231 = arith.constant 5 : i32
          %add3A_232 = arith.addi %mul3A_161, %add3A_231 : i32
          %add3A_233 = vector.broadcast %add3A_232 : i32 to vector<16xi32>
          %add3A_234 = arith.addi %broadcast_in_dim3A_9, %add3A_233 : vector<16xi32>
          %gather3A_235 = tpu.vector_load_idx %arg15[%add3A_157, %iota3A, %add3A_234] : memref<4x16x128xf32, #tpu.memory_space<vmem>>[vector<16xi32>, vector<16xi32>, vector<16xi32>], vector<16xf32>,
          %add3A_236 = arith.constant 5 : i32
          %add3A_237 = arith.addi %mul3A_163, %add3A_236 : i32
          %get3A_238 = arith.index_cast %add3A_237 : i32 to index
          %get3A_239 = arith.constant 0 : index
          %get3A_240 = tpu.vector_load %arg16[%get3A_238, %get3A_239] {strides = array<i32>} : memref<512x16xf32, #tpu.memory_space<vmem>>, vector<16xf32>,
          %add3A_241 = arith.addf %get3A_240, %gather3A_235 : vector<16xf32>
          %max3A_242 = arith.constant 0.000000e+00 : f32
          %max3A_243 = vector.broadcast %max3A_242 : f32 to vector<16xf32>
          %max3A_244 = arith.maximumf %add3A_241, %max3A_243 : vector<16xf32>
          %add3A_245 = arith.constant 6 : i32
          %add3A_246 = arith.addi %mul3A_161, %add3A_245 : i32
          %add3A_247 = vector.broadcast %add3A_246 : i32 to vector<16xi32>
          %add3A_248 = arith.addi %broadcast_in_dim3A_9, %add3A_247 : vector<16xi32>
          %gather3A_249 = tpu.vector_load_idx %arg15[%add3A_157, %iota3A, %add3A_248] : memref<4x16x128xf32, #tpu.memory_space<vmem>>[vector<16xi32>, vector<16xi32>, vector<16xi32>], vector<16xf32>,
          %add3A_250 = arith.constant 6 : i32
          %add3A_251 = arith.addi %mul3A_163, %add3A_250 : i32
          %get3A_252 = arith.index_cast %add3A_251 : i32 to index
          %get3A_253 = arith.constant 0 : index
          %get3A_254 = tpu.vector_load %arg16[%get3A_252, %get3A_253] {strides = array<i32>} : memref<512x16xf32, #tpu.memory_space<vmem>>, vector<16xf32>,
          %add3A_255 = arith.addf %get3A_254, %gather3A_249 : vector<16xf32>
          %max3A_256 = arith.constant 0.000000e+00 : f32
          %max3A_257 = vector.broadcast %max3A_256 : f32 to vector<16xf32>
          %max3A_258 = arith.maximumf %add3A_255, %max3A_257 : vector<16xf32>
          %add3A_259 = arith.constant 7 : i32
          %add3A_260 = arith.addi %mul3A_161, %add3A_259 : i32
          %add3A_261 = vector.broadcast %add3A_260 : i32 to vector<16xi32>
          %add3A_262 = arith.addi %broadcast_in_dim3A_9, %add3A_261 : vector<16xi32>
          %gather3A_263 = tpu.vector_load_idx %arg15[%add3A_157, %iota3A, %add3A_262] : memref<4x16x128xf32, #tpu.memory_space<vmem>>[vector<16xi32>, vector<16xi32>, vector<16xi32>], vector<16xf32>,
          %add3A_264 = arith.constant 7 : i32
          %add3A_265 = arith.addi %mul3A_163, %add3A_264 : i32
          %get3A_266 = arith.index_cast %add3A_265 : i32 to index
          %get3A_267 = arith.constant 0 : index
          %get3A_268 = tpu.vector_load %arg16[%get3A_266, %get3A_267] {strides = array<i32>} : memref<512x16xf32, #tpu.memory_space<vmem>>, vector<16xf32>,
          %add3A_269 = arith.addf %get3A_268, %gather3A_263 : vector<16xf32>
          %max3A_270 = arith.constant 0.000000e+00 : f32
          %max3A_271 = vector.broadcast %max3A_270 : f32 to vector<16xf32>
          %max3A_272 = arith.maximumf %add3A_269, %max3A_271 : vector<16xf32>
          %add3A_273 = arith.constant 0 : i32
          %add3A_274 = arith.addi %mul3A_163, %add3A_273 : i32
          %swap3A = arith.index_cast %add3A_274 : i32 to index
          %swap3A_275 = arith.constant 0 : index
          %swap3A_276 = tpu.vector_load %arg17[%swap3A, %swap3A_275] {strides = array<i32>} : memref<512x16xf32, #tpu.memory_space<vmem>>, vector<16xf32>,
          tpu.vector_store %arg17[%swap3A, %swap3A_275], %max3A_174 {strides = array<i32>} : memref<512x16xf32, #tpu.memory_space<vmem>>, vector<16xf32>,
          %add3A_277 = arith.constant 1 : i32
          %add3A_278 = arith.addi %mul3A_163, %add3A_277 : i32
          %swap3A_279 = arith.index_cast %add3A_278 : i32 to index
          %swap3A_280 = arith.constant 0 : index
          %swap3A_281 = tpu.vector_load %arg17[%swap3A_279, %swap3A_280] {strides = array<i32>} : memref<512x16xf32, #tpu.memory_space<vmem>>, vector<16xf32>,
          tpu.vector_store %arg17[%swap3A_279, %swap3A_280], %max3A_188 {strides = array<i32>} : memref<512x16xf32, #tpu.memory_space<vmem>>, vector<16xf32>,
          %add3A_282 = arith.constant 2 : i32
          %add3A_283 = arith.addi %mul3A_163, %add3A_282 : i32
          %swap3A_284 = arith.index_cast %add3A_283 : i32 to index
          %swap3A_285 = arith.constant 0 : index
          %swap3A_286 = tpu.vector_load %arg17[%swap3A_284, %swap3A_285] {strides = array<i32>} : memref<512x16xf32, #tpu.memory_space<vmem>>, vector<16xf32>,
          tpu.vector_store %arg17[%swap3A_284, %swap3A_285], %max3A_202 {strides = array<i32>} : memref<512x16xf32, #tpu.memory_space<vmem>>, vector<16xf32>,
          %add3A_287 = arith.constant 3 : i32
          %add3A_288 = arith.addi %mul3A_163, %add3A_287 : i32
          %swap3A_289 = arith.index_cast %add3A_288 : i32 to index
          %swap3A_290 = arith.constant 0 : index
          %swap3A_291 = tpu.vector_load %arg17[%swap3A_289, %swap3A_290] {strides = array<i32>} : memref<512x16xf32, #tpu.memory_space<vmem>>, vector<16xf32>,
          tpu.vector_store %arg17[%swap3A_289, %swap3A_290], %max3A_216 {strides = array<i32>} : memref<512x16xf32, #tpu.memory_space<vmem>>, vector<16xf32>,
          %add3A_292 = arith.constant 4 : i32
          %add3A_293 = arith.addi %mul3A_163, %add3A_292 : i32
          %swap3A_294 = arith.index_cast %add3A_293 : i32 to index
          %swap3A_295 = arith.constant 0 : index
          %swap3A_296 = tpu.vector_load %arg17[%swap3A_294, %swap3A_295] {strides = array<i32>} : memref<512x16xf32, #tpu.memory_space<vmem>>, vector<16xf32>,
          tpu.vector_store %arg17[%swap3A_294, %swap3A_295], %max3A_230 {strides = array<i32>} : memref<512x16xf32, #tpu.memory_space<vmem>>, vector<16xf32>,
          %add3A_297 = arith.constant 5 : i32
          %add3A_298 = arith.addi %mul3A_163, %add3A_297 : i32
          %swap3A_299 = arith.index_cast %add3A_298 : i32 to index
          %swap3A_300 = arith.constant 0 : index
          %swap3A_301 = tpu.vector_load %arg17[%swap3A_299, %swap3A_300] {strides = array<i32>} : memref<512x16xf32, #tpu.memory_space<vmem>>, vector<16xf32>,
          tpu.vector_store %arg17[%swap3A_299, %swap3A_300], %max3A_244 {strides = array<i32>} : memref<512x16xf32, #tpu.memory_space<vmem>>, vector<16xf32>,
          %add3A_302 = arith.constant 6 : i32
          %add3A_303 = arith.addi %mul3A_163, %add3A_302 : i32
          %swap3A_304 = arith.index_cast %add3A_303 : i32 to index
          %swap3A_305 = arith.constant 0 : index
          %swap3A_306 = tpu.vector_load %arg17[%swap3A_304, %swap3A_305] {strides = array<i32>} : memref<512x16xf32, #tpu.memory_space<vmem>>, vector<16xf32>,
          tpu.vector_store %arg17[%swap3A_304, %swap3A_305], %max3A_258 {strides = array<i32>} : memref<512x16xf32, #tpu.memory_space<vmem>>, vector<16xf32>,
          %add3A_307 = arith.constant 7 : i32
          %add3A_308 = arith.addi %mul3A_163, %add3A_307 : i32
          %swap3A_309 = arith.index_cast %add3A_308 : i32 to index
          %swap3A_310 = arith.constant 0 : index
          %swap3A_311 = tpu.vector_load %arg17[%swap3A_309, %swap3A_310] {strides = array<i32>} : memref<512x16xf32, #tpu.memory_space<vmem>>, vector<16xf32>,
          tpu.vector_store %arg17[%swap3A_309, %swap3A_310], %max3A_272 {strides = array<i32>} : memref<512x16xf32, #tpu.memory_space<vmem>>, vector<16xf32>,
          %scan3A_312 = arith.constant 0 : i32
          scf.yield %scan3A_312 : i32
        }
        %scan3A_140 = arith.constant 64 : i32
        %dma_start3A_141 = arith.constant 0 : i32
        %dma_start3A_142 = arith.constant 0 : i32
        %dma_start3A_143 = tpu.memref_slice %arg19[%dma_start3A_141, %dma_start3A_142] : memref<50048x16xf32, #tpu.memory_space<vmem_shared>> -> memref<50048x16xf32, #tpu.memory_space<vmem_shared>>
        tpu.enqueue_indirect_dma source(%arg17 : memref<512x16xf32, #tpu.memory_space<vmem>>) target(%dma_start3A_143 : memref<50048x16xf32, #tpu.memory_space<vmem_shared>>) offsets(%arg14 : memref<512xi32, #tpu.memory_space<vmem>>) semaphore(%arg25 : memref<!tpu.dma_semaphore, #tpu.memory_space<semaphore_mem>>) {add = true}
        %dma_wait3A_144 = arith.constant 0 : i32
        %dma_wait3A_145 = arith.constant 0 : i32
        %dma_wait3A_146 = tpu.memref_slice %arg19[%dma_wait3A_144, %dma_wait3A_145] : memref<50048x16xf32, #tpu.memory_space<vmem_shared>> -> memref<50048x16xf32, #tpu.memory_space<vmem_shared>>
        tpu.wait_indirect_dma semaphore(%arg25 : memref<!tpu.dma_semaphore, #tpu.memory_space<semaphore_mem>>) src(%arg17 : memref<512x16xf32, #tpu.memory_space<vmem>>) dst(%dma_wait3A_146 : memref<50048x16xf32, #tpu.memory_space<vmem_shared>>)
        %add3A_147 = arith.constant 2 : i32
        %add3A_148 = arith.addi %while3A_106, %add3A_147 : i32
        %lt3A_149 = arith.cmpi slt, %add3A_148, %select_n3A : i32
        %convert_element_type3A_150 = arith.extui %lt3A_149 : i1 to i32
        %cond3A_151 = arith.constant 0 : i32
        %cond3A_152 = arith.cmpi ne, %convert_element_type3A_150, %cond3A_151 : i32
        scf.if %cond3A_152 {
          %add3A_153 = arith.constant 2 : i32
          %add3A_154 = arith.addi %while3A_106, %add3A_153 : i32
          %add3A_155 = arith.addi %add3A_6, %add3A_154 : i32
          %mul3A_156 = arith.constant 512 : i32
          %mul3A_157 = arith.muli %mul3A_156, %add3A_155 : i32
          "tpu.region"() ({
            %run_scoped3A_171 = tpu.sem_alloc : memref<!tpu.dma_semaphore, #tpu.memory_space<semaphore_mem>>
            %dma_start3A_172 = tpu.memref_slice %arg2[%mul3A_157] : memref<1602560xi32, #tpu.memory_space<hbm>> -> memref<512xi32, #tpu.memory_space<hbm>>
            %dma_start3A_173 = tpu.memref_slice %arg2[%mul3A_157] : memref<1602560xi32, #tpu.memory_space<hbm>> -> memref<512xi32, #tpu.memory_space<hbm>>
            tpu.enqueue_dma source(%dma_start3A_173 : memref<512xi32, #tpu.memory_space<hbm>>) target(%arg13 : memref<512xi32, #tpu.memory_space<vmem>>) target_semaphore(%run_scoped3A_171 : memref<!tpu.dma_semaphore, #tpu.memory_space<semaphore_mem>>)
            %dma_wait3A_174 = tpu.memref_slice %arg2[%mul3A_157] : memref<1602560xi32, #tpu.memory_space<hbm>> -> memref<512xi32, #tpu.memory_space<hbm>>
            %dma_wait3A_175 = tpu.memref_slice %arg2[%mul3A_157] : memref<1602560xi32, #tpu.memory_space<hbm>> -> memref<512xi32, #tpu.memory_space<hbm>>
            tpu.wait_dma2 semaphore(%run_scoped3A_171 : memref<!tpu.dma_semaphore, #tpu.memory_space<semaphore_mem>>) src(%dma_wait3A_175 : memref<512xi32, #tpu.memory_space<hbm>>) dst(%arg13 : memref<512xi32, #tpu.memory_space<vmem>>)
            tpu.yield
          }) : () -> ()
          %mul3A_158 = arith.constant 512 : i32
          %mul3A_159 = arith.muli %mul3A_158, %add3A_155 : i32
          "tpu.region"() ({
            %run_scoped3A_171 = tpu.sem_alloc : memref<!tpu.dma_semaphore, #tpu.memory_space<semaphore_mem>>
            %dma_start3A_172 = tpu.memref_slice %arg3[%mul3A_159] : memref<1602560xi32, #tpu.memory_space<hbm>> -> memref<512xi32, #tpu.memory_space<hbm>>
            %dma_start3A_173 = tpu.memref_slice %arg3[%mul3A_159] : memref<1602560xi32, #tpu.memory_space<hbm>> -> memref<512xi32, #tpu.memory_space<hbm>>
            tpu.enqueue_dma source(%dma_start3A_173 : memref<512xi32, #tpu.memory_space<hbm>>) target(%arg14 : memref<512xi32, #tpu.memory_space<vmem>>) target_semaphore(%run_scoped3A_171 : memref<!tpu.dma_semaphore, #tpu.memory_space<semaphore_mem>>)
            %dma_wait3A_174 = tpu.memref_slice %arg3[%mul3A_159] : memref<1602560xi32, #tpu.memory_space<hbm>> -> memref<512xi32, #tpu.memory_space<hbm>>
            %dma_wait3A_175 = tpu.memref_slice %arg3[%mul3A_159] : memref<1602560xi32, #tpu.memory_space<hbm>> -> memref<512xi32, #tpu.memory_space<hbm>>
            tpu.wait_dma2 semaphore(%run_scoped3A_171 : memref<!tpu.dma_semaphore, #tpu.memory_space<semaphore_mem>>) src(%dma_wait3A_175 : memref<512xi32, #tpu.memory_space<hbm>>) dst(%arg14 : memref<512xi32, #tpu.memory_space<vmem>>)
            tpu.yield
          }) : () -> ()
          %mul3A_160 = arith.constant 4 : i32
          %mul3A_161 = arith.muli %mul3A_160, %add3A_155 : i32
          %dma_start3A_162 = arith.constant 0 : i32
          %dma_start3A_163 = arith.constant 0 : i32
          %dma_start3A_164 = tpu.memref_slice %arg4[%mul3A_161, %dma_start3A_162, %dma_start3A_163] : memref<12520x32x128xf32, #tpu.memory_space<hbm>> -> memref<4x16x128xf32, #tpu.memory_space<hbm>>
          %dma_start3A_165 = arith.constant 0 : i32
          %dma_start3A_166 = arith.constant 0 : i32
          %dma_start3A_167 = tpu.memref_slice %arg4[%mul3A_161, %dma_start3A_165, %dma_start3A_166] : memref<12520x32x128xf32, #tpu.memory_space<hbm>> -> memref<4x16x128xf32, #tpu.memory_space<hbm>>
          tpu.enqueue_dma source(%dma_start3A_167 : memref<4x16x128xf32, #tpu.memory_space<hbm>>) target(%arg15 : memref<4x16x128xf32, #tpu.memory_space<vmem>>) target_semaphore(%arg24 : memref<!tpu.dma_semaphore, #tpu.memory_space<semaphore_mem>>)
          %dma_start3A_168 = arith.constant 0 : i32
          %dma_start3A_169 = arith.constant 0 : i32
          %dma_start3A_170 = tpu.memref_slice %arg5[%dma_start3A_168, %dma_start3A_169] : memref<50000x16xf32, #tpu.memory_space<hbm>> -> memref<50000x16xf32, #tpu.memory_space<hbm>>
          tpu.enqueue_indirect_dma source(%dma_start3A_170 : memref<50000x16xf32, #tpu.memory_space<hbm>>) target(%arg16 : memref<512x16xf32, #tpu.memory_space<vmem>>) offsets(%arg13 : memref<512xi32, #tpu.memory_space<vmem>>) semaphore(%arg23 : memref<!tpu.dma_semaphore, #tpu.memory_space<semaphore_mem>>)
        } else {
        }
      } else {
      }
      %while3A_120 = arith.constant 0 : i32
      scf.yield %while3A_120 : i32
    }
    %while3A_50 = arith.constant 1 : i32
    %while3A_51 = scf.for %while3A_106 = %while3A_47 to %while3A_43 step %while3A_50 iter_args(%while3A_107 = %while3A_49) -> (i32)  : i32 {
      %and3A = arith.constant 1 : i32
      %and3A_108 = arith.andi %while3A_106, %and3A : i32
      %eq3A = arith.constant 0 : i32
      %eq3A_109 = arith.cmpi eq, %and3A_108, %eq3A : i32
      %convert_element_type3A_110 = arith.extui %eq3A_109 : i1 to i32
      %cond3A_111 = arith.constant 0 : i32
      %cond3A_112 = arith.cmpi ne, %convert_element_type3A_110, %cond3A_111 : i32
      scf.if %cond3A_112 {
        %dma_wait3A = arith.constant 0 : i32
        %dma_wait3A_121 = arith.constant 0 : i32
        %dma_wait3A_122 = arith.constant 0 : i32
        %dma_wait3A_123 = tpu.memref_slice %arg4[%dma_wait3A, %dma_wait3A_121, %dma_wait3A_122] : memref<12520x32x128xf32, #tpu.memory_space<hbm>> -> memref<4x16x128xf32, #tpu.memory_space<hbm>>
        %dma_wait3A_124 = arith.constant 0 : i32
        %dma_wait3A_125 = arith.constant 0 : i32
        %dma_wait3A_126 = arith.constant 0 : i32
        %dma_wait3A_127 = tpu.memref_slice %arg4[%dma_wait3A_124, %dma_wait3A_125, %dma_wait3A_126] : memref<12520x32x128xf32, #tpu.memory_space<hbm>> -> memref<4x16x128xf32, #tpu.memory_space<hbm>>
        tpu.wait_dma2 semaphore(%arg21 : memref<!tpu.dma_semaphore, #tpu.memory_space<semaphore_mem>>) src(%dma_wait3A_127 : memref<4x16x128xf32, #tpu.memory_space<hbm>>) dst(%arg10 : memref<4x16x128xf32, #tpu.memory_space<vmem>>)
        %dma_wait3A_128 = arith.constant 0 : i32
        %dma_wait3A_129 = arith.constant 0 : i32
        %dma_wait3A_130 = tpu.memref_slice %arg5[%dma_wait3A_128, %dma_wait3A_129] : memref<50000x16xf32, #tpu.memory_space<hbm>> -> memref<512x16xf32, #tpu.memory_space<hbm>>
        %dma_wait3A_131 = arith.constant 0 : i32
        %dma_wait3A_132 = arith.constant 0 : i32
        %dma_wait3A_133 = tpu.memref_slice %arg5[%dma_wait3A_131, %dma_wait3A_132] : memref<50000x16xf32, #tpu.memory_space<hbm>> -> memref<512x16xf32, #tpu.memory_space<hbm>>
        tpu.wait_dma2 semaphore(%arg20 : memref<!tpu.dma_semaphore, #tpu.memory_space<semaphore_mem>>) src(%dma_wait3A_133 : memref<512x16xf32, #tpu.memory_space<hbm>>) dst(%arg11 : memref<512x16xf32, #tpu.memory_space<vmem>>)
        %scan3A_134 = arith.constant 0 : i32
        %scan3A_135 = arith.constant 0 : i32
        %scan3A_136 = arith.constant 64 : i32
        %scan3A_137 = arith.addi %scan3A_135, %scan3A_136 : i32
        %scan3A_138 = arith.constant 1 : i32
        %scan3A_139 = scf.for %scan3A_153 = %scan3A_135 to %scan3A_137 step %scan3A_138 iter_args(%scan3A_154 = %scan3A_134) -> (i32)  : i32 {
          %shift_right_logical3A = arith.constant 4 : i32
          %shift_right_logical3A_155 = arith.shrui %scan3A_153, %shift_right_logical3A : i32
          %add3A_156 = vector.broadcast %shift_right_logical3A_155 : i32 to vector<16xi32>
          %add3A_157 = arith.addi %broadcast_in_dim3A_9, %add3A_156 : vector<16xi32>
          %and3A_158 = arith.constant 15 : i32
          %and3A_159 = arith.andi %scan3A_153, %and3A_158 : i32
          %mul3A_160 = arith.constant 8 : i32
          %mul3A_161 = arith.muli %and3A_159, %mul3A_160 : i32
          %mul3A_162 = arith.constant 8 : i32
          %mul3A_163 = arith.muli %scan3A_153, %mul3A_162 : i32
          %add3A_164 = arith.constant 0 : i32
          %add3A_165 = arith.addi %mul3A_161, %add3A_164 : i32
          %add3A_166 = vector.broadcast %add3A_165 : i32 to vector<16xi32>
          %add3A_167 = arith.addi %broadcast_in_dim3A_9, %add3A_166 : vector<16xi32>
          %gather3A = tpu.vector_load_idx %arg10[%add3A_157, %iota3A, %add3A_167] : memref<4x16x128xf32, #tpu.memory_space<vmem>>[vector<16xi32>, vector<16xi32>, vector<16xi32>], vector<16xf32>,
          %add3A_168 = arith.constant 0 : i32
          %add3A_169 = arith.addi %mul3A_163, %add3A_168 : i32
          %get3A = arith.index_cast %add3A_169 : i32 to index
          %get3A_170 = arith.constant 0 : index
          %get3A_171 = tpu.vector_load %arg11[%get3A, %get3A_170] {strides = array<i32>} : memref<512x16xf32, #tpu.memory_space<vmem>>, vector<16xf32>,
          %add3A_172 = arith.addf %get3A_171, %gather3A : vector<16xf32>
          %max3A = arith.constant 0.000000e+00 : f32
          %max3A_173 = vector.broadcast %max3A : f32 to vector<16xf32>
          %max3A_174 = arith.maximumf %add3A_172, %max3A_173 : vector<16xf32>
          %add3A_175 = arith.constant 1 : i32
          %add3A_176 = arith.addi %mul3A_161, %add3A_175 : i32
          %add3A_177 = vector.broadcast %add3A_176 : i32 to vector<16xi32>
          %add3A_178 = arith.addi %broadcast_in_dim3A_9, %add3A_177 : vector<16xi32>
          %gather3A_179 = tpu.vector_load_idx %arg10[%add3A_157, %iota3A, %add3A_178] : memref<4x16x128xf32, #tpu.memory_space<vmem>>[vector<16xi32>, vector<16xi32>, vector<16xi32>], vector<16xf32>,
          %add3A_180 = arith.constant 1 : i32
          %add3A_181 = arith.addi %mul3A_163, %add3A_180 : i32
          %get3A_182 = arith.index_cast %add3A_181 : i32 to index
          %get3A_183 = arith.constant 0 : index
          %get3A_184 = tpu.vector_load %arg11[%get3A_182, %get3A_183] {strides = array<i32>} : memref<512x16xf32, #tpu.memory_space<vmem>>, vector<16xf32>,
          %add3A_185 = arith.addf %get3A_184, %gather3A_179 : vector<16xf32>
          %max3A_186 = arith.constant 0.000000e+00 : f32
          %max3A_187 = vector.broadcast %max3A_186 : f32 to vector<16xf32>
          %max3A_188 = arith.maximumf %add3A_185, %max3A_187 : vector<16xf32>
          %add3A_189 = arith.constant 2 : i32
          %add3A_190 = arith.addi %mul3A_161, %add3A_189 : i32
          %add3A_191 = vector.broadcast %add3A_190 : i32 to vector<16xi32>
          %add3A_192 = arith.addi %broadcast_in_dim3A_9, %add3A_191 : vector<16xi32>
          %gather3A_193 = tpu.vector_load_idx %arg10[%add3A_157, %iota3A, %add3A_192] : memref<4x16x128xf32, #tpu.memory_space<vmem>>[vector<16xi32>, vector<16xi32>, vector<16xi32>], vector<16xf32>,
          %add3A_194 = arith.constant 2 : i32
          %add3A_195 = arith.addi %mul3A_163, %add3A_194 : i32
          %get3A_196 = arith.index_cast %add3A_195 : i32 to index
          %get3A_197 = arith.constant 0 : index
          %get3A_198 = tpu.vector_load %arg11[%get3A_196, %get3A_197] {strides = array<i32>} : memref<512x16xf32, #tpu.memory_space<vmem>>, vector<16xf32>,
          %add3A_199 = arith.addf %get3A_198, %gather3A_193 : vector<16xf32>
          %max3A_200 = arith.constant 0.000000e+00 : f32
          %max3A_201 = vector.broadcast %max3A_200 : f32 to vector<16xf32>
          %max3A_202 = arith.maximumf %add3A_199, %max3A_201 : vector<16xf32>
          %add3A_203 = arith.constant 3 : i32
          %add3A_204 = arith.addi %mul3A_161, %add3A_203 : i32
          %add3A_205 = vector.broadcast %add3A_204 : i32 to vector<16xi32>
          %add3A_206 = arith.addi %broadcast_in_dim3A_9, %add3A_205 : vector<16xi32>
          %gather3A_207 = tpu.vector_load_idx %arg10[%add3A_157, %iota3A, %add3A_206] : memref<4x16x128xf32, #tpu.memory_space<vmem>>[vector<16xi32>, vector<16xi32>, vector<16xi32>], vector<16xf32>,
          %add3A_208 = arith.constant 3 : i32
          %add3A_209 = arith.addi %mul3A_163, %add3A_208 : i32
          %get3A_210 = arith.index_cast %add3A_209 : i32 to index
          %get3A_211 = arith.constant 0 : index
          %get3A_212 = tpu.vector_load %arg11[%get3A_210, %get3A_211] {strides = array<i32>} : memref<512x16xf32, #tpu.memory_space<vmem>>, vector<16xf32>,
          %add3A_213 = arith.addf %get3A_212, %gather3A_207 : vector<16xf32>
          %max3A_214 = arith.constant 0.000000e+00 : f32
          %max3A_215 = vector.broadcast %max3A_214 : f32 to vector<16xf32>
          %max3A_216 = arith.maximumf %add3A_213, %max3A_215 : vector<16xf32>
          %add3A_217 = arith.constant 4 : i32
          %add3A_218 = arith.addi %mul3A_161, %add3A_217 : i32
          %add3A_219 = vector.broadcast %add3A_218 : i32 to vector<16xi32>
          %add3A_220 = arith.addi %broadcast_in_dim3A_9, %add3A_219 : vector<16xi32>
          %gather3A_221 = tpu.vector_load_idx %arg10[%add3A_157, %iota3A, %add3A_220] : memref<4x16x128xf32, #tpu.memory_space<vmem>>[vector<16xi32>, vector<16xi32>, vector<16xi32>], vector<16xf32>,
          %add3A_222 = arith.constant 4 : i32
          %add3A_223 = arith.addi %mul3A_163, %add3A_222 : i32
          %get3A_224 = arith.index_cast %add3A_223 : i32 to index
          %get3A_225 = arith.constant 0 : index
          %get3A_226 = tpu.vector_load %arg11[%get3A_224, %get3A_225] {strides = array<i32>} : memref<512x16xf32, #tpu.memory_space<vmem>>, vector<16xf32>,
          %add3A_227 = arith.addf %get3A_226, %gather3A_221 : vector<16xf32>
          %max3A_228 = arith.constant 0.000000e+00 : f32
          %max3A_229 = vector.broadcast %max3A_228 : f32 to vector<16xf32>
          %max3A_230 = arith.maximumf %add3A_227, %max3A_229 : vector<16xf32>
          %add3A_231 = arith.constant 5 : i32
          %add3A_232 = arith.addi %mul3A_161, %add3A_231 : i32
          %add3A_233 = vector.broadcast %add3A_232 : i32 to vector<16xi32>
          %add3A_234 = arith.addi %broadcast_in_dim3A_9, %add3A_233 : vector<16xi32>
          %gather3A_235 = tpu.vector_load_idx %arg10[%add3A_157, %iota3A, %add3A_234] : memref<4x16x128xf32, #tpu.memory_space<vmem>>[vector<16xi32>, vector<16xi32>, vector<16xi32>], vector<16xf32>,
          %add3A_236 = arith.constant 5 : i32
          %add3A_237 = arith.addi %mul3A_163, %add3A_236 : i32
          %get3A_238 = arith.index_cast %add3A_237 : i32 to index
          %get3A_239 = arith.constant 0 : index
          %get3A_240 = tpu.vector_load %arg11[%get3A_238, %get3A_239] {strides = array<i32>} : memref<512x16xf32, #tpu.memory_space<vmem>>, vector<16xf32>,
          %add3A_241 = arith.addf %get3A_240, %gather3A_235 : vector<16xf32>
          %max3A_242 = arith.constant 0.000000e+00 : f32
          %max3A_243 = vector.broadcast %max3A_242 : f32 to vector<16xf32>
          %max3A_244 = arith.maximumf %add3A_241, %max3A_243 : vector<16xf32>
          %add3A_245 = arith.constant 6 : i32
          %add3A_246 = arith.addi %mul3A_161, %add3A_245 : i32
          %add3A_247 = vector.broadcast %add3A_246 : i32 to vector<16xi32>
          %add3A_248 = arith.addi %broadcast_in_dim3A_9, %add3A_247 : vector<16xi32>
          %gather3A_249 = tpu.vector_load_idx %arg10[%add3A_157, %iota3A, %add3A_248] : memref<4x16x128xf32, #tpu.memory_space<vmem>>[vector<16xi32>, vector<16xi32>, vector<16xi32>], vector<16xf32>,
          %add3A_250 = arith.constant 6 : i32
          %add3A_251 = arith.addi %mul3A_163, %add3A_250 : i32
          %get3A_252 = arith.index_cast %add3A_251 : i32 to index
          %get3A_253 = arith.constant 0 : index
          %get3A_254 = tpu.vector_load %arg11[%get3A_252, %get3A_253] {strides = array<i32>} : memref<512x16xf32, #tpu.memory_space<vmem>>, vector<16xf32>,
          %add3A_255 = arith.addf %get3A_254, %gather3A_249 : vector<16xf32>
          %max3A_256 = arith.constant 0.000000e+00 : f32
          %max3A_257 = vector.broadcast %max3A_256 : f32 to vector<16xf32>
          %max3A_258 = arith.maximumf %add3A_255, %max3A_257 : vector<16xf32>
          %add3A_259 = arith.constant 7 : i32
          %add3A_260 = arith.addi %mul3A_161, %add3A_259 : i32
          %add3A_261 = vector.broadcast %add3A_260 : i32 to vector<16xi32>
          %add3A_262 = arith.addi %broadcast_in_dim3A_9, %add3A_261 : vector<16xi32>
          %gather3A_263 = tpu.vector_load_idx %arg10[%add3A_157, %iota3A, %add3A_262] : memref<4x16x128xf32, #tpu.memory_space<vmem>>[vector<16xi32>, vector<16xi32>, vector<16xi32>], vector<16xf32>,
          %add3A_264 = arith.constant 7 : i32
          %add3A_265 = arith.addi %mul3A_163, %add3A_264 : i32
          %get3A_266 = arith.index_cast %add3A_265 : i32 to index
          %get3A_267 = arith.constant 0 : index
          %get3A_268 = tpu.vector_load %arg11[%get3A_266, %get3A_267] {strides = array<i32>} : memref<512x16xf32, #tpu.memory_space<vmem>>, vector<16xf32>,
          %add3A_269 = arith.addf %get3A_268, %gather3A_263 : vector<16xf32>
          %max3A_270 = arith.constant 0.000000e+00 : f32
          %max3A_271 = vector.broadcast %max3A_270 : f32 to vector<16xf32>
          %max3A_272 = arith.maximumf %add3A_269, %max3A_271 : vector<16xf32>
          %add3A_273 = arith.constant 0 : i32
          %add3A_274 = arith.addi %mul3A_163, %add3A_273 : i32
          %swap3A = arith.index_cast %add3A_274 : i32 to index
          %swap3A_275 = arith.constant 0 : index
          %swap3A_276 = tpu.vector_load %arg12[%swap3A, %swap3A_275] {strides = array<i32>} : memref<512x16xf32, #tpu.memory_space<vmem>>, vector<16xf32>,
          tpu.vector_store %arg12[%swap3A, %swap3A_275], %max3A_174 {strides = array<i32>} : memref<512x16xf32, #tpu.memory_space<vmem>>, vector<16xf32>,
          %add3A_277 = arith.constant 1 : i32
          %add3A_278 = arith.addi %mul3A_163, %add3A_277 : i32
          %swap3A_279 = arith.index_cast %add3A_278 : i32 to index
          %swap3A_280 = arith.constant 0 : index
          %swap3A_281 = tpu.vector_load %arg12[%swap3A_279, %swap3A_280] {strides = array<i32>} : memref<512x16xf32, #tpu.memory_space<vmem>>, vector<16xf32>,
          tpu.vector_store %arg12[%swap3A_279, %swap3A_280], %max3A_188 {strides = array<i32>} : memref<512x16xf32, #tpu.memory_space<vmem>>, vector<16xf32>,
          %add3A_282 = arith.constant 2 : i32
          %add3A_283 = arith.addi %mul3A_163, %add3A_282 : i32
          %swap3A_284 = arith.index_cast %add3A_283 : i32 to index
          %swap3A_285 = arith.constant 0 : index
          %swap3A_286 = tpu.vector_load %arg12[%swap3A_284, %swap3A_285] {strides = array<i32>} : memref<512x16xf32, #tpu.memory_space<vmem>>, vector<16xf32>,
          tpu.vector_store %arg12[%swap3A_284, %swap3A_285], %max3A_202 {strides = array<i32>} : memref<512x16xf32, #tpu.memory_space<vmem>>, vector<16xf32>,
          %add3A_287 = arith.constant 3 : i32
          %add3A_288 = arith.addi %mul3A_163, %add3A_287 : i32
          %swap3A_289 = arith.index_cast %add3A_288 : i32 to index
          %swap3A_290 = arith.constant 0 : index
          %swap3A_291 = tpu.vector_load %arg12[%swap3A_289, %swap3A_290] {strides = array<i32>} : memref<512x16xf32, #tpu.memory_space<vmem>>, vector<16xf32>,
          tpu.vector_store %arg12[%swap3A_289, %swap3A_290], %max3A_216 {strides = array<i32>} : memref<512x16xf32, #tpu.memory_space<vmem>>, vector<16xf32>,
          %add3A_292 = arith.constant 4 : i32
          %add3A_293 = arith.addi %mul3A_163, %add3A_292 : i32
          %swap3A_294 = arith.index_cast %add3A_293 : i32 to index
          %swap3A_295 = arith.constant 0 : index
          %swap3A_296 = tpu.vector_load %arg12[%swap3A_294, %swap3A_295] {strides = array<i32>} : memref<512x16xf32, #tpu.memory_space<vmem>>, vector<16xf32>,
          tpu.vector_store %arg12[%swap3A_294, %swap3A_295], %max3A_230 {strides = array<i32>} : memref<512x16xf32, #tpu.memory_space<vmem>>, vector<16xf32>,
          %add3A_297 = arith.constant 5 : i32
          %add3A_298 = arith.addi %mul3A_163, %add3A_297 : i32
          %swap3A_299 = arith.index_cast %add3A_298 : i32 to index
          %swap3A_300 = arith.constant 0 : index
          %swap3A_301 = tpu.vector_load %arg12[%swap3A_299, %swap3A_300] {strides = array<i32>} : memref<512x16xf32, #tpu.memory_space<vmem>>, vector<16xf32>,
          tpu.vector_store %arg12[%swap3A_299, %swap3A_300], %max3A_244 {strides = array<i32>} : memref<512x16xf32, #tpu.memory_space<vmem>>, vector<16xf32>,
          %add3A_302 = arith.constant 6 : i32
          %add3A_303 = arith.addi %mul3A_163, %add3A_302 : i32
          %swap3A_304 = arith.index_cast %add3A_303 : i32 to index
          %swap3A_305 = arith.constant 0 : index
          %swap3A_306 = tpu.vector_load %arg12[%swap3A_304, %swap3A_305] {strides = array<i32>} : memref<512x16xf32, #tpu.memory_space<vmem>>, vector<16xf32>,
          tpu.vector_store %arg12[%swap3A_304, %swap3A_305], %max3A_258 {strides = array<i32>} : memref<512x16xf32, #tpu.memory_space<vmem>>, vector<16xf32>,
          %add3A_307 = arith.constant 7 : i32
          %add3A_308 = arith.addi %mul3A_163, %add3A_307 : i32
          %swap3A_309 = arith.index_cast %add3A_308 : i32 to index
          %swap3A_310 = arith.constant 0 : index
          %swap3A_311 = tpu.vector_load %arg12[%swap3A_309, %swap3A_310] {strides = array<i32>} : memref<512x16xf32, #tpu.memory_space<vmem>>, vector<16xf32>,
          tpu.vector_store %arg12[%swap3A_309, %swap3A_310], %max3A_272 {strides = array<i32>} : memref<512x16xf32, #tpu.memory_space<vmem>>, vector<16xf32>,
          %scan3A_312 = arith.constant 0 : i32
          scf.yield %scan3A_312 : i32
        }
        %scan3A_140 = arith.constant 64 : i32
        %dma_start3A_141 = arith.constant 0 : i32
        %dma_start3A_142 = arith.constant 0 : i32
        %dma_start3A_143 = tpu.memref_slice %arg19[%dma_start3A_141, %dma_start3A_142] : memref<50048x16xf32, #tpu.memory_space<vmem_shared>> -> memref<50048x16xf32, #tpu.memory_space<vmem_shared>>
        tpu.enqueue_indirect_dma source(%arg12 : memref<512x16xf32, #tpu.memory_space<vmem>>) target(%dma_start3A_143 : memref<50048x16xf32, #tpu.memory_space<vmem_shared>>) offsets(%arg9 : memref<512xi32, #tpu.memory_space<vmem>>) semaphore(%arg22 : memref<!tpu.dma_semaphore, #tpu.memory_space<semaphore_mem>>) {add = true}
        %dma_wait3A_144 = arith.constant 0 : i32
        %dma_wait3A_145 = arith.constant 0 : i32
        %dma_wait3A_146 = tpu.memref_slice %arg19[%dma_wait3A_144, %dma_wait3A_145] : memref<50048x16xf32, #tpu.memory_space<vmem_shared>> -> memref<50048x16xf32, #tpu.memory_space<vmem_shared>>
        tpu.wait_indirect_dma semaphore(%arg22 : memref<!tpu.dma_semaphore, #tpu.memory_space<semaphore_mem>>) src(%arg12 : memref<512x16xf32, #tpu.memory_space<vmem>>) dst(%dma_wait3A_146 : memref<50048x16xf32, #tpu.memory_space<vmem_shared>>)
        %add3A_147 = arith.constant 2 : i32
        %add3A_148 = arith.addi %while3A_106, %add3A_147 : i32
        %lt3A_149 = arith.cmpi slt, %add3A_148, %select_n3A : i32
        %convert_element_type3A_150 = arith.extui %lt3A_149 : i1 to i32
        %cond3A_151 = arith.constant 0 : i32
        %cond3A_152 = arith.cmpi ne, %convert_element_type3A_150, %cond3A_151 : i32
        scf.if %cond3A_152 {
          %add3A_153 = arith.constant 2 : i32
          %add3A_154 = arith.addi %while3A_106, %add3A_153 : i32
          %add3A_155 = arith.addi %add3A_6, %add3A_154 : i32
          %mul3A_156 = arith.constant 512 : i32
          %mul3A_157 = arith.muli %mul3A_156, %add3A_155 : i32
          "tpu.region"() ({
            %run_scoped3A_171 = tpu.sem_alloc : memref<!tpu.dma_semaphore, #tpu.memory_space<semaphore_mem>>
            %dma_start3A_172 = tpu.memref_slice %arg2[%mul3A_157] : memref<1602560xi32, #tpu.memory_space<hbm>> -> memref<512xi32, #tpu.memory_space<hbm>>
            %dma_start3A_173 = tpu.memref_slice %arg2[%mul3A_157] : memref<1602560xi32, #tpu.memory_space<hbm>> -> memref<512xi32, #tpu.memory_space<hbm>>
            tpu.enqueue_dma source(%dma_start3A_173 : memref<512xi32, #tpu.memory_space<hbm>>) target(%arg8 : memref<512xi32, #tpu.memory_space<vmem>>) target_semaphore(%run_scoped3A_171 : memref<!tpu.dma_semaphore, #tpu.memory_space<semaphore_mem>>)
            %dma_wait3A_174 = tpu.memref_slice %arg2[%mul3A_157] : memref<1602560xi32, #tpu.memory_space<hbm>> -> memref<512xi32, #tpu.memory_space<hbm>>
            %dma_wait3A_175 = tpu.memref_slice %arg2[%mul3A_157] : memref<1602560xi32, #tpu.memory_space<hbm>> -> memref<512xi32, #tpu.memory_space<hbm>>
            tpu.wait_dma2 semaphore(%run_scoped3A_171 : memref<!tpu.dma_semaphore, #tpu.memory_space<semaphore_mem>>) src(%dma_wait3A_175 : memref<512xi32, #tpu.memory_space<hbm>>) dst(%arg8 : memref<512xi32, #tpu.memory_space<vmem>>)
            tpu.yield
          }) : () -> ()
          %mul3A_158 = arith.constant 512 : i32
          %mul3A_159 = arith.muli %mul3A_158, %add3A_155 : i32
          "tpu.region"() ({
            %run_scoped3A_171 = tpu.sem_alloc : memref<!tpu.dma_semaphore, #tpu.memory_space<semaphore_mem>>
            %dma_start3A_172 = tpu.memref_slice %arg3[%mul3A_159] : memref<1602560xi32, #tpu.memory_space<hbm>> -> memref<512xi32, #tpu.memory_space<hbm>>
            %dma_start3A_173 = tpu.memref_slice %arg3[%mul3A_159] : memref<1602560xi32, #tpu.memory_space<hbm>> -> memref<512xi32, #tpu.memory_space<hbm>>
            tpu.enqueue_dma source(%dma_start3A_173 : memref<512xi32, #tpu.memory_space<hbm>>) target(%arg9 : memref<512xi32, #tpu.memory_space<vmem>>) target_semaphore(%run_scoped3A_171 : memref<!tpu.dma_semaphore, #tpu.memory_space<semaphore_mem>>)
            %dma_wait3A_174 = tpu.memref_slice %arg3[%mul3A_159] : memref<1602560xi32, #tpu.memory_space<hbm>> -> memref<512xi32, #tpu.memory_space<hbm>>
            %dma_wait3A_175 = tpu.memref_slice %arg3[%mul3A_159] : memref<1602560xi32, #tpu.memory_space<hbm>> -> memref<512xi32, #tpu.memory_space<hbm>>
            tpu.wait_dma2 semaphore(%run_scoped3A_171 : memref<!tpu.dma_semaphore, #tpu.memory_space<semaphore_mem>>) src(%dma_wait3A_175 : memref<512xi32, #tpu.memory_space<hbm>>) dst(%arg9 : memref<512xi32, #tpu.memory_space<vmem>>)
            tpu.yield
          }) : () -> ()
          %mul3A_160 = arith.constant 4 : i32
          %mul3A_161 = arith.muli %mul3A_160, %add3A_155 : i32
          %dma_start3A_162 = arith.constant 0 : i32
          %dma_start3A_163 = arith.constant 0 : i32
          %dma_start3A_164 = tpu.memref_slice %arg4[%mul3A_161, %dma_start3A_162, %dma_start3A_163] : memref<12520x32x128xf32, #tpu.memory_space<hbm>> -> memref<4x16x128xf32, #tpu.memory_space<hbm>>
          %dma_start3A_165 = arith.constant 0 : i32
          %dma_start3A_166 = arith.constant 0 : i32
          %dma_start3A_167 = tpu.memref_slice %arg4[%mul3A_161, %dma_start3A_165, %dma_start3A_166] : memref<12520x32x128xf32, #tpu.memory_space<hbm>> -> memref<4x16x128xf32, #tpu.memory_space<hbm>>
          tpu.enqueue_dma source(%dma_start3A_167 : memref<4x16x128xf32, #tpu.memory_space<hbm>>) target(%arg10 : memref<4x16x128xf32, #tpu.memory_space<vmem>>) target_semaphore(%arg21 : memref<!tpu.dma_semaphore, #tpu.memory_space<semaphore_mem>>)
          %dma_start3A_168 = arith.constant 0 : i32
          %dma_start3A_169 = arith.constant 0 : i32
          %dma_start3A_170 = tpu.memref_slice %arg5[%dma_start3A_168, %dma_start3A_169] : memref<50000x16xf32, #tpu.memory_space<hbm>> -> memref<50000x16xf32, #tpu.memory_space<hbm>>
          tpu.enqueue_indirect_dma source(%dma_start3A_170 : memref<50000x16xf32, #tpu.memory_space<hbm>>) target(%arg11 : memref<512x16xf32, #tpu.memory_space<vmem>>) offsets(%arg8 : memref<512xi32, #tpu.memory_space<vmem>>) semaphore(%arg20 : memref<!tpu.dma_semaphore, #tpu.memory_space<semaphore_mem>>)
        } else {
        }
      } else {
      }
      %and3A_113 = arith.constant 1 : i32
      %and3A_114 = arith.andi %while3A_106, %and3A_113 : i32
      %eq3A_115 = arith.constant 1 : i32
      %eq3A_116 = arith.cmpi eq, %and3A_114, %eq3A_115 : i32
      %convert_element_type3A_117 = arith.extui %eq3A_116 : i1 to i32
      %cond3A_118 = arith.constant 0 : i32
      %cond3A_119 = arith.cmpi ne, %convert_element_type3A_117, %cond3A_118 : i32
      scf.if %cond3A_119 {
        %dma_wait3A = arith.constant 0 : i32
        %dma_wait3A_121 = arith.constant 0 : i32
        %dma_wait3A_122 = arith.constant 0 : i32
        %dma_wait3A_123 = tpu.memref_slice %arg4[%dma_wait3A, %dma_wait3A_121, %dma_wait3A_122] : memref<12520x32x128xf32, #tpu.memory_space<hbm>> -> memref<4x16x128xf32, #tpu.memory_space<hbm>>
        %dma_wait3A_124 = arith.constant 0 : i32
        %dma_wait3A_125 = arith.constant 0 : i32
        %dma_wait3A_126 = arith.constant 0 : i32
        %dma_wait3A_127 = tpu.memref_slice %arg4[%dma_wait3A_124, %dma_wait3A_125, %dma_wait3A_126] : memref<12520x32x128xf32, #tpu.memory_space<hbm>> -> memref<4x16x128xf32, #tpu.memory_space<hbm>>
        tpu.wait_dma2 semaphore(%arg24 : memref<!tpu.dma_semaphore, #tpu.memory_space<semaphore_mem>>) src(%dma_wait3A_127 : memref<4x16x128xf32, #tpu.memory_space<hbm>>) dst(%arg15 : memref<4x16x128xf32, #tpu.memory_space<vmem>>)
        %dma_wait3A_128 = arith.constant 0 : i32
        %dma_wait3A_129 = arith.constant 0 : i32
        %dma_wait3A_130 = tpu.memref_slice %arg5[%dma_wait3A_128, %dma_wait3A_129] : memref<50000x16xf32, #tpu.memory_space<hbm>> -> memref<512x16xf32, #tpu.memory_space<hbm>>
        %dma_wait3A_131 = arith.constant 0 : i32
        %dma_wait3A_132 = arith.constant 0 : i32
        %dma_wait3A_133 = tpu.memref_slice %arg5[%dma_wait3A_131, %dma_wait3A_132] : memref<50000x16xf32, #tpu.memory_space<hbm>> -> memref<512x16xf32, #tpu.memory_space<hbm>>
        tpu.wait_dma2 semaphore(%arg23 : memref<!tpu.dma_semaphore, #tpu.memory_space<semaphore_mem>>) src(%dma_wait3A_133 : memref<512x16xf32, #tpu.memory_space<hbm>>) dst(%arg16 : memref<512x16xf32, #tpu.memory_space<vmem>>)
        %scan3A_134 = arith.constant 0 : i32
        %scan3A_135 = arith.constant 0 : i32
        %scan3A_136 = arith.constant 64 : i32
        %scan3A_137 = arith.addi %scan3A_135, %scan3A_136 : i32
        %scan3A_138 = arith.constant 1 : i32
        %scan3A_139 = scf.for %scan3A_153 = %scan3A_135 to %scan3A_137 step %scan3A_138 iter_args(%scan3A_154 = %scan3A_134) -> (i32)  : i32 {
          %shift_right_logical3A = arith.constant 4 : i32
          %shift_right_logical3A_155 = arith.shrui %scan3A_153, %shift_right_logical3A : i32
          %add3A_156 = vector.broadcast %shift_right_logical3A_155 : i32 to vector<16xi32>
          %add3A_157 = arith.addi %broadcast_in_dim3A_9, %add3A_156 : vector<16xi32>
          %and3A_158 = arith.constant 15 : i32
          %and3A_159 = arith.andi %scan3A_153, %and3A_158 : i32
          %mul3A_160 = arith.constant 8 : i32
          %mul3A_161 = arith.muli %and3A_159, %mul3A_160 : i32
          %mul3A_162 = arith.constant 8 : i32
          %mul3A_163 = arith.muli %scan3A_153, %mul3A_162 : i32
          %add3A_164 = arith.constant 0 : i32
          %add3A_165 = arith.addi %mul3A_161, %add3A_164 : i32
          %add3A_166 = vector.broadcast %add3A_165 : i32 to vector<16xi32>
          %add3A_167 = arith.addi %broadcast_in_dim3A_9, %add3A_166 : vector<16xi32>
          %gather3A = tpu.vector_load_idx %arg15[%add3A_157, %iota3A, %add3A_167] : memref<4x16x128xf32, #tpu.memory_space<vmem>>[vector<16xi32>, vector<16xi32>, vector<16xi32>], vector<16xf32>,
          %add3A_168 = arith.constant 0 : i32
          %add3A_169 = arith.addi %mul3A_163, %add3A_168 : i32
          %get3A = arith.index_cast %add3A_169 : i32 to index
          %get3A_170 = arith.constant 0 : index
          %get3A_171 = tpu.vector_load %arg16[%get3A, %get3A_170] {strides = array<i32>} : memref<512x16xf32, #tpu.memory_space<vmem>>, vector<16xf32>,
          %add3A_172 = arith.addf %get3A_171, %gather3A : vector<16xf32>
          %max3A = arith.constant 0.000000e+00 : f32
          %max3A_173 = vector.broadcast %max3A : f32 to vector<16xf32>
          %max3A_174 = arith.maximumf %add3A_172, %max3A_173 : vector<16xf32>
          %add3A_175 = arith.constant 1 : i32
          %add3A_176 = arith.addi %mul3A_161, %add3A_175 : i32
          %add3A_177 = vector.broadcast %add3A_176 : i32 to vector<16xi32>
          %add3A_178 = arith.addi %broadcast_in_dim3A_9, %add3A_177 : vector<16xi32>
          %gather3A_179 = tpu.vector_load_idx %arg15[%add3A_157, %iota3A, %add3A_178] : memref<4x16x128xf32, #tpu.memory_space<vmem>>[vector<16xi32>, vector<16xi32>, vector<16xi32>], vector<16xf32>,
          %add3A_180 = arith.constant 1 : i32
          %add3A_181 = arith.addi %mul3A_163, %add3A_180 : i32
          %get3A_182 = arith.index_cast %add3A_181 : i32 to index
          %get3A_183 = arith.constant 0 : index
          %get3A_184 = tpu.vector_load %arg16[%get3A_182, %get3A_183] {strides = array<i32>} : memref<512x16xf32, #tpu.memory_space<vmem>>, vector<16xf32>,
          %add3A_185 = arith.addf %get3A_184, %gather3A_179 : vector<16xf32>
          %max3A_186 = arith.constant 0.000000e+00 : f32
          %max3A_187 = vector.broadcast %max3A_186 : f32 to vector<16xf32>
          %max3A_188 = arith.maximumf %add3A_185, %max3A_187 : vector<16xf32>
          %add3A_189 = arith.constant 2 : i32
          %add3A_190 = arith.addi %mul3A_161, %add3A_189 : i32
          %add3A_191 = vector.broadcast %add3A_190 : i32 to vector<16xi32>
          %add3A_192 = arith.addi %broadcast_in_dim3A_9, %add3A_191 : vector<16xi32>
          %gather3A_193 = tpu.vector_load_idx %arg15[%add3A_157, %iota3A, %add3A_192] : memref<4x16x128xf32, #tpu.memory_space<vmem>>[vector<16xi32>, vector<16xi32>, vector<16xi32>], vector<16xf32>,
          %add3A_194 = arith.constant 2 : i32
          %add3A_195 = arith.addi %mul3A_163, %add3A_194 : i32
          %get3A_196 = arith.index_cast %add3A_195 : i32 to index
          %get3A_197 = arith.constant 0 : index
          %get3A_198 = tpu.vector_load %arg16[%get3A_196, %get3A_197] {strides = array<i32>} : memref<512x16xf32, #tpu.memory_space<vmem>>, vector<16xf32>,
          %add3A_199 = arith.addf %get3A_198, %gather3A_193 : vector<16xf32>
          %max3A_200 = arith.constant 0.000000e+00 : f32
          %max3A_201 = vector.broadcast %max3A_200 : f32 to vector<16xf32>
          %max3A_202 = arith.maximumf %add3A_199, %max3A_201 : vector<16xf32>
          %add3A_203 = arith.constant 3 : i32
          %add3A_204 = arith.addi %mul3A_161, %add3A_203 : i32
          %add3A_205 = vector.broadcast %add3A_204 : i32 to vector<16xi32>
          %add3A_206 = arith.addi %broadcast_in_dim3A_9, %add3A_205 : vector<16xi32>
          %gather3A_207 = tpu.vector_load_idx %arg15[%add3A_157, %iota3A, %add3A_206] : memref<4x16x128xf32, #tpu.memory_space<vmem>>[vector<16xi32>, vector<16xi32>, vector<16xi32>], vector<16xf32>,
          %add3A_208 = arith.constant 3 : i32
          %add3A_209 = arith.addi %mul3A_163, %add3A_208 : i32
          %get3A_210 = arith.index_cast %add3A_209 : i32 to index
          %get3A_211 = arith.constant 0 : index
          %get3A_212 = tpu.vector_load %arg16[%get3A_210, %get3A_211] {strides = array<i32>} : memref<512x16xf32, #tpu.memory_space<vmem>>, vector<16xf32>,
          %add3A_213 = arith.addf %get3A_212, %gather3A_207 : vector<16xf32>
          %max3A_214 = arith.constant 0.000000e+00 : f32
          %max3A_215 = vector.broadcast %max3A_214 : f32 to vector<16xf32>
          %max3A_216 = arith.maximumf %add3A_213, %max3A_215 : vector<16xf32>
          %add3A_217 = arith.constant 4 : i32
          %add3A_218 = arith.addi %mul3A_161, %add3A_217 : i32
          %add3A_219 = vector.broadcast %add3A_218 : i32 to vector<16xi32>
          %add3A_220 = arith.addi %broadcast_in_dim3A_9, %add3A_219 : vector<16xi32>
          %gather3A_221 = tpu.vector_load_idx %arg15[%add3A_157, %iota3A, %add3A_220] : memref<4x16x128xf32, #tpu.memory_space<vmem>>[vector<16xi32>, vector<16xi32>, vector<16xi32>], vector<16xf32>,
          %add3A_222 = arith.constant 4 : i32
          %add3A_223 = arith.addi %mul3A_163, %add3A_222 : i32
          %get3A_224 = arith.index_cast %add3A_223 : i32 to index
          %get3A_225 = arith.constant 0 : index
          %get3A_226 = tpu.vector_load %arg16[%get3A_224, %get3A_225] {strides = array<i32>} : memref<512x16xf32, #tpu.memory_space<vmem>>, vector<16xf32>,
          %add3A_227 = arith.addf %get3A_226, %gather3A_221 : vector<16xf32>
          %max3A_228 = arith.constant 0.000000e+00 : f32
          %max3A_229 = vector.broadcast %max3A_228 : f32 to vector<16xf32>
          %max3A_230 = arith.maximumf %add3A_227, %max3A_229 : vector<16xf32>
          %add3A_231 = arith.constant 5 : i32
          %add3A_232 = arith.addi %mul3A_161, %add3A_231 : i32
          %add3A_233 = vector.broadcast %add3A_232 : i32 to vector<16xi32>
          %add3A_234 = arith.addi %broadcast_in_dim3A_9, %add3A_233 : vector<16xi32>
          %gather3A_235 = tpu.vector_load_idx %arg15[%add3A_157, %iota3A, %add3A_234] : memref<4x16x128xf32, #tpu.memory_space<vmem>>[vector<16xi32>, vector<16xi32>, vector<16xi32>], vector<16xf32>,
          %add3A_236 = arith.constant 5 : i32
          %add3A_237 = arith.addi %mul3A_163, %add3A_236 : i32
          %get3A_238 = arith.index_cast %add3A_237 : i32 to index
          %get3A_239 = arith.constant 0 : index
          %get3A_240 = tpu.vector_load %arg16[%get3A_238, %get3A_239] {strides = array<i32>} : memref<512x16xf32, #tpu.memory_space<vmem>>, vector<16xf32>,
          %add3A_241 = arith.addf %get3A_240, %gather3A_235 : vector<16xf32>
          %max3A_242 = arith.constant 0.000000e+00 : f32
          %max3A_243 = vector.broadcast %max3A_242 : f32 to vector<16xf32>
          %max3A_244 = arith.maximumf %add3A_241, %max3A_243 : vector<16xf32>
          %add3A_245 = arith.constant 6 : i32
          %add3A_246 = arith.addi %mul3A_161, %add3A_245 : i32
          %add3A_247 = vector.broadcast %add3A_246 : i32 to vector<16xi32>
          %add3A_248 = arith.addi %broadcast_in_dim3A_9, %add3A_247 : vector<16xi32>
          %gather3A_249 = tpu.vector_load_idx %arg15[%add3A_157, %iota3A, %add3A_248] : memref<4x16x128xf32, #tpu.memory_space<vmem>>[vector<16xi32>, vector<16xi32>, vector<16xi32>], vector<16xf32>,
          %add3A_250 = arith.constant 6 : i32
          %add3A_251 = arith.addi %mul3A_163, %add3A_250 : i32
          %get3A_252 = arith.index_cast %add3A_251 : i32 to index
          %get3A_253 = arith.constant 0 : index
          %get3A_254 = tpu.vector_load %arg16[%get3A_252, %get3A_253] {strides = array<i32>} : memref<512x16xf32, #tpu.memory_space<vmem>>, vector<16xf32>,
          %add3A_255 = arith.addf %get3A_254, %gather3A_249 : vector<16xf32>
          %max3A_256 = arith.constant 0.000000e+00 : f32
          %max3A_257 = vector.broadcast %max3A_256 : f32 to vector<16xf32>
          %max3A_258 = arith.maximumf %add3A_255, %max3A_257 : vector<16xf32>
          %add3A_259 = arith.constant 7 : i32
          %add3A_260 = arith.addi %mul3A_161, %add3A_259 : i32
          %add3A_261 = vector.broadcast %add3A_260 : i32 to vector<16xi32>
          %add3A_262 = arith.addi %broadcast_in_dim3A_9, %add3A_261 : vector<16xi32>
          %gather3A_263 = tpu.vector_load_idx %arg15[%add3A_157, %iota3A, %add3A_262] : memref<4x16x128xf32, #tpu.memory_space<vmem>>[vector<16xi32>, vector<16xi32>, vector<16xi32>], vector<16xf32>,
          %add3A_264 = arith.constant 7 : i32
          %add3A_265 = arith.addi %mul3A_163, %add3A_264 : i32
          %get3A_266 = arith.index_cast %add3A_265 : i32 to index
          %get3A_267 = arith.constant 0 : index
          %get3A_268 = tpu.vector_load %arg16[%get3A_266, %get3A_267] {strides = array<i32>} : memref<512x16xf32, #tpu.memory_space<vmem>>, vector<16xf32>,
          %add3A_269 = arith.addf %get3A_268, %gather3A_263 : vector<16xf32>
          %max3A_270 = arith.constant 0.000000e+00 : f32
          %max3A_271 = vector.broadcast %max3A_270 : f32 to vector<16xf32>
          %max3A_272 = arith.maximumf %add3A_269, %max3A_271 : vector<16xf32>
          %add3A_273 = arith.constant 0 : i32
          %add3A_274 = arith.addi %mul3A_163, %add3A_273 : i32
          %swap3A = arith.index_cast %add3A_274 : i32 to index
          %swap3A_275 = arith.constant 0 : index
          %swap3A_276 = tpu.vector_load %arg17[%swap3A, %swap3A_275] {strides = array<i32>} : memref<512x16xf32, #tpu.memory_space<vmem>>, vector<16xf32>,
          tpu.vector_store %arg17[%swap3A, %swap3A_275], %max3A_174 {strides = array<i32>} : memref<512x16xf32, #tpu.memory_space<vmem>>, vector<16xf32>,
          %add3A_277 = arith.constant 1 : i32
          %add3A_278 = arith.addi %mul3A_163, %add3A_277 : i32
          %swap3A_279 = arith.index_cast %add3A_278 : i32 to index
          %swap3A_280 = arith.constant 0 : index
          %swap3A_281 = tpu.vector_load %arg17[%swap3A_279, %swap3A_280] {strides = array<i32>} : memref<512x16xf32, #tpu.memory_space<vmem>>, vector<16xf32>,
          tpu.vector_store %arg17[%swap3A_279, %swap3A_280], %max3A_188 {strides = array<i32>} : memref<512x16xf32, #tpu.memory_space<vmem>>, vector<16xf32>,
          %add3A_282 = arith.constant 2 : i32
          %add3A_283 = arith.addi %mul3A_163, %add3A_282 : i32
          %swap3A_284 = arith.index_cast %add3A_283 : i32 to index
          %swap3A_285 = arith.constant 0 : index
          %swap3A_286 = tpu.vector_load %arg17[%swap3A_284, %swap3A_285] {strides = array<i32>} : memref<512x16xf32, #tpu.memory_space<vmem>>, vector<16xf32>,
          tpu.vector_store %arg17[%swap3A_284, %swap3A_285], %max3A_202 {strides = array<i32>} : memref<512x16xf32, #tpu.memory_space<vmem>>, vector<16xf32>,
          %add3A_287 = arith.constant 3 : i32
          %add3A_288 = arith.addi %mul3A_163, %add3A_287 : i32
          %swap3A_289 = arith.index_cast %add3A_288 : i32 to index
          %swap3A_290 = arith.constant 0 : index
          %swap3A_291 = tpu.vector_load %arg17[%swap3A_289, %swap3A_290] {strides = array<i32>} : memref<512x16xf32, #tpu.memory_space<vmem>>, vector<16xf32>,
          tpu.vector_store %arg17[%swap3A_289, %swap3A_290], %max3A_216 {strides = array<i32>} : memref<512x16xf32, #tpu.memory_space<vmem>>, vector<16xf32>,
          %add3A_292 = arith.constant 4 : i32
          %add3A_293 = arith.addi %mul3A_163, %add3A_292 : i32
          %swap3A_294 = arith.index_cast %add3A_293 : i32 to index
          %swap3A_295 = arith.constant 0 : index
          %swap3A_296 = tpu.vector_load %arg17[%swap3A_294, %swap3A_295] {strides = array<i32>} : memref<512x16xf32, #tpu.memory_space<vmem>>, vector<16xf32>,
          tpu.vector_store %arg17[%swap3A_294, %swap3A_295], %max3A_230 {strides = array<i32>} : memref<512x16xf32, #tpu.memory_space<vmem>>, vector<16xf32>,
          %add3A_297 = arith.constant 5 : i32
          %add3A_298 = arith.addi %mul3A_163, %add3A_297 : i32
          %swap3A_299 = arith.index_cast %add3A_298 : i32 to index
          %swap3A_300 = arith.constant 0 : index
          %swap3A_301 = tpu.vector_load %arg17[%swap3A_299, %swap3A_300] {strides = array<i32>} : memref<512x16xf32, #tpu.memory_space<vmem>>, vector<16xf32>,
          tpu.vector_store %arg17[%swap3A_299, %swap3A_300], %max3A_244 {strides = array<i32>} : memref<512x16xf32, #tpu.memory_space<vmem>>, vector<16xf32>,
          %add3A_302 = arith.constant 6 : i32
          %add3A_303 = arith.addi %mul3A_163, %add3A_302 : i32
          %swap3A_304 = arith.index_cast %add3A_303 : i32 to index
          %swap3A_305 = arith.constant 0 : index
          %swap3A_306 = tpu.vector_load %arg17[%swap3A_304, %swap3A_305] {strides = array<i32>} : memref<512x16xf32, #tpu.memory_space<vmem>>, vector<16xf32>,
          tpu.vector_store %arg17[%swap3A_304, %swap3A_305], %max3A_258 {strides = array<i32>} : memref<512x16xf32, #tpu.memory_space<vmem>>, vector<16xf32>,
          %add3A_307 = arith.constant 7 : i32
          %add3A_308 = arith.addi %mul3A_163, %add3A_307 : i32
          %swap3A_309 = arith.index_cast %add3A_308 : i32 to index
          %swap3A_310 = arith.constant 0 : index
          %swap3A_311 = tpu.vector_load %arg17[%swap3A_309, %swap3A_310] {strides = array<i32>} : memref<512x16xf32, #tpu.memory_space<vmem>>, vector<16xf32>,
          tpu.vector_store %arg17[%swap3A_309, %swap3A_310], %max3A_272 {strides = array<i32>} : memref<512x16xf32, #tpu.memory_space<vmem>>, vector<16xf32>,
          %scan3A_312 = arith.constant 0 : i32
          scf.yield %scan3A_312 : i32
        }
        %scan3A_140 = arith.constant 64 : i32
        %dma_start3A_141 = arith.constant 0 : i32
        %dma_start3A_142 = arith.constant 0 : i32
        %dma_start3A_143 = tpu.memref_slice %arg19[%dma_start3A_141, %dma_start3A_142] : memref<50048x16xf32, #tpu.memory_space<vmem_shared>> -> memref<50048x16xf32, #tpu.memory_space<vmem_shared>>
        tpu.enqueue_indirect_dma source(%arg17 : memref<512x16xf32, #tpu.memory_space<vmem>>) target(%dma_start3A_143 : memref<50048x16xf32, #tpu.memory_space<vmem_shared>>) offsets(%arg14 : memref<512xi32, #tpu.memory_space<vmem>>) semaphore(%arg25 : memref<!tpu.dma_semaphore, #tpu.memory_space<semaphore_mem>>) {add = true}
        %dma_wait3A_144 = arith.constant 0 : i32
        %dma_wait3A_145 = arith.constant 0 : i32
        %dma_wait3A_146 = tpu.memref_slice %arg19[%dma_wait3A_144, %dma_wait3A_145] : memref<50048x16xf32, #tpu.memory_space<vmem_shared>> -> memref<50048x16xf32, #tpu.memory_space<vmem_shared>>
        tpu.wait_indirect_dma semaphore(%arg25 : memref<!tpu.dma_semaphore, #tpu.memory_space<semaphore_mem>>) src(%arg17 : memref<512x16xf32, #tpu.memory_space<vmem>>) dst(%dma_wait3A_146 : memref<50048x16xf32, #tpu.memory_space<vmem_shared>>)
        %add3A_147 = arith.constant 2 : i32
        %add3A_148 = arith.addi %while3A_106, %add3A_147 : i32
        %lt3A_149 = arith.cmpi slt, %add3A_148, %select_n3A : i32
        %convert_element_type3A_150 = arith.extui %lt3A_149 : i1 to i32
        %cond3A_151 = arith.constant 0 : i32
        %cond3A_152 = arith.cmpi ne, %convert_element_type3A_150, %cond3A_151 : i32
        scf.if %cond3A_152 {
          %add3A_153 = arith.constant 2 : i32
          %add3A_154 = arith.addi %while3A_106, %add3A_153 : i32
          %add3A_155 = arith.addi %add3A_6, %add3A_154 : i32
          %mul3A_156 = arith.constant 512 : i32
          %mul3A_157 = arith.muli %mul3A_156, %add3A_155 : i32
          "tpu.region"() ({
            %run_scoped3A_171 = tpu.sem_alloc : memref<!tpu.dma_semaphore, #tpu.memory_space<semaphore_mem>>
            %dma_start3A_172 = tpu.memref_slice %arg2[%mul3A_157] : memref<1602560xi32, #tpu.memory_space<hbm>> -> memref<512xi32, #tpu.memory_space<hbm>>
            %dma_start3A_173 = tpu.memref_slice %arg2[%mul3A_157] : memref<1602560xi32, #tpu.memory_space<hbm>> -> memref<512xi32, #tpu.memory_space<hbm>>
            tpu.enqueue_dma source(%dma_start3A_173 : memref<512xi32, #tpu.memory_space<hbm>>) target(%arg13 : memref<512xi32, #tpu.memory_space<vmem>>) target_semaphore(%run_scoped3A_171 : memref<!tpu.dma_semaphore, #tpu.memory_space<semaphore_mem>>)
            %dma_wait3A_174 = tpu.memref_slice %arg2[%mul3A_157] : memref<1602560xi32, #tpu.memory_space<hbm>> -> memref<512xi32, #tpu.memory_space<hbm>>
            %dma_wait3A_175 = tpu.memref_slice %arg2[%mul3A_157] : memref<1602560xi32, #tpu.memory_space<hbm>> -> memref<512xi32, #tpu.memory_space<hbm>>
            tpu.wait_dma2 semaphore(%run_scoped3A_171 : memref<!tpu.dma_semaphore, #tpu.memory_space<semaphore_mem>>) src(%dma_wait3A_175 : memref<512xi32, #tpu.memory_space<hbm>>) dst(%arg13 : memref<512xi32, #tpu.memory_space<vmem>>)
            tpu.yield
          }) : () -> ()
          %mul3A_158 = arith.constant 512 : i32
          %mul3A_159 = arith.muli %mul3A_158, %add3A_155 : i32
          "tpu.region"() ({
            %run_scoped3A_171 = tpu.sem_alloc : memref<!tpu.dma_semaphore, #tpu.memory_space<semaphore_mem>>
            %dma_start3A_172 = tpu.memref_slice %arg3[%mul3A_159] : memref<1602560xi32, #tpu.memory_space<hbm>> -> memref<512xi32, #tpu.memory_space<hbm>>
            %dma_start3A_173 = tpu.memref_slice %arg3[%mul3A_159] : memref<1602560xi32, #tpu.memory_space<hbm>> -> memref<512xi32, #tpu.memory_space<hbm>>
            tpu.enqueue_dma source(%dma_start3A_173 : memref<512xi32, #tpu.memory_space<hbm>>) target(%arg14 : memref<512xi32, #tpu.memory_space<vmem>>) target_semaphore(%run_scoped3A_171 : memref<!tpu.dma_semaphore, #tpu.memory_space<semaphore_mem>>)
            %dma_wait3A_174 = tpu.memref_slice %arg3[%mul3A_159] : memref<1602560xi32, #tpu.memory_space<hbm>> -> memref<512xi32, #tpu.memory_space<hbm>>
            %dma_wait3A_175 = tpu.memref_slice %arg3[%mul3A_159] : memref<1602560xi32, #tpu.memory_space<hbm>> -> memref<512xi32, #tpu.memory_space<hbm>>
            tpu.wait_dma2 semaphore(%run_scoped3A_171 : memref<!tpu.dma_semaphore, #tpu.memory_space<semaphore_mem>>) src(%dma_wait3A_175 : memref<512xi32, #tpu.memory_space<hbm>>) dst(%arg14 : memref<512xi32, #tpu.memory_space<vmem>>)
            tpu.yield
          }) : () -> ()
          %mul3A_160 = arith.constant 4 : i32
          %mul3A_161 = arith.muli %mul3A_160, %add3A_155 : i32
          %dma_start3A_162 = arith.constant 0 : i32
          %dma_start3A_163 = arith.constant 0 : i32
          %dma_start3A_164 = tpu.memref_slice %arg4[%mul3A_161, %dma_start3A_162, %dma_start3A_163] : memref<12520x32x128xf32, #tpu.memory_space<hbm>> -> memref<4x16x128xf32, #tpu.memory_space<hbm>>
          %dma_start3A_165 = arith.constant 0 : i32
          %dma_start3A_166 = arith.constant 0 : i32
          %dma_start3A_167 = tpu.memref_slice %arg4[%mul3A_161, %dma_start3A_165, %dma_start3A_166] : memref<12520x32x128xf32, #tpu.memory_space<hbm>> -> memref<4x16x128xf32, #tpu.memory_space<hbm>>
          tpu.enqueue_dma source(%dma_start3A_167 : memref<4x16x128xf32, #tpu.memory_space<hbm>>) target(%arg15 : memref<4x16x128xf32, #tpu.memory_space<vmem>>) target_semaphore(%arg24 : memref<!tpu.dma_semaphore, #tpu.memory_space<semaphore_mem>>)
          %dma_start3A_168 = arith.constant 0 : i32
          %dma_start3A_169 = arith.constant 0 : i32
          %dma_start3A_170 = tpu.memref_slice %arg5[%dma_start3A_168, %dma_start3A_169] : memref<50000x16xf32, #tpu.memory_space<hbm>> -> memref<50000x16xf32, #tpu.memory_space<hbm>>
          tpu.enqueue_indirect_dma source(%dma_start3A_170 : memref<50000x16xf32, #tpu.memory_space<hbm>>) target(%arg16 : memref<512x16xf32, #tpu.memory_space<vmem>>) offsets(%arg13 : memref<512xi32, #tpu.memory_space<vmem>>) semaphore(%arg23 : memref<!tpu.dma_semaphore, #tpu.memory_space<semaphore_mem>>)
        } else {
        }
      } else {
      }
      %while3A_120 = arith.constant 0 : i32
      scf.yield %while3A_120 : i32
    }
    %barrier3A_52 = arith.constant 0 : index
    tpu.barrier barrier_id(%barrier3A_52)
    %run_scoped3A = arith.constant 0 : i32
    "tpu.region"() ({
      %run_scoped3A_106 = tpu.sem_alloc : memref<!tpu.dma_semaphore, #tpu.memory_space<semaphore_mem>>
      %dma_start3A_107 = arith.constant 0 : i32
      %dma_start3A_108 = tpu.memref_slice %arg7[%arg0, %run_scoped3A, %mul3A_2, %dma_start3A_107] : memref<2x2x50048x16xf32, #tpu.memory_space<hbm>> -> memref<1x1x3128x16xf32, #tpu.memory_space<hbm>>
      %dma_start3A_109 = tpu.memref_squeeze %dma_start3A_108 : memref<1x1x3128x16xf32, #tpu.memory_space<hbm>> -> memref<3128x16xf32, #tpu.memory_space<hbm>>
      %dma_start3A_110 = arith.constant 0 : i32
      %dma_start3A_111 = tpu.memref_slice %arg19[%mul3A_2, %dma_start3A_110] : memref<50048x16xf32, #tpu.memory_space<vmem_shared>> -> memref<3128x16xf32, #tpu.memory_space<vmem_shared>>
      tpu.enqueue_dma source(%dma_start3A_111 : memref<3128x16xf32, #tpu.memory_space<vmem_shared>>) target(%dma_start3A_109 : memref<3128x16xf32, #tpu.memory_space<hbm>>) target_semaphore(%run_scoped3A_106 : memref<!tpu.dma_semaphore, #tpu.memory_space<semaphore_mem>>)
      %dma_wait3A = arith.constant 0 : i32
      %dma_wait3A_112 = tpu.memref_slice %arg7[%arg0, %run_scoped3A, %mul3A_2, %dma_wait3A] : memref<2x2x50048x16xf32, #tpu.memory_space<hbm>> -> memref<1x1x3128x16xf32, #tpu.memory_space<hbm>>
      %dma_wait3A_113 = tpu.memref_squeeze %dma_wait3A_112 : memref<1x1x3128x16xf32, #tpu.memory_space<hbm>> -> memref<3128x16xf32, #tpu.memory_space<hbm>>
      %dma_wait3A_114 = arith.constant 0 : i32
      %dma_wait3A_115 = tpu.memref_slice %arg19[%mul3A_2, %dma_wait3A_114] : memref<50048x16xf32, #tpu.memory_space<vmem_shared>> -> memref<3128x16xf32, #tpu.memory_space<vmem_shared>>
      tpu.wait_dma2 semaphore(%run_scoped3A_106 : memref<!tpu.dma_semaphore, #tpu.memory_space<semaphore_mem>>) src(%dma_wait3A_115 : memref<3128x16xf32, #tpu.memory_space<vmem_shared>>) dst(%dma_wait3A_113 : memref<3128x16xf32, #tpu.memory_space<hbm>>)
      tpu.yield
    }) : () -> ()
    %barrier3A_53 = arith.constant 0 : index
    tpu.barrier barrier_id(%barrier3A_53)
    %scan3A_54 = arith.constant 0 : i32
    %scan3A_55 = arith.constant 0 : i32
    %scan3A_56 = arith.constant 136 : i32
    %scan3A_57 = arith.addi %scan3A_55, %scan3A_56 : i32
    %scan3A_58 = arith.constant 1 : i32
    %scan3A_59 = scf.for %scan3A_106 = %scan3A_55 to %scan3A_57 step %scan3A_58 iter_args(%scan3A_107 = %scan3A_54) -> (i32)  : i32 {
      %broadcast_in_dim3A_108 = arith.constant 0.000000e+00 : f32
      %broadcast_in_dim3A_109 = vector.broadcast %broadcast_in_dim3A_108 : f32 to vector<16xf32>
      %swap3A = arith.index_cast %scan3A_106 : i32 to index
      %swap3A_110 = arith.constant 0 : index
      %swap3A_111 = tpu.vector_load %arg18[%swap3A, %swap3A_110] {strides = array<i32>} : memref<136x16xf32, #tpu.memory_space<vmem>>, vector<16xf32>,
      tpu.vector_store %arg18[%swap3A, %swap3A_110], %broadcast_in_dim3A_109 {strides = array<i32>} : memref<136x16xf32, #tpu.memory_space<vmem>>, vector<16xf32>,
      %scan3A_112 = arith.constant 0 : i32
      scf.yield %scan3A_112 : i32
    }
    %scan3A_60 = arith.constant 136 : i32
    %scan3A_61 = arith.constant 0 : i32
    %scan3A_62 = arith.constant 0 : i32
    %scan3A_63 = arith.constant 23 : i32
    %scan3A_64 = arith.addi %scan3A_62, %scan3A_63 : i32
    %scan3A_65 = arith.constant 1 : i32
    %scan3A_66 = scf.for %scan3A_106 = %scan3A_62 to %scan3A_64 step %scan3A_65 iter_args(%scan3A_107 = %scan3A_61) -> (i32)  : i32 {
      %mul3A_108 = arith.constant 136 : i32
      %mul3A_109 = arith.muli %scan3A_106, %mul3A_108 : i32
      %add3A_110 = arith.addi %mul3A_2, %mul3A_109 : i32
      "tpu.region"() ({
        %run_scoped3A_112 = tpu.sem_alloc : memref<!tpu.dma_semaphore, #tpu.memory_space<semaphore_mem>>
        %dma_start3A_113 = arith.constant 0 : i32
        %dma_start3A_114 = tpu.memref_slice %arg19[%add3A_110, %dma_start3A_113] : memref<50048x16xf32, #tpu.memory_space<vmem_shared>> -> memref<136x16xf32, #tpu.memory_space<vmem_shared>>
        %dma_start3A_115 = arith.constant 0 : i32
        %dma_start3A_116 = tpu.memref_slice %arg19[%add3A_110, %dma_start3A_115] : memref<50048x16xf32, #tpu.memory_space<vmem_shared>> -> memref<136x16xf32, #tpu.memory_space<vmem_shared>>
        tpu.enqueue_dma source(%arg18 : memref<136x16xf32, #tpu.memory_space<vmem>>) target(%dma_start3A_116 : memref<136x16xf32, #tpu.memory_space<vmem_shared>>) target_semaphore(%run_scoped3A_112 : memref<!tpu.dma_semaphore, #tpu.memory_space<semaphore_mem>>)
        %dma_wait3A = arith.constant 0 : i32
        %dma_wait3A_117 = tpu.memref_slice %arg19[%add3A_110, %dma_wait3A] : memref<50048x16xf32, #tpu.memory_space<vmem_shared>> -> memref<136x16xf32, #tpu.memory_space<vmem_shared>>
        %dma_wait3A_118 = arith.constant 0 : i32
        %dma_wait3A_119 = tpu.memref_slice %arg19[%add3A_110, %dma_wait3A_118] : memref<50048x16xf32, #tpu.memory_space<vmem_shared>> -> memref<136x16xf32, #tpu.memory_space<vmem_shared>>
        tpu.wait_dma2 semaphore(%run_scoped3A_112 : memref<!tpu.dma_semaphore, #tpu.memory_space<semaphore_mem>>) src(%arg18 : memref<136x16xf32, #tpu.memory_space<vmem>>) dst(%dma_wait3A_119 : memref<136x16xf32, #tpu.memory_space<vmem_shared>>)
        tpu.yield
      }) : () -> ()
      %scan3A_111 = arith.constant 0 : i32
      scf.yield %scan3A_111 : i32
    }
    %scan3A_67 = arith.constant 23 : i32
    %barrier3A_68 = arith.constant 0 : index
    tpu.barrier barrier_id(%barrier3A_68)
    %add3A_69 = arith.constant 0 : i32
    %add3A_70 = arith.addi %add3A_6, %add3A_69 : i32
    %mul3A_71 = arith.constant 512 : i32
    %mul3A_72 = arith.muli %mul3A_71, %add3A_70 : i32
    "tpu.region"() ({
      %run_scoped3A_106 = tpu.sem_alloc : memref<!tpu.dma_semaphore, #tpu.memory_space<semaphore_mem>>
      %dma_start3A_107 = tpu.memref_slice %arg2[%mul3A_72] : memref<1602560xi32, #tpu.memory_space<hbm>> -> memref<512xi32, #tpu.memory_space<hbm>>
      %dma_start3A_108 = tpu.memref_slice %arg2[%mul3A_72] : memref<1602560xi32, #tpu.memory_space<hbm>> -> memref<512xi32, #tpu.memory_space<hbm>>
      tpu.enqueue_dma source(%dma_start3A_108 : memref<512xi32, #tpu.memory_space<hbm>>) target(%arg8 : memref<512xi32, #tpu.memory_space<vmem>>) target_semaphore(%run_scoped3A_106 : memref<!tpu.dma_semaphore, #tpu.memory_space<semaphore_mem>>)
      %dma_wait3A = tpu.memref_slice %arg2[%mul3A_72] : memref<1602560xi32, #tpu.memory_space<hbm>> -> memref<512xi32, #tpu.memory_space<hbm>>
      %dma_wait3A_109 = tpu.memref_slice %arg2[%mul3A_72] : memref<1602560xi32, #tpu.memory_space<hbm>> -> memref<512xi32, #tpu.memory_space<hbm>>
      tpu.wait_dma2 semaphore(%run_scoped3A_106 : memref<!tpu.dma_semaphore, #tpu.memory_space<semaphore_mem>>) src(%dma_wait3A_109 : memref<512xi32, #tpu.memory_space<hbm>>) dst(%arg8 : memref<512xi32, #tpu.memory_space<vmem>>)
      tpu.yield
    }) : () -> ()
    %mul3A_73 = arith.constant 512 : i32
    %mul3A_74 = arith.muli %mul3A_73, %add3A_70 : i32
    "tpu.region"() ({
      %run_scoped3A_106 = tpu.sem_alloc : memref<!tpu.dma_semaphore, #tpu.memory_space<semaphore_mem>>
      %dma_start3A_107 = tpu.memref_slice %arg3[%mul3A_74] : memref<1602560xi32, #tpu.memory_space<hbm>> -> memref<512xi32, #tpu.memory_space<hbm>>
      %dma_start3A_108 = tpu.memref_slice %arg3[%mul3A_74] : memref<1602560xi32, #tpu.memory_space<hbm>> -> memref<512xi32, #tpu.memory_space<hbm>>
      tpu.enqueue_dma source(%dma_start3A_108 : memref<512xi32, #tpu.memory_space<hbm>>) target(%arg9 : memref<512xi32, #tpu.memory_space<vmem>>) target_semaphore(%run_scoped3A_106 : memref<!tpu.dma_semaphore, #tpu.memory_space<semaphore_mem>>)
      %dma_wait3A = tpu.memref_slice %arg3[%mul3A_74] : memref<1602560xi32, #tpu.memory_space<hbm>> -> memref<512xi32, #tpu.memory_space<hbm>>
      %dma_wait3A_109 = tpu.memref_slice %arg3[%mul3A_74] : memref<1602560xi32, #tpu.memory_space<hbm>> -> memref<512xi32, #tpu.memory_space<hbm>>
      tpu.wait_dma2 semaphore(%run_scoped3A_106 : memref<!tpu.dma_semaphore, #tpu.memory_space<semaphore_mem>>) src(%dma_wait3A_109 : memref<512xi32, #tpu.memory_space<hbm>>) dst(%arg9 : memref<512xi32, #tpu.memory_space<vmem>>)
      tpu.yield
    }) : () -> ()
    %mul3A_75 = arith.constant 4 : i32
    %mul3A_76 = arith.muli %mul3A_75, %add3A_70 : i32
    %dma_start3A_77 = arith.constant 16 : i32
    %dma_start3A_78 = arith.constant 0 : i32
    %dma_start3A_79 = tpu.memref_slice %arg4[%mul3A_76, %dma_start3A_77, %dma_start3A_78] : memref<12520x32x128xf32, #tpu.memory_space<hbm>> -> memref<4x16x128xf32, #tpu.memory_space<hbm>>
    %dma_start3A_80 = arith.constant 16 : i32
    %dma_start3A_81 = arith.constant 0 : i32
    %dma_start3A_82 = tpu.memref_slice %arg4[%mul3A_76, %dma_start3A_80, %dma_start3A_81] : memref<12520x32x128xf32, #tpu.memory_space<hbm>> -> memref<4x16x128xf32, #tpu.memory_space<hbm>>
    tpu.enqueue_dma source(%dma_start3A_82 : memref<4x16x128xf32, #tpu.memory_space<hbm>>) target(%arg10 : memref<4x16x128xf32, #tpu.memory_space<vmem>>) target_semaphore(%arg21 : memref<!tpu.dma_semaphore, #tpu.memory_space<semaphore_mem>>)
    %dma_start3A_83 = arith.constant 0 : i32
    %dma_start3A_84 = arith.constant 0 : i32
    %dma_start3A_85 = tpu.memref_slice %arg6[%dma_start3A_83, %dma_start3A_84] : memref<50000x16xf32, #tpu.memory_space<hbm>> -> memref<50000x16xf32, #tpu.memory_space<hbm>>
    tpu.enqueue_indirect_dma source(%dma_start3A_85 : memref<50000x16xf32, #tpu.memory_space<hbm>>) target(%arg11 : memref<512x16xf32, #tpu.memory_space<vmem>>) offsets(%arg8 : memref<512xi32, #tpu.memory_space<vmem>>) semaphore(%arg20 : memref<!tpu.dma_semaphore, #tpu.memory_space<semaphore_mem>>)
    %gt3A_86 = arith.constant 1 : i32
    %gt3A_87 = arith.cmpi sgt, %select_n3A, %gt3A_86 : i32
    %convert_element_type3A_88 = arith.extui %gt3A_87 : i1 to i32
    %cond3A_89 = arith.constant 0 : i32
    %cond3A_90 = arith.cmpi ne, %convert_element_type3A_88, %cond3A_89 : i32
    scf.if %cond3A_90 {
      %add3A_106 = arith.constant 1 : i32
      %add3A_107 = arith.addi %add3A_6, %add3A_106 : i32
      %mul3A_108 = arith.constant 512 : i32
      %mul3A_109 = arith.muli %mul3A_108, %add3A_107 : i32
      "tpu.region"() ({
        %run_scoped3A_123 = tpu.sem_alloc : memref<!tpu.dma_semaphore, #tpu.memory_space<semaphore_mem>>
        %dma_start3A_124 = tpu.memref_slice %arg2[%mul3A_109] : memref<1602560xi32, #tpu.memory_space<hbm>> -> memref<512xi32, #tpu.memory_space<hbm>>
        %dma_start3A_125 = tpu.memref_slice %arg2[%mul3A_109] : memref<1602560xi32, #tpu.memory_space<hbm>> -> memref<512xi32, #tpu.memory_space<hbm>>
        tpu.enqueue_dma source(%dma_start3A_125 : memref<512xi32, #tpu.memory_space<hbm>>) target(%arg13 : memref<512xi32, #tpu.memory_space<vmem>>) target_semaphore(%run_scoped3A_123 : memref<!tpu.dma_semaphore, #tpu.memory_space<semaphore_mem>>)
        %dma_wait3A = tpu.memref_slice %arg2[%mul3A_109] : memref<1602560xi32, #tpu.memory_space<hbm>> -> memref<512xi32, #tpu.memory_space<hbm>>
        %dma_wait3A_126 = tpu.memref_slice %arg2[%mul3A_109] : memref<1602560xi32, #tpu.memory_space<hbm>> -> memref<512xi32, #tpu.memory_space<hbm>>
        tpu.wait_dma2 semaphore(%run_scoped3A_123 : memref<!tpu.dma_semaphore, #tpu.memory_space<semaphore_mem>>) src(%dma_wait3A_126 : memref<512xi32, #tpu.memory_space<hbm>>) dst(%arg13 : memref<512xi32, #tpu.memory_space<vmem>>)
        tpu.yield
      }) : () -> ()
      %mul3A_110 = arith.constant 512 : i32
      %mul3A_111 = arith.muli %mul3A_110, %add3A_107 : i32
      "tpu.region"() ({
        %run_scoped3A_123 = tpu.sem_alloc : memref<!tpu.dma_semaphore, #tpu.memory_space<semaphore_mem>>
        %dma_start3A_124 = tpu.memref_slice %arg3[%mul3A_111] : memref<1602560xi32, #tpu.memory_space<hbm>> -> memref<512xi32, #tpu.memory_space<hbm>>
        %dma_start3A_125 = tpu.memref_slice %arg3[%mul3A_111] : memref<1602560xi32, #tpu.memory_space<hbm>> -> memref<512xi32, #tpu.memory_space<hbm>>
        tpu.enqueue_dma source(%dma_start3A_125 : memref<512xi32, #tpu.memory_space<hbm>>) target(%arg14 : memref<512xi32, #tpu.memory_space<vmem>>) target_semaphore(%run_scoped3A_123 : memref<!tpu.dma_semaphore, #tpu.memory_space<semaphore_mem>>)
        %dma_wait3A = tpu.memref_slice %arg3[%mul3A_111] : memref<1602560xi32, #tpu.memory_space<hbm>> -> memref<512xi32, #tpu.memory_space<hbm>>
        %dma_wait3A_126 = tpu.memref_slice %arg3[%mul3A_111] : memref<1602560xi32, #tpu.memory_space<hbm>> -> memref<512xi32, #tpu.memory_space<hbm>>
        tpu.wait_dma2 semaphore(%run_scoped3A_123 : memref<!tpu.dma_semaphore, #tpu.memory_space<semaphore_mem>>) src(%dma_wait3A_126 : memref<512xi32, #tpu.memory_space<hbm>>) dst(%arg14 : memref<512xi32, #tpu.memory_space<vmem>>)
        tpu.yield
      }) : () -> ()
      %mul3A_112 = arith.constant 4 : i32
      %mul3A_113 = arith.muli %mul3A_112, %add3A_107 : i32
      %dma_start3A_114 = arith.constant 16 : i32
      %dma_start3A_115 = arith.constant 0 : i32
      %dma_start3A_116 = tpu.memref_slice %arg4[%mul3A_113, %dma_start3A_114, %dma_start3A_115] : memref<12520x32x128xf32, #tpu.memory_space<hbm>> -> memref<4x16x128xf32, #tpu.memory_space<hbm>>
      %dma_start3A_117 = arith.constant 16 : i32
      %dma_start3A_118 = arith.constant 0 : i32
      %dma_start3A_119 = tpu.memref_slice %arg4[%mul3A_113, %dma_start3A_117, %dma_start3A_118] : memref<12520x32x128xf32, #tpu.memory_space<hbm>> -> memref<4x16x128xf32, #tpu.memory_space<hbm>>
      tpu.enqueue_dma source(%dma_start3A_119 : memref<4x16x128xf32, #tpu.memory_space<hbm>>) target(%arg15 : memref<4x16x128xf32, #tpu.memory_space<vmem>>) target_semaphore(%arg24 : memref<!tpu.dma_semaphore, #tpu.memory_space<semaphore_mem>>)
      %dma_start3A_120 = arith.constant 0 : i32
      %dma_start3A_121 = arith.constant 0 : i32
      %dma_start3A_122 = tpu.memref_slice %arg6[%dma_start3A_120, %dma_start3A_121] : memref<50000x16xf32, #tpu.memory_space<hbm>> -> memref<50000x16xf32, #tpu.memory_space<hbm>>
      tpu.enqueue_indirect_dma source(%dma_start3A_122 : memref<50000x16xf32, #tpu.memory_space<hbm>>) target(%arg16 : memref<512x16xf32, #tpu.memory_space<vmem>>) offsets(%arg13 : memref<512xi32, #tpu.memory_space<vmem>>) semaphore(%arg23 : memref<!tpu.dma_semaphore, #tpu.memory_space<semaphore_mem>>)
    } else {
    }
    %while3A_91 = arith.constant 0 : i32
    %while3A_92 = arith.constant 0 : i32
    %while3A_93 = arith.subi %select_n3A, %while3A_91 : i32
    %while3A_94 = arith.addi %while3A_91, %while3A_93 : i32
    %while3A_95 = arith.constant 1 : i32
    %while3A_96 = arith.divsi %while3A_93, %while3A_95 : i32
    %while3A_97 = arith.muli %while3A_96, %while3A_95 : i32
    %while3A_98 = arith.addi %while3A_91, %while3A_97 : i32
    %while3A_99 = arith.constant 1 : i32
    %while3A_100 = scf.for %while3A_106 = %while3A_91 to %while3A_98 step %while3A_99 iter_args(%while3A_107 = %while3A_92) -> (i32)  : i32 {
      %and3A = arith.constant 1 : i32
      %and3A_108 = arith.andi %while3A_106, %and3A : i32
      %eq3A = arith.constant 0 : i32
      %eq3A_109 = arith.cmpi eq, %and3A_108, %eq3A : i32
      %convert_element_type3A_110 = arith.extui %eq3A_109 : i1 to i32
      %cond3A_111 = arith.constant 0 : i32
      %cond3A_112 = arith.cmpi ne, %convert_element_type3A_110, %cond3A_111 : i32
      scf.if %cond3A_112 {
        %dma_wait3A = arith.constant 0 : i32
        %dma_wait3A_121 = arith.constant 0 : i32
        %dma_wait3A_122 = arith.constant 0 : i32
        %dma_wait3A_123 = tpu.memref_slice %arg4[%dma_wait3A, %dma_wait3A_121, %dma_wait3A_122] : memref<12520x32x128xf32, #tpu.memory_space<hbm>> -> memref<4x16x128xf32, #tpu.memory_space<hbm>>
        %dma_wait3A_124 = arith.constant 0 : i32
        %dma_wait3A_125 = arith.constant 0 : i32
        %dma_wait3A_126 = arith.constant 0 : i32
        %dma_wait3A_127 = tpu.memref_slice %arg4[%dma_wait3A_124, %dma_wait3A_125, %dma_wait3A_126] : memref<12520x32x128xf32, #tpu.memory_space<hbm>> -> memref<4x16x128xf32, #tpu.memory_space<hbm>>
        tpu.wait_dma2 semaphore(%arg21 : memref<!tpu.dma_semaphore, #tpu.memory_space<semaphore_mem>>) src(%dma_wait3A_127 : memref<4x16x128xf32, #tpu.memory_space<hbm>>) dst(%arg10 : memref<4x16x128xf32, #tpu.memory_space<vmem>>)
        %dma_wait3A_128 = arith.constant 0 : i32
        %dma_wait3A_129 = arith.constant 0 : i32
        %dma_wait3A_130 = tpu.memref_slice %arg6[%dma_wait3A_128, %dma_wait3A_129] : memref<50000x16xf32, #tpu.memory_space<hbm>> -> memref<512x16xf32, #tpu.memory_space<hbm>>
        %dma_wait3A_131 = arith.constant 0 : i32
        %dma_wait3A_132 = arith.constant 0 : i32
        %dma_wait3A_133 = tpu.memref_slice %arg6[%dma_wait3A_131, %dma_wait3A_132] : memref<50000x16xf32, #tpu.memory_space<hbm>> -> memref<512x16xf32, #tpu.memory_space<hbm>>
        tpu.wait_dma2 semaphore(%arg20 : memref<!tpu.dma_semaphore, #tpu.memory_space<semaphore_mem>>) src(%dma_wait3A_133 : memref<512x16xf32, #tpu.memory_space<hbm>>) dst(%arg11 : memref<512x16xf32, #tpu.memory_space<vmem>>)
        %scan3A_134 = arith.constant 0 : i32
        %scan3A_135 = arith.constant 0 : i32
        %scan3A_136 = arith.constant 64 : i32
        %scan3A_137 = arith.addi %scan3A_135, %scan3A_136 : i32
        %scan3A_138 = arith.constant 1 : i32
        %scan3A_139 = scf.for %scan3A_153 = %scan3A_135 to %scan3A_137 step %scan3A_138 iter_args(%scan3A_154 = %scan3A_134) -> (i32)  : i32 {
          %shift_right_logical3A = arith.constant 4 : i32
          %shift_right_logical3A_155 = arith.shrui %scan3A_153, %shift_right_logical3A : i32
          %add3A_156 = vector.broadcast %shift_right_logical3A_155 : i32 to vector<16xi32>
          %add3A_157 = arith.addi %broadcast_in_dim3A_9, %add3A_156 : vector<16xi32>
          %and3A_158 = arith.constant 15 : i32
          %and3A_159 = arith.andi %scan3A_153, %and3A_158 : i32
          %mul3A_160 = arith.constant 8 : i32
          %mul3A_161 = arith.muli %and3A_159, %mul3A_160 : i32
          %mul3A_162 = arith.constant 8 : i32
          %mul3A_163 = arith.muli %scan3A_153, %mul3A_162 : i32
          %add3A_164 = arith.constant 0 : i32
          %add3A_165 = arith.addi %mul3A_161, %add3A_164 : i32
          %add3A_166 = vector.broadcast %add3A_165 : i32 to vector<16xi32>
          %add3A_167 = arith.addi %broadcast_in_dim3A_9, %add3A_166 : vector<16xi32>
          %gather3A = tpu.vector_load_idx %arg10[%add3A_157, %iota3A, %add3A_167] : memref<4x16x128xf32, #tpu.memory_space<vmem>>[vector<16xi32>, vector<16xi32>, vector<16xi32>], vector<16xf32>,
          %add3A_168 = arith.constant 0 : i32
          %add3A_169 = arith.addi %mul3A_163, %add3A_168 : i32
          %get3A = arith.index_cast %add3A_169 : i32 to index
          %get3A_170 = arith.constant 0 : index
          %get3A_171 = tpu.vector_load %arg11[%get3A, %get3A_170] {strides = array<i32>} : memref<512x16xf32, #tpu.memory_space<vmem>>, vector<16xf32>,
          %add3A_172 = arith.addf %get3A_171, %gather3A : vector<16xf32>
          %max3A = arith.constant 0.000000e+00 : f32
          %max3A_173 = vector.broadcast %max3A : f32 to vector<16xf32>
          %max3A_174 = arith.maximumf %add3A_172, %max3A_173 : vector<16xf32>
          %add3A_175 = arith.constant 1 : i32
          %add3A_176 = arith.addi %mul3A_161, %add3A_175 : i32
          %add3A_177 = vector.broadcast %add3A_176 : i32 to vector<16xi32>
          %add3A_178 = arith.addi %broadcast_in_dim3A_9, %add3A_177 : vector<16xi32>
          %gather3A_179 = tpu.vector_load_idx %arg10[%add3A_157, %iota3A, %add3A_178] : memref<4x16x128xf32, #tpu.memory_space<vmem>>[vector<16xi32>, vector<16xi32>, vector<16xi32>], vector<16xf32>,
          %add3A_180 = arith.constant 1 : i32
          %add3A_181 = arith.addi %mul3A_163, %add3A_180 : i32
          %get3A_182 = arith.index_cast %add3A_181 : i32 to index
          %get3A_183 = arith.constant 0 : index
          %get3A_184 = tpu.vector_load %arg11[%get3A_182, %get3A_183] {strides = array<i32>} : memref<512x16xf32, #tpu.memory_space<vmem>>, vector<16xf32>,
          %add3A_185 = arith.addf %get3A_184, %gather3A_179 : vector<16xf32>
          %max3A_186 = arith.constant 0.000000e+00 : f32
          %max3A_187 = vector.broadcast %max3A_186 : f32 to vector<16xf32>
          %max3A_188 = arith.maximumf %add3A_185, %max3A_187 : vector<16xf32>
          %add3A_189 = arith.constant 2 : i32
          %add3A_190 = arith.addi %mul3A_161, %add3A_189 : i32
          %add3A_191 = vector.broadcast %add3A_190 : i32 to vector<16xi32>
          %add3A_192 = arith.addi %broadcast_in_dim3A_9, %add3A_191 : vector<16xi32>
          %gather3A_193 = tpu.vector_load_idx %arg10[%add3A_157, %iota3A, %add3A_192] : memref<4x16x128xf32, #tpu.memory_space<vmem>>[vector<16xi32>, vector<16xi32>, vector<16xi32>], vector<16xf32>,
          %add3A_194 = arith.constant 2 : i32
          %add3A_195 = arith.addi %mul3A_163, %add3A_194 : i32
          %get3A_196 = arith.index_cast %add3A_195 : i32 to index
          %get3A_197 = arith.constant 0 : index
          %get3A_198 = tpu.vector_load %arg11[%get3A_196, %get3A_197] {strides = array<i32>} : memref<512x16xf32, #tpu.memory_space<vmem>>, vector<16xf32>,
          %add3A_199 = arith.addf %get3A_198, %gather3A_193 : vector<16xf32>
          %max3A_200 = arith.constant 0.000000e+00 : f32
          %max3A_201 = vector.broadcast %max3A_200 : f32 to vector<16xf32>
          %max3A_202 = arith.maximumf %add3A_199, %max3A_201 : vector<16xf32>
          %add3A_203 = arith.constant 3 : i32
          %add3A_204 = arith.addi %mul3A_161, %add3A_203 : i32
          %add3A_205 = vector.broadcast %add3A_204 : i32 to vector<16xi32>
          %add3A_206 = arith.addi %broadcast_in_dim3A_9, %add3A_205 : vector<16xi32>
          %gather3A_207 = tpu.vector_load_idx %arg10[%add3A_157, %iota3A, %add3A_206] : memref<4x16x128xf32, #tpu.memory_space<vmem>>[vector<16xi32>, vector<16xi32>, vector<16xi32>], vector<16xf32>,
          %add3A_208 = arith.constant 3 : i32
          %add3A_209 = arith.addi %mul3A_163, %add3A_208 : i32
          %get3A_210 = arith.index_cast %add3A_209 : i32 to index
          %get3A_211 = arith.constant 0 : index
          %get3A_212 = tpu.vector_load %arg11[%get3A_210, %get3A_211] {strides = array<i32>} : memref<512x16xf32, #tpu.memory_space<vmem>>, vector<16xf32>,
          %add3A_213 = arith.addf %get3A_212, %gather3A_207 : vector<16xf32>
          %max3A_214 = arith.constant 0.000000e+00 : f32
          %max3A_215 = vector.broadcast %max3A_214 : f32 to vector<16xf32>
          %max3A_216 = arith.maximumf %add3A_213, %max3A_215 : vector<16xf32>
          %add3A_217 = arith.constant 4 : i32
          %add3A_218 = arith.addi %mul3A_161, %add3A_217 : i32
          %add3A_219 = vector.broadcast %add3A_218 : i32 to vector<16xi32>
          %add3A_220 = arith.addi %broadcast_in_dim3A_9, %add3A_219 : vector<16xi32>
          %gather3A_221 = tpu.vector_load_idx %arg10[%add3A_157, %iota3A, %add3A_220] : memref<4x16x128xf32, #tpu.memory_space<vmem>>[vector<16xi32>, vector<16xi32>, vector<16xi32>], vector<16xf32>,
          %add3A_222 = arith.constant 4 : i32
          %add3A_223 = arith.addi %mul3A_163, %add3A_222 : i32
          %get3A_224 = arith.index_cast %add3A_223 : i32 to index
          %get3A_225 = arith.constant 0 : index
          %get3A_226 = tpu.vector_load %arg11[%get3A_224, %get3A_225] {strides = array<i32>} : memref<512x16xf32, #tpu.memory_space<vmem>>, vector<16xf32>,
          %add3A_227 = arith.addf %get3A_226, %gather3A_221 : vector<16xf32>
          %max3A_228 = arith.constant 0.000000e+00 : f32
          %max3A_229 = vector.broadcast %max3A_228 : f32 to vector<16xf32>
          %max3A_230 = arith.maximumf %add3A_227, %max3A_229 : vector<16xf32>
          %add3A_231 = arith.constant 5 : i32
          %add3A_232 = arith.addi %mul3A_161, %add3A_231 : i32
          %add3A_233 = vector.broadcast %add3A_232 : i32 to vector<16xi32>
          %add3A_234 = arith.addi %broadcast_in_dim3A_9, %add3A_233 : vector<16xi32>
          %gather3A_235 = tpu.vector_load_idx %arg10[%add3A_157, %iota3A, %add3A_234] : memref<4x16x128xf32, #tpu.memory_space<vmem>>[vector<16xi32>, vector<16xi32>, vector<16xi32>], vector<16xf32>,
          %add3A_236 = arith.constant 5 : i32
          %add3A_237 = arith.addi %mul3A_163, %add3A_236 : i32
          %get3A_238 = arith.index_cast %add3A_237 : i32 to index
          %get3A_239 = arith.constant 0 : index
          %get3A_240 = tpu.vector_load %arg11[%get3A_238, %get3A_239] {strides = array<i32>} : memref<512x16xf32, #tpu.memory_space<vmem>>, vector<16xf32>,
          %add3A_241 = arith.addf %get3A_240, %gather3A_235 : vector<16xf32>
          %max3A_242 = arith.constant 0.000000e+00 : f32
          %max3A_243 = vector.broadcast %max3A_242 : f32 to vector<16xf32>
          %max3A_244 = arith.maximumf %add3A_241, %max3A_243 : vector<16xf32>
          %add3A_245 = arith.constant 6 : i32
          %add3A_246 = arith.addi %mul3A_161, %add3A_245 : i32
          %add3A_247 = vector.broadcast %add3A_246 : i32 to vector<16xi32>
          %add3A_248 = arith.addi %broadcast_in_dim3A_9, %add3A_247 : vector<16xi32>
          %gather3A_249 = tpu.vector_load_idx %arg10[%add3A_157, %iota3A, %add3A_248] : memref<4x16x128xf32, #tpu.memory_space<vmem>>[vector<16xi32>, vector<16xi32>, vector<16xi32>], vector<16xf32>,
          %add3A_250 = arith.constant 6 : i32
          %add3A_251 = arith.addi %mul3A_163, %add3A_250 : i32
          %get3A_252 = arith.index_cast %add3A_251 : i32 to index
          %get3A_253 = arith.constant 0 : index
          %get3A_254 = tpu.vector_load %arg11[%get3A_252, %get3A_253] {strides = array<i32>} : memref<512x16xf32, #tpu.memory_space<vmem>>, vector<16xf32>,
          %add3A_255 = arith.addf %get3A_254, %gather3A_249 : vector<16xf32>
          %max3A_256 = arith.constant 0.000000e+00 : f32
          %max3A_257 = vector.broadcast %max3A_256 : f32 to vector<16xf32>
          %max3A_258 = arith.maximumf %add3A_255, %max3A_257 : vector<16xf32>
          %add3A_259 = arith.constant 7 : i32
          %add3A_260 = arith.addi %mul3A_161, %add3A_259 : i32
          %add3A_261 = vector.broadcast %add3A_260 : i32 to vector<16xi32>
          %add3A_262 = arith.addi %broadcast_in_dim3A_9, %add3A_261 : vector<16xi32>
          %gather3A_263 = tpu.vector_load_idx %arg10[%add3A_157, %iota3A, %add3A_262] : memref<4x16x128xf32, #tpu.memory_space<vmem>>[vector<16xi32>, vector<16xi32>, vector<16xi32>], vector<16xf32>,
          %add3A_264 = arith.constant 7 : i32
          %add3A_265 = arith.addi %mul3A_163, %add3A_264 : i32
          %get3A_266 = arith.index_cast %add3A_265 : i32 to index
          %get3A_267 = arith.constant 0 : index
          %get3A_268 = tpu.vector_load %arg11[%get3A_266, %get3A_267] {strides = array<i32>} : memref<512x16xf32, #tpu.memory_space<vmem>>, vector<16xf32>,
          %add3A_269 = arith.addf %get3A_268, %gather3A_263 : vector<16xf32>
          %max3A_270 = arith.constant 0.000000e+00 : f32
          %max3A_271 = vector.broadcast %max3A_270 : f32 to vector<16xf32>
          %max3A_272 = arith.maximumf %add3A_269, %max3A_271 : vector<16xf32>
          %add3A_273 = arith.constant 0 : i32
          %add3A_274 = arith.addi %mul3A_163, %add3A_273 : i32
          %swap3A = arith.index_cast %add3A_274 : i32 to index
          %swap3A_275 = arith.constant 0 : index
          %swap3A_276 = tpu.vector_load %arg12[%swap3A, %swap3A_275] {strides = array<i32>} : memref<512x16xf32, #tpu.memory_space<vmem>>, vector<16xf32>,
          tpu.vector_store %arg12[%swap3A, %swap3A_275], %max3A_174 {strides = array<i32>} : memref<512x16xf32, #tpu.memory_space<vmem>>, vector<16xf32>,
          %add3A_277 = arith.constant 1 : i32
          %add3A_278 = arith.addi %mul3A_163, %add3A_277 : i32
          %swap3A_279 = arith.index_cast %add3A_278 : i32 to index
          %swap3A_280 = arith.constant 0 : index
          %swap3A_281 = tpu.vector_load %arg12[%swap3A_279, %swap3A_280] {strides = array<i32>} : memref<512x16xf32, #tpu.memory_space<vmem>>, vector<16xf32>,
          tpu.vector_store %arg12[%swap3A_279, %swap3A_280], %max3A_188 {strides = array<i32>} : memref<512x16xf32, #tpu.memory_space<vmem>>, vector<16xf32>,
          %add3A_282 = arith.constant 2 : i32
          %add3A_283 = arith.addi %mul3A_163, %add3A_282 : i32
          %swap3A_284 = arith.index_cast %add3A_283 : i32 to index
          %swap3A_285 = arith.constant 0 : index
          %swap3A_286 = tpu.vector_load %arg12[%swap3A_284, %swap3A_285] {strides = array<i32>} : memref<512x16xf32, #tpu.memory_space<vmem>>, vector<16xf32>,
          tpu.vector_store %arg12[%swap3A_284, %swap3A_285], %max3A_202 {strides = array<i32>} : memref<512x16xf32, #tpu.memory_space<vmem>>, vector<16xf32>,
          %add3A_287 = arith.constant 3 : i32
          %add3A_288 = arith.addi %mul3A_163, %add3A_287 : i32
          %swap3A_289 = arith.index_cast %add3A_288 : i32 to index
          %swap3A_290 = arith.constant 0 : index
          %swap3A_291 = tpu.vector_load %arg12[%swap3A_289, %swap3A_290] {strides = array<i32>} : memref<512x16xf32, #tpu.memory_space<vmem>>, vector<16xf32>,
          tpu.vector_store %arg12[%swap3A_289, %swap3A_290], %max3A_216 {strides = array<i32>} : memref<512x16xf32, #tpu.memory_space<vmem>>, vector<16xf32>,
          %add3A_292 = arith.constant 4 : i32
          %add3A_293 = arith.addi %mul3A_163, %add3A_292 : i32
          %swap3A_294 = arith.index_cast %add3A_293 : i32 to index
          %swap3A_295 = arith.constant 0 : index
          %swap3A_296 = tpu.vector_load %arg12[%swap3A_294, %swap3A_295] {strides = array<i32>} : memref<512x16xf32, #tpu.memory_space<vmem>>, vector<16xf32>,
          tpu.vector_store %arg12[%swap3A_294, %swap3A_295], %max3A_230 {strides = array<i32>} : memref<512x16xf32, #tpu.memory_space<vmem>>, vector<16xf32>,
          %add3A_297 = arith.constant 5 : i32
          %add3A_298 = arith.addi %mul3A_163, %add3A_297 : i32
          %swap3A_299 = arith.index_cast %add3A_298 : i32 to index
          %swap3A_300 = arith.constant 0 : index
          %swap3A_301 = tpu.vector_load %arg12[%swap3A_299, %swap3A_300] {strides = array<i32>} : memref<512x16xf32, #tpu.memory_space<vmem>>, vector<16xf32>,
          tpu.vector_store %arg12[%swap3A_299, %swap3A_300], %max3A_244 {strides = array<i32>} : memref<512x16xf32, #tpu.memory_space<vmem>>, vector<16xf32>,
          %add3A_302 = arith.constant 6 : i32
          %add3A_303 = arith.addi %mul3A_163, %add3A_302 : i32
          %swap3A_304 = arith.index_cast %add3A_303 : i32 to index
          %swap3A_305 = arith.constant 0 : index
          %swap3A_306 = tpu.vector_load %arg12[%swap3A_304, %swap3A_305] {strides = array<i32>} : memref<512x16xf32, #tpu.memory_space<vmem>>, vector<16xf32>,
          tpu.vector_store %arg12[%swap3A_304, %swap3A_305], %max3A_258 {strides = array<i32>} : memref<512x16xf32, #tpu.memory_space<vmem>>, vector<16xf32>,
          %add3A_307 = arith.constant 7 : i32
          %add3A_308 = arith.addi %mul3A_163, %add3A_307 : i32
          %swap3A_309 = arith.index_cast %add3A_308 : i32 to index
          %swap3A_310 = arith.constant 0 : index
          %swap3A_311 = tpu.vector_load %arg12[%swap3A_309, %swap3A_310] {strides = array<i32>} : memref<512x16xf32, #tpu.memory_space<vmem>>, vector<16xf32>,
          tpu.vector_store %arg12[%swap3A_309, %swap3A_310], %max3A_272 {strides = array<i32>} : memref<512x16xf32, #tpu.memory_space<vmem>>, vector<16xf32>,
          %scan3A_312 = arith.constant 0 : i32
          scf.yield %scan3A_312 : i32
        }
        %scan3A_140 = arith.constant 64 : i32
        %dma_start3A_141 = arith.constant 0 : i32
        %dma_start3A_142 = arith.constant 0 : i32
        %dma_start3A_143 = tpu.memref_slice %arg19[%dma_start3A_141, %dma_start3A_142] : memref<50048x16xf32, #tpu.memory_space<vmem_shared>> -> memref<50048x16xf32, #tpu.memory_space<vmem_shared>>
        tpu.enqueue_indirect_dma source(%arg12 : memref<512x16xf32, #tpu.memory_space<vmem>>) target(%dma_start3A_143 : memref<50048x16xf32, #tpu.memory_space<vmem_shared>>) offsets(%arg9 : memref<512xi32, #tpu.memory_space<vmem>>) semaphore(%arg22 : memref<!tpu.dma_semaphore, #tpu.memory_space<semaphore_mem>>) {add = true}
        %dma_wait3A_144 = arith.constant 0 : i32
        %dma_wait3A_145 = arith.constant 0 : i32
        %dma_wait3A_146 = tpu.memref_slice %arg19[%dma_wait3A_144, %dma_wait3A_145] : memref<50048x16xf32, #tpu.memory_space<vmem_shared>> -> memref<50048x16xf32, #tpu.memory_space<vmem_shared>>
        tpu.wait_indirect_dma semaphore(%arg22 : memref<!tpu.dma_semaphore, #tpu.memory_space<semaphore_mem>>) src(%arg12 : memref<512x16xf32, #tpu.memory_space<vmem>>) dst(%dma_wait3A_146 : memref<50048x16xf32, #tpu.memory_space<vmem_shared>>)
        %add3A_147 = arith.constant 2 : i32
        %add3A_148 = arith.addi %while3A_106, %add3A_147 : i32
        %lt3A_149 = arith.cmpi slt, %add3A_148, %select_n3A : i32
        %convert_element_type3A_150 = arith.extui %lt3A_149 : i1 to i32
        %cond3A_151 = arith.constant 0 : i32
        %cond3A_152 = arith.cmpi ne, %convert_element_type3A_150, %cond3A_151 : i32
        scf.if %cond3A_152 {
          %add3A_153 = arith.constant 2 : i32
          %add3A_154 = arith.addi %while3A_106, %add3A_153 : i32
          %add3A_155 = arith.addi %add3A_6, %add3A_154 : i32
          %mul3A_156 = arith.constant 512 : i32
          %mul3A_157 = arith.muli %mul3A_156, %add3A_155 : i32
          "tpu.region"() ({
            %run_scoped3A_171 = tpu.sem_alloc : memref<!tpu.dma_semaphore, #tpu.memory_space<semaphore_mem>>
            %dma_start3A_172 = tpu.memref_slice %arg2[%mul3A_157] : memref<1602560xi32, #tpu.memory_space<hbm>> -> memref<512xi32, #tpu.memory_space<hbm>>
            %dma_start3A_173 = tpu.memref_slice %arg2[%mul3A_157] : memref<1602560xi32, #tpu.memory_space<hbm>> -> memref<512xi32, #tpu.memory_space<hbm>>
            tpu.enqueue_dma source(%dma_start3A_173 : memref<512xi32, #tpu.memory_space<hbm>>) target(%arg8 : memref<512xi32, #tpu.memory_space<vmem>>) target_semaphore(%run_scoped3A_171 : memref<!tpu.dma_semaphore, #tpu.memory_space<semaphore_mem>>)
            %dma_wait3A_174 = tpu.memref_slice %arg2[%mul3A_157] : memref<1602560xi32, #tpu.memory_space<hbm>> -> memref<512xi32, #tpu.memory_space<hbm>>
            %dma_wait3A_175 = tpu.memref_slice %arg2[%mul3A_157] : memref<1602560xi32, #tpu.memory_space<hbm>> -> memref<512xi32, #tpu.memory_space<hbm>>
            tpu.wait_dma2 semaphore(%run_scoped3A_171 : memref<!tpu.dma_semaphore, #tpu.memory_space<semaphore_mem>>) src(%dma_wait3A_175 : memref<512xi32, #tpu.memory_space<hbm>>) dst(%arg8 : memref<512xi32, #tpu.memory_space<vmem>>)
            tpu.yield
          }) : () -> ()
          %mul3A_158 = arith.constant 512 : i32
          %mul3A_159 = arith.muli %mul3A_158, %add3A_155 : i32
          "tpu.region"() ({
            %run_scoped3A_171 = tpu.sem_alloc : memref<!tpu.dma_semaphore, #tpu.memory_space<semaphore_mem>>
            %dma_start3A_172 = tpu.memref_slice %arg3[%mul3A_159] : memref<1602560xi32, #tpu.memory_space<hbm>> -> memref<512xi32, #tpu.memory_space<hbm>>
            %dma_start3A_173 = tpu.memref_slice %arg3[%mul3A_159] : memref<1602560xi32, #tpu.memory_space<hbm>> -> memref<512xi32, #tpu.memory_space<hbm>>
            tpu.enqueue_dma source(%dma_start3A_173 : memref<512xi32, #tpu.memory_space<hbm>>) target(%arg9 : memref<512xi32, #tpu.memory_space<vmem>>) target_semaphore(%run_scoped3A_171 : memref<!tpu.dma_semaphore, #tpu.memory_space<semaphore_mem>>)
            %dma_wait3A_174 = tpu.memref_slice %arg3[%mul3A_159] : memref<1602560xi32, #tpu.memory_space<hbm>> -> memref<512xi32, #tpu.memory_space<hbm>>
            %dma_wait3A_175 = tpu.memref_slice %arg3[%mul3A_159] : memref<1602560xi32, #tpu.memory_space<hbm>> -> memref<512xi32, #tpu.memory_space<hbm>>
            tpu.wait_dma2 semaphore(%run_scoped3A_171 : memref<!tpu.dma_semaphore, #tpu.memory_space<semaphore_mem>>) src(%dma_wait3A_175 : memref<512xi32, #tpu.memory_space<hbm>>) dst(%arg9 : memref<512xi32, #tpu.memory_space<vmem>>)
            tpu.yield
          }) : () -> ()
          %mul3A_160 = arith.constant 4 : i32
          %mul3A_161 = arith.muli %mul3A_160, %add3A_155 : i32
          %dma_start3A_162 = arith.constant 16 : i32
          %dma_start3A_163 = arith.constant 0 : i32
          %dma_start3A_164 = tpu.memref_slice %arg4[%mul3A_161, %dma_start3A_162, %dma_start3A_163] : memref<12520x32x128xf32, #tpu.memory_space<hbm>> -> memref<4x16x128xf32, #tpu.memory_space<hbm>>
          %dma_start3A_165 = arith.constant 16 : i32
          %dma_start3A_166 = arith.constant 0 : i32
          %dma_start3A_167 = tpu.memref_slice %arg4[%mul3A_161, %dma_start3A_165, %dma_start3A_166] : memref<12520x32x128xf32, #tpu.memory_space<hbm>> -> memref<4x16x128xf32, #tpu.memory_space<hbm>>
          tpu.enqueue_dma source(%dma_start3A_167 : memref<4x16x128xf32, #tpu.memory_space<hbm>>) target(%arg10 : memref<4x16x128xf32, #tpu.memory_space<vmem>>) target_semaphore(%arg21 : memref<!tpu.dma_semaphore, #tpu.memory_space<semaphore_mem>>)
          %dma_start3A_168 = arith.constant 0 : i32
          %dma_start3A_169 = arith.constant 0 : i32
          %dma_start3A_170 = tpu.memref_slice %arg6[%dma_start3A_168, %dma_start3A_169] : memref<50000x16xf32, #tpu.memory_space<hbm>> -> memref<50000x16xf32, #tpu.memory_space<hbm>>
          tpu.enqueue_indirect_dma source(%dma_start3A_170 : memref<50000x16xf32, #tpu.memory_space<hbm>>) target(%arg11 : memref<512x16xf32, #tpu.memory_space<vmem>>) offsets(%arg8 : memref<512xi32, #tpu.memory_space<vmem>>) semaphore(%arg20 : memref<!tpu.dma_semaphore, #tpu.memory_space<semaphore_mem>>)
        } else {
        }
      } else {
      }
      %and3A_113 = arith.constant 1 : i32
      %and3A_114 = arith.andi %while3A_106, %and3A_113 : i32
      %eq3A_115 = arith.constant 1 : i32
      %eq3A_116 = arith.cmpi eq, %and3A_114, %eq3A_115 : i32
      %convert_element_type3A_117 = arith.extui %eq3A_116 : i1 to i32
      %cond3A_118 = arith.constant 0 : i32
      %cond3A_119 = arith.cmpi ne, %convert_element_type3A_117, %cond3A_118 : i32
      scf.if %cond3A_119 {
        %dma_wait3A = arith.constant 0 : i32
        %dma_wait3A_121 = arith.constant 0 : i32
        %dma_wait3A_122 = arith.constant 0 : i32
        %dma_wait3A_123 = tpu.memref_slice %arg4[%dma_wait3A, %dma_wait3A_121, %dma_wait3A_122] : memref<12520x32x128xf32, #tpu.memory_space<hbm>> -> memref<4x16x128xf32, #tpu.memory_space<hbm>>
        %dma_wait3A_124 = arith.constant 0 : i32
        %dma_wait3A_125 = arith.constant 0 : i32
        %dma_wait3A_126 = arith.constant 0 : i32
        %dma_wait3A_127 = tpu.memref_slice %arg4[%dma_wait3A_124, %dma_wait3A_125, %dma_wait3A_126] : memref<12520x32x128xf32, #tpu.memory_space<hbm>> -> memref<4x16x128xf32, #tpu.memory_space<hbm>>
        tpu.wait_dma2 semaphore(%arg24 : memref<!tpu.dma_semaphore, #tpu.memory_space<semaphore_mem>>) src(%dma_wait3A_127 : memref<4x16x128xf32, #tpu.memory_space<hbm>>) dst(%arg15 : memref<4x16x128xf32, #tpu.memory_space<vmem>>)
        %dma_wait3A_128 = arith.constant 0 : i32
        %dma_wait3A_129 = arith.constant 0 : i32
        %dma_wait3A_130 = tpu.memref_slice %arg6[%dma_wait3A_128, %dma_wait3A_129] : memref<50000x16xf32, #tpu.memory_space<hbm>> -> memref<512x16xf32, #tpu.memory_space<hbm>>
        %dma_wait3A_131 = arith.constant 0 : i32
        %dma_wait3A_132 = arith.constant 0 : i32
        %dma_wait3A_133 = tpu.memref_slice %arg6[%dma_wait3A_131, %dma_wait3A_132] : memref<50000x16xf32, #tpu.memory_space<hbm>> -> memref<512x16xf32, #tpu.memory_space<hbm>>
        tpu.wait_dma2 semaphore(%arg23 : memref<!tpu.dma_semaphore, #tpu.memory_space<semaphore_mem>>) src(%dma_wait3A_133 : memref<512x16xf32, #tpu.memory_space<hbm>>) dst(%arg16 : memref<512x16xf32, #tpu.memory_space<vmem>>)
        %scan3A_134 = arith.constant 0 : i32
        %scan3A_135 = arith.constant 0 : i32
        %scan3A_136 = arith.constant 64 : i32
        %scan3A_137 = arith.addi %scan3A_135, %scan3A_136 : i32
        %scan3A_138 = arith.constant 1 : i32
        %scan3A_139 = scf.for %scan3A_153 = %scan3A_135 to %scan3A_137 step %scan3A_138 iter_args(%scan3A_154 = %scan3A_134) -> (i32)  : i32 {
          %shift_right_logical3A = arith.constant 4 : i32
          %shift_right_logical3A_155 = arith.shrui %scan3A_153, %shift_right_logical3A : i32
          %add3A_156 = vector.broadcast %shift_right_logical3A_155 : i32 to vector<16xi32>
          %add3A_157 = arith.addi %broadcast_in_dim3A_9, %add3A_156 : vector<16xi32>
          %and3A_158 = arith.constant 15 : i32
          %and3A_159 = arith.andi %scan3A_153, %and3A_158 : i32
          %mul3A_160 = arith.constant 8 : i32
          %mul3A_161 = arith.muli %and3A_159, %mul3A_160 : i32
          %mul3A_162 = arith.constant 8 : i32
          %mul3A_163 = arith.muli %scan3A_153, %mul3A_162 : i32
          %add3A_164 = arith.constant 0 : i32
          %add3A_165 = arith.addi %mul3A_161, %add3A_164 : i32
          %add3A_166 = vector.broadcast %add3A_165 : i32 to vector<16xi32>
          %add3A_167 = arith.addi %broadcast_in_dim3A_9, %add3A_166 : vector<16xi32>
          %gather3A = tpu.vector_load_idx %arg15[%add3A_157, %iota3A, %add3A_167] : memref<4x16x128xf32, #tpu.memory_space<vmem>>[vector<16xi32>, vector<16xi32>, vector<16xi32>], vector<16xf32>,
          %add3A_168 = arith.constant 0 : i32
          %add3A_169 = arith.addi %mul3A_163, %add3A_168 : i32
          %get3A = arith.index_cast %add3A_169 : i32 to index
          %get3A_170 = arith.constant 0 : index
          %get3A_171 = tpu.vector_load %arg16[%get3A, %get3A_170] {strides = array<i32>} : memref<512x16xf32, #tpu.memory_space<vmem>>, vector<16xf32>,
          %add3A_172 = arith.addf %get3A_171, %gather3A : vector<16xf32>
          %max3A = arith.constant 0.000000e+00 : f32
          %max3A_173 = vector.broadcast %max3A : f32 to vector<16xf32>
          %max3A_174 = arith.maximumf %add3A_172, %max3A_173 : vector<16xf32>
          %add3A_175 = arith.constant 1 : i32
          %add3A_176 = arith.addi %mul3A_161, %add3A_175 : i32
          %add3A_177 = vector.broadcast %add3A_176 : i32 to vector<16xi32>
          %add3A_178 = arith.addi %broadcast_in_dim3A_9, %add3A_177 : vector<16xi32>
          %gather3A_179 = tpu.vector_load_idx %arg15[%add3A_157, %iota3A, %add3A_178] : memref<4x16x128xf32, #tpu.memory_space<vmem>>[vector<16xi32>, vector<16xi32>, vector<16xi32>], vector<16xf32>,
          %add3A_180 = arith.constant 1 : i32
          %add3A_181 = arith.addi %mul3A_163, %add3A_180 : i32
          %get3A_182 = arith.index_cast %add3A_181 : i32 to index
          %get3A_183 = arith.constant 0 : index
          %get3A_184 = tpu.vector_load %arg16[%get3A_182, %get3A_183] {strides = array<i32>} : memref<512x16xf32, #tpu.memory_space<vmem>>, vector<16xf32>,
          %add3A_185 = arith.addf %get3A_184, %gather3A_179 : vector<16xf32>
          %max3A_186 = arith.constant 0.000000e+00 : f32
          %max3A_187 = vector.broadcast %max3A_186 : f32 to vector<16xf32>
          %max3A_188 = arith.maximumf %add3A_185, %max3A_187 : vector<16xf32>
          %add3A_189 = arith.constant 2 : i32
          %add3A_190 = arith.addi %mul3A_161, %add3A_189 : i32
          %add3A_191 = vector.broadcast %add3A_190 : i32 to vector<16xi32>
          %add3A_192 = arith.addi %broadcast_in_dim3A_9, %add3A_191 : vector<16xi32>
          %gather3A_193 = tpu.vector_load_idx %arg15[%add3A_157, %iota3A, %add3A_192] : memref<4x16x128xf32, #tpu.memory_space<vmem>>[vector<16xi32>, vector<16xi32>, vector<16xi32>], vector<16xf32>,
          %add3A_194 = arith.constant 2 : i32
          %add3A_195 = arith.addi %mul3A_163, %add3A_194 : i32
          %get3A_196 = arith.index_cast %add3A_195 : i32 to index
          %get3A_197 = arith.constant 0 : index
          %get3A_198 = tpu.vector_load %arg16[%get3A_196, %get3A_197] {strides = array<i32>} : memref<512x16xf32, #tpu.memory_space<vmem>>, vector<16xf32>,
          %add3A_199 = arith.addf %get3A_198, %gather3A_193 : vector<16xf32>
          %max3A_200 = arith.constant 0.000000e+00 : f32
          %max3A_201 = vector.broadcast %max3A_200 : f32 to vector<16xf32>
          %max3A_202 = arith.maximumf %add3A_199, %max3A_201 : vector<16xf32>
          %add3A_203 = arith.constant 3 : i32
          %add3A_204 = arith.addi %mul3A_161, %add3A_203 : i32
          %add3A_205 = vector.broadcast %add3A_204 : i32 to vector<16xi32>
          %add3A_206 = arith.addi %broadcast_in_dim3A_9, %add3A_205 : vector<16xi32>
          %gather3A_207 = tpu.vector_load_idx %arg15[%add3A_157, %iota3A, %add3A_206] : memref<4x16x128xf32, #tpu.memory_space<vmem>>[vector<16xi32>, vector<16xi32>, vector<16xi32>], vector<16xf32>,
          %add3A_208 = arith.constant 3 : i32
          %add3A_209 = arith.addi %mul3A_163, %add3A_208 : i32
          %get3A_210 = arith.index_cast %add3A_209 : i32 to index
          %get3A_211 = arith.constant 0 : index
          %get3A_212 = tpu.vector_load %arg16[%get3A_210, %get3A_211] {strides = array<i32>} : memref<512x16xf32, #tpu.memory_space<vmem>>, vector<16xf32>,
          %add3A_213 = arith.addf %get3A_212, %gather3A_207 : vector<16xf32>
          %max3A_214 = arith.constant 0.000000e+00 : f32
          %max3A_215 = vector.broadcast %max3A_214 : f32 to vector<16xf32>
          %max3A_216 = arith.maximumf %add3A_213, %max3A_215 : vector<16xf32>
          %add3A_217 = arith.constant 4 : i32
          %add3A_218 = arith.addi %mul3A_161, %add3A_217 : i32
          %add3A_219 = vector.broadcast %add3A_218 : i32 to vector<16xi32>
          %add3A_220 = arith.addi %broadcast_in_dim3A_9, %add3A_219 : vector<16xi32>
          %gather3A_221 = tpu.vector_load_idx %arg15[%add3A_157, %iota3A, %add3A_220] : memref<4x16x128xf32, #tpu.memory_space<vmem>>[vector<16xi32>, vector<16xi32>, vector<16xi32>], vector<16xf32>,
          %add3A_222 = arith.constant 4 : i32
          %add3A_223 = arith.addi %mul3A_163, %add3A_222 : i32
          %get3A_224 = arith.index_cast %add3A_223 : i32 to index
          %get3A_225 = arith.constant 0 : index
          %get3A_226 = tpu.vector_load %arg16[%get3A_224, %get3A_225] {strides = array<i32>} : memref<512x16xf32, #tpu.memory_space<vmem>>, vector<16xf32>,
          %add3A_227 = arith.addf %get3A_226, %gather3A_221 : vector<16xf32>
          %max3A_228 = arith.constant 0.000000e+00 : f32
          %max3A_229 = vector.broadcast %max3A_228 : f32 to vector<16xf32>
          %max3A_230 = arith.maximumf %add3A_227, %max3A_229 : vector<16xf32>
          %add3A_231 = arith.constant 5 : i32
          %add3A_232 = arith.addi %mul3A_161, %add3A_231 : i32
          %add3A_233 = vector.broadcast %add3A_232 : i32 to vector<16xi32>
          %add3A_234 = arith.addi %broadcast_in_dim3A_9, %add3A_233 : vector<16xi32>
          %gather3A_235 = tpu.vector_load_idx %arg15[%add3A_157, %iota3A, %add3A_234] : memref<4x16x128xf32, #tpu.memory_space<vmem>>[vector<16xi32>, vector<16xi32>, vector<16xi32>], vector<16xf32>,
          %add3A_236 = arith.constant 5 : i32
          %add3A_237 = arith.addi %mul3A_163, %add3A_236 : i32
          %get3A_238 = arith.index_cast %add3A_237 : i32 to index
          %get3A_239 = arith.constant 0 : index
          %get3A_240 = tpu.vector_load %arg16[%get3A_238, %get3A_239] {strides = array<i32>} : memref<512x16xf32, #tpu.memory_space<vmem>>, vector<16xf32>,
          %add3A_241 = arith.addf %get3A_240, %gather3A_235 : vector<16xf32>
          %max3A_242 = arith.constant 0.000000e+00 : f32
          %max3A_243 = vector.broadcast %max3A_242 : f32 to vector<16xf32>
          %max3A_244 = arith.maximumf %add3A_241, %max3A_243 : vector<16xf32>
          %add3A_245 = arith.constant 6 : i32
          %add3A_246 = arith.addi %mul3A_161, %add3A_245 : i32
          %add3A_247 = vector.broadcast %add3A_246 : i32 to vector<16xi32>
          %add3A_248 = arith.addi %broadcast_in_dim3A_9, %add3A_247 : vector<16xi32>
          %gather3A_249 = tpu.vector_load_idx %arg15[%add3A_157, %iota3A, %add3A_248] : memref<4x16x128xf32, #tpu.memory_space<vmem>>[vector<16xi32>, vector<16xi32>, vector<16xi32>], vector<16xf32>,
          %add3A_250 = arith.constant 6 : i32
          %add3A_251 = arith.addi %mul3A_163, %add3A_250 : i32
          %get3A_252 = arith.index_cast %add3A_251 : i32 to index
          %get3A_253 = arith.constant 0 : index
          %get3A_254 = tpu.vector_load %arg16[%get3A_252, %get3A_253] {strides = array<i32>} : memref<512x16xf32, #tpu.memory_space<vmem>>, vector<16xf32>,
          %add3A_255 = arith.addf %get3A_254, %gather3A_249 : vector<16xf32>
          %max3A_256 = arith.constant 0.000000e+00 : f32
          %max3A_257 = vector.broadcast %max3A_256 : f32 to vector<16xf32>
          %max3A_258 = arith.maximumf %add3A_255, %max3A_257 : vector<16xf32>
          %add3A_259 = arith.constant 7 : i32
          %add3A_260 = arith.addi %mul3A_161, %add3A_259 : i32
          %add3A_261 = vector.broadcast %add3A_260 : i32 to vector<16xi32>
          %add3A_262 = arith.addi %broadcast_in_dim3A_9, %add3A_261 : vector<16xi32>
          %gather3A_263 = tpu.vector_load_idx %arg15[%add3A_157, %iota3A, %add3A_262] : memref<4x16x128xf32, #tpu.memory_space<vmem>>[vector<16xi32>, vector<16xi32>, vector<16xi32>], vector<16xf32>,
          %add3A_264 = arith.constant 7 : i32
          %add3A_265 = arith.addi %mul3A_163, %add3A_264 : i32
          %get3A_266 = arith.index_cast %add3A_265 : i32 to index
          %get3A_267 = arith.constant 0 : index
          %get3A_268 = tpu.vector_load %arg16[%get3A_266, %get3A_267] {strides = array<i32>} : memref<512x16xf32, #tpu.memory_space<vmem>>, vector<16xf32>,
          %add3A_269 = arith.addf %get3A_268, %gather3A_263 : vector<16xf32>
          %max3A_270 = arith.constant 0.000000e+00 : f32
          %max3A_271 = vector.broadcast %max3A_270 : f32 to vector<16xf32>
          %max3A_272 = arith.maximumf %add3A_269, %max3A_271 : vector<16xf32>
          %add3A_273 = arith.constant 0 : i32
          %add3A_274 = arith.addi %mul3A_163, %add3A_273 : i32
          %swap3A = arith.index_cast %add3A_274 : i32 to index
          %swap3A_275 = arith.constant 0 : index
          %swap3A_276 = tpu.vector_load %arg17[%swap3A, %swap3A_275] {strides = array<i32>} : memref<512x16xf32, #tpu.memory_space<vmem>>, vector<16xf32>,
          tpu.vector_store %arg17[%swap3A, %swap3A_275], %max3A_174 {strides = array<i32>} : memref<512x16xf32, #tpu.memory_space<vmem>>, vector<16xf32>,
          %add3A_277 = arith.constant 1 : i32
          %add3A_278 = arith.addi %mul3A_163, %add3A_277 : i32
          %swap3A_279 = arith.index_cast %add3A_278 : i32 to index
          %swap3A_280 = arith.constant 0 : index
          %swap3A_281 = tpu.vector_load %arg17[%swap3A_279, %swap3A_280] {strides = array<i32>} : memref<512x16xf32, #tpu.memory_space<vmem>>, vector<16xf32>,
          tpu.vector_store %arg17[%swap3A_279, %swap3A_280], %max3A_188 {strides = array<i32>} : memref<512x16xf32, #tpu.memory_space<vmem>>, vector<16xf32>,
          %add3A_282 = arith.constant 2 : i32
          %add3A_283 = arith.addi %mul3A_163, %add3A_282 : i32
          %swap3A_284 = arith.index_cast %add3A_283 : i32 to index
          %swap3A_285 = arith.constant 0 : index
          %swap3A_286 = tpu.vector_load %arg17[%swap3A_284, %swap3A_285] {strides = array<i32>} : memref<512x16xf32, #tpu.memory_space<vmem>>, vector<16xf32>,
          tpu.vector_store %arg17[%swap3A_284, %swap3A_285], %max3A_202 {strides = array<i32>} : memref<512x16xf32, #tpu.memory_space<vmem>>, vector<16xf32>,
          %add3A_287 = arith.constant 3 : i32
          %add3A_288 = arith.addi %mul3A_163, %add3A_287 : i32
          %swap3A_289 = arith.index_cast %add3A_288 : i32 to index
          %swap3A_290 = arith.constant 0 : index
          %swap3A_291 = tpu.vector_load %arg17[%swap3A_289, %swap3A_290] {strides = array<i32>} : memref<512x16xf32, #tpu.memory_space<vmem>>, vector<16xf32>,
          tpu.vector_store %arg17[%swap3A_289, %swap3A_290], %max3A_216 {strides = array<i32>} : memref<512x16xf32, #tpu.memory_space<vmem>>, vector<16xf32>,
          %add3A_292 = arith.constant 4 : i32
          %add3A_293 = arith.addi %mul3A_163, %add3A_292 : i32
          %swap3A_294 = arith.index_cast %add3A_293 : i32 to index
          %swap3A_295 = arith.constant 0 : index
          %swap3A_296 = tpu.vector_load %arg17[%swap3A_294, %swap3A_295] {strides = array<i32>} : memref<512x16xf32, #tpu.memory_space<vmem>>, vector<16xf32>,
          tpu.vector_store %arg17[%swap3A_294, %swap3A_295], %max3A_230 {strides = array<i32>} : memref<512x16xf32, #tpu.memory_space<vmem>>, vector<16xf32>,
          %add3A_297 = arith.constant 5 : i32
          %add3A_298 = arith.addi %mul3A_163, %add3A_297 : i32
          %swap3A_299 = arith.index_cast %add3A_298 : i32 to index
          %swap3A_300 = arith.constant 0 : index
          %swap3A_301 = tpu.vector_load %arg17[%swap3A_299, %swap3A_300] {strides = array<i32>} : memref<512x16xf32, #tpu.memory_space<vmem>>, vector<16xf32>,
          tpu.vector_store %arg17[%swap3A_299, %swap3A_300], %max3A_244 {strides = array<i32>} : memref<512x16xf32, #tpu.memory_space<vmem>>, vector<16xf32>,
          %add3A_302 = arith.constant 6 : i32
          %add3A_303 = arith.addi %mul3A_163, %add3A_302 : i32
          %swap3A_304 = arith.index_cast %add3A_303 : i32 to index
          %swap3A_305 = arith.constant 0 : index
          %swap3A_306 = tpu.vector_load %arg17[%swap3A_304, %swap3A_305] {strides = array<i32>} : memref<512x16xf32, #tpu.memory_space<vmem>>, vector<16xf32>,
          tpu.vector_store %arg17[%swap3A_304, %swap3A_305], %max3A_258 {strides = array<i32>} : memref<512x16xf32, #tpu.memory_space<vmem>>, vector<16xf32>,
          %add3A_307 = arith.constant 7 : i32
          %add3A_308 = arith.addi %mul3A_163, %add3A_307 : i32
          %swap3A_309 = arith.index_cast %add3A_308 : i32 to index
          %swap3A_310 = arith.constant 0 : index
          %swap3A_311 = tpu.vector_load %arg17[%swap3A_309, %swap3A_310] {strides = array<i32>} : memref<512x16xf32, #tpu.memory_space<vmem>>, vector<16xf32>,
          tpu.vector_store %arg17[%swap3A_309, %swap3A_310], %max3A_272 {strides = array<i32>} : memref<512x16xf32, #tpu.memory_space<vmem>>, vector<16xf32>,
          %scan3A_312 = arith.constant 0 : i32
          scf.yield %scan3A_312 : i32
        }
        %scan3A_140 = arith.constant 64 : i32
        %dma_start3A_141 = arith.constant 0 : i32
        %dma_start3A_142 = arith.constant 0 : i32
        %dma_start3A_143 = tpu.memref_slice %arg19[%dma_start3A_141, %dma_start3A_142] : memref<50048x16xf32, #tpu.memory_space<vmem_shared>> -> memref<50048x16xf32, #tpu.memory_space<vmem_shared>>
        tpu.enqueue_indirect_dma source(%arg17 : memref<512x16xf32, #tpu.memory_space<vmem>>) target(%dma_start3A_143 : memref<50048x16xf32, #tpu.memory_space<vmem_shared>>) offsets(%arg14 : memref<512xi32, #tpu.memory_space<vmem>>) semaphore(%arg25 : memref<!tpu.dma_semaphore, #tpu.memory_space<semaphore_mem>>) {add = true}
        %dma_wait3A_144 = arith.constant 0 : i32
        %dma_wait3A_145 = arith.constant 0 : i32
        %dma_wait3A_146 = tpu.memref_slice %arg19[%dma_wait3A_144, %dma_wait3A_145] : memref<50048x16xf32, #tpu.memory_space<vmem_shared>> -> memref<50048x16xf32, #tpu.memory_space<vmem_shared>>
        tpu.wait_indirect_dma semaphore(%arg25 : memref<!tpu.dma_semaphore, #tpu.memory_space<semaphore_mem>>) src(%arg17 : memref<512x16xf32, #tpu.memory_space<vmem>>) dst(%dma_wait3A_146 : memref<50048x16xf32, #tpu.memory_space<vmem_shared>>)
        %add3A_147 = arith.constant 2 : i32
        %add3A_148 = arith.addi %while3A_106, %add3A_147 : i32
        %lt3A_149 = arith.cmpi slt, %add3A_148, %select_n3A : i32
        %convert_element_type3A_150 = arith.extui %lt3A_149 : i1 to i32
        %cond3A_151 = arith.constant 0 : i32
        %cond3A_152 = arith.cmpi ne, %convert_element_type3A_150, %cond3A_151 : i32
        scf.if %cond3A_152 {
          %add3A_153 = arith.constant 2 : i32
          %add3A_154 = arith.addi %while3A_106, %add3A_153 : i32
          %add3A_155 = arith.addi %add3A_6, %add3A_154 : i32
          %mul3A_156 = arith.constant 512 : i32
          %mul3A_157 = arith.muli %mul3A_156, %add3A_155 : i32
          "tpu.region"() ({
            %run_scoped3A_171 = tpu.sem_alloc : memref<!tpu.dma_semaphore, #tpu.memory_space<semaphore_mem>>
            %dma_start3A_172 = tpu.memref_slice %arg2[%mul3A_157] : memref<1602560xi32, #tpu.memory_space<hbm>> -> memref<512xi32, #tpu.memory_space<hbm>>
            %dma_start3A_173 = tpu.memref_slice %arg2[%mul3A_157] : memref<1602560xi32, #tpu.memory_space<hbm>> -> memref<512xi32, #tpu.memory_space<hbm>>
            tpu.enqueue_dma source(%dma_start3A_173 : memref<512xi32, #tpu.memory_space<hbm>>) target(%arg13 : memref<512xi32, #tpu.memory_space<vmem>>) target_semaphore(%run_scoped3A_171 : memref<!tpu.dma_semaphore, #tpu.memory_space<semaphore_mem>>)
            %dma_wait3A_174 = tpu.memref_slice %arg2[%mul3A_157] : memref<1602560xi32, #tpu.memory_space<hbm>> -> memref<512xi32, #tpu.memory_space<hbm>>
            %dma_wait3A_175 = tpu.memref_slice %arg2[%mul3A_157] : memref<1602560xi32, #tpu.memory_space<hbm>> -> memref<512xi32, #tpu.memory_space<hbm>>
            tpu.wait_dma2 semaphore(%run_scoped3A_171 : memref<!tpu.dma_semaphore, #tpu.memory_space<semaphore_mem>>) src(%dma_wait3A_175 : memref<512xi32, #tpu.memory_space<hbm>>) dst(%arg13 : memref<512xi32, #tpu.memory_space<vmem>>)
            tpu.yield
          }) : () -> ()
          %mul3A_158 = arith.constant 512 : i32
          %mul3A_159 = arith.muli %mul3A_158, %add3A_155 : i32
          "tpu.region"() ({
            %run_scoped3A_171 = tpu.sem_alloc : memref<!tpu.dma_semaphore, #tpu.memory_space<semaphore_mem>>
            %dma_start3A_172 = tpu.memref_slice %arg3[%mul3A_159] : memref<1602560xi32, #tpu.memory_space<hbm>> -> memref<512xi32, #tpu.memory_space<hbm>>
            %dma_start3A_173 = tpu.memref_slice %arg3[%mul3A_159] : memref<1602560xi32, #tpu.memory_space<hbm>> -> memref<512xi32, #tpu.memory_space<hbm>>
            tpu.enqueue_dma source(%dma_start3A_173 : memref<512xi32, #tpu.memory_space<hbm>>) target(%arg14 : memref<512xi32, #tpu.memory_space<vmem>>) target_semaphore(%run_scoped3A_171 : memref<!tpu.dma_semaphore, #tpu.memory_space<semaphore_mem>>)
            %dma_wait3A_174 = tpu.memref_slice %arg3[%mul3A_159] : memref<1602560xi32, #tpu.memory_space<hbm>> -> memref<512xi32, #tpu.memory_space<hbm>>
            %dma_wait3A_175 = tpu.memref_slice %arg3[%mul3A_159] : memref<1602560xi32, #tpu.memory_space<hbm>> -> memref<512xi32, #tpu.memory_space<hbm>>
            tpu.wait_dma2 semaphore(%run_scoped3A_171 : memref<!tpu.dma_semaphore, #tpu.memory_space<semaphore_mem>>) src(%dma_wait3A_175 : memref<512xi32, #tpu.memory_space<hbm>>) dst(%arg14 : memref<512xi32, #tpu.memory_space<vmem>>)
            tpu.yield
          }) : () -> ()
          %mul3A_160 = arith.constant 4 : i32
          %mul3A_161 = arith.muli %mul3A_160, %add3A_155 : i32
          %dma_start3A_162 = arith.constant 16 : i32
          %dma_start3A_163 = arith.constant 0 : i32
          %dma_start3A_164 = tpu.memref_slice %arg4[%mul3A_161, %dma_start3A_162, %dma_start3A_163] : memref<12520x32x128xf32, #tpu.memory_space<hbm>> -> memref<4x16x128xf32, #tpu.memory_space<hbm>>
          %dma_start3A_165 = arith.constant 16 : i32
          %dma_start3A_166 = arith.constant 0 : i32
          %dma_start3A_167 = tpu.memref_slice %arg4[%mul3A_161, %dma_start3A_165, %dma_start3A_166] : memref<12520x32x128xf32, #tpu.memory_space<hbm>> -> memref<4x16x128xf32, #tpu.memory_space<hbm>>
          tpu.enqueue_dma source(%dma_start3A_167 : memref<4x16x128xf32, #tpu.memory_space<hbm>>) target(%arg15 : memref<4x16x128xf32, #tpu.memory_space<vmem>>) target_semaphore(%arg24 : memref<!tpu.dma_semaphore, #tpu.memory_space<semaphore_mem>>)
          %dma_start3A_168 = arith.constant 0 : i32
          %dma_start3A_169 = arith.constant 0 : i32
          %dma_start3A_170 = tpu.memref_slice %arg6[%dma_start3A_168, %dma_start3A_169] : memref<50000x16xf32, #tpu.memory_space<hbm>> -> memref<50000x16xf32, #tpu.memory_space<hbm>>
          tpu.enqueue_indirect_dma source(%dma_start3A_170 : memref<50000x16xf32, #tpu.memory_space<hbm>>) target(%arg16 : memref<512x16xf32, #tpu.memory_space<vmem>>) offsets(%arg13 : memref<512xi32, #tpu.memory_space<vmem>>) semaphore(%arg23 : memref<!tpu.dma_semaphore, #tpu.memory_space<semaphore_mem>>)
        } else {
        }
      } else {
      }
      %while3A_120 = arith.constant 0 : i32
      scf.yield %while3A_120 : i32
    }
    %while3A_101 = arith.constant 1 : i32
    %while3A_102 = scf.for %while3A_106 = %while3A_98 to %while3A_94 step %while3A_101 iter_args(%while3A_107 = %while3A_100) -> (i32)  : i32 {
      %and3A = arith.constant 1 : i32
      %and3A_108 = arith.andi %while3A_106, %and3A : i32
      %eq3A = arith.constant 0 : i32
      %eq3A_109 = arith.cmpi eq, %and3A_108, %eq3A : i32
      %convert_element_type3A_110 = arith.extui %eq3A_109 : i1 to i32
      %cond3A_111 = arith.constant 0 : i32
      %cond3A_112 = arith.cmpi ne, %convert_element_type3A_110, %cond3A_111 : i32
      scf.if %cond3A_112 {
        %dma_wait3A = arith.constant 0 : i32
        %dma_wait3A_121 = arith.constant 0 : i32
        %dma_wait3A_122 = arith.constant 0 : i32
        %dma_wait3A_123 = tpu.memref_slice %arg4[%dma_wait3A, %dma_wait3A_121, %dma_wait3A_122] : memref<12520x32x128xf32, #tpu.memory_space<hbm>> -> memref<4x16x128xf32, #tpu.memory_space<hbm>>
        %dma_wait3A_124 = arith.constant 0 : i32
        %dma_wait3A_125 = arith.constant 0 : i32
        %dma_wait3A_126 = arith.constant 0 : i32
        %dma_wait3A_127 = tpu.memref_slice %arg4[%dma_wait3A_124, %dma_wait3A_125, %dma_wait3A_126] : memref<12520x32x128xf32, #tpu.memory_space<hbm>> -> memref<4x16x128xf32, #tpu.memory_space<hbm>>
        tpu.wait_dma2 semaphore(%arg21 : memref<!tpu.dma_semaphore, #tpu.memory_space<semaphore_mem>>) src(%dma_wait3A_127 : memref<4x16x128xf32, #tpu.memory_space<hbm>>) dst(%arg10 : memref<4x16x128xf32, #tpu.memory_space<vmem>>)
        %dma_wait3A_128 = arith.constant 0 : i32
        %dma_wait3A_129 = arith.constant 0 : i32
        %dma_wait3A_130 = tpu.memref_slice %arg6[%dma_wait3A_128, %dma_wait3A_129] : memref<50000x16xf32, #tpu.memory_space<hbm>> -> memref<512x16xf32, #tpu.memory_space<hbm>>
        %dma_wait3A_131 = arith.constant 0 : i32
        %dma_wait3A_132 = arith.constant 0 : i32
        %dma_wait3A_133 = tpu.memref_slice %arg6[%dma_wait3A_131, %dma_wait3A_132] : memref<50000x16xf32, #tpu.memory_space<hbm>> -> memref<512x16xf32, #tpu.memory_space<hbm>>
        tpu.wait_dma2 semaphore(%arg20 : memref<!tpu.dma_semaphore, #tpu.memory_space<semaphore_mem>>) src(%dma_wait3A_133 : memref<512x16xf32, #tpu.memory_space<hbm>>) dst(%arg11 : memref<512x16xf32, #tpu.memory_space<vmem>>)
        %scan3A_134 = arith.constant 0 : i32
        %scan3A_135 = arith.constant 0 : i32
        %scan3A_136 = arith.constant 64 : i32
        %scan3A_137 = arith.addi %scan3A_135, %scan3A_136 : i32
        %scan3A_138 = arith.constant 1 : i32
        %scan3A_139 = scf.for %scan3A_153 = %scan3A_135 to %scan3A_137 step %scan3A_138 iter_args(%scan3A_154 = %scan3A_134) -> (i32)  : i32 {
          %shift_right_logical3A = arith.constant 4 : i32
          %shift_right_logical3A_155 = arith.shrui %scan3A_153, %shift_right_logical3A : i32
          %add3A_156 = vector.broadcast %shift_right_logical3A_155 : i32 to vector<16xi32>
          %add3A_157 = arith.addi %broadcast_in_dim3A_9, %add3A_156 : vector<16xi32>
          %and3A_158 = arith.constant 15 : i32
          %and3A_159 = arith.andi %scan3A_153, %and3A_158 : i32
          %mul3A_160 = arith.constant 8 : i32
          %mul3A_161 = arith.muli %and3A_159, %mul3A_160 : i32
          %mul3A_162 = arith.constant 8 : i32
          %mul3A_163 = arith.muli %scan3A_153, %mul3A_162 : i32
          %add3A_164 = arith.constant 0 : i32
          %add3A_165 = arith.addi %mul3A_161, %add3A_164 : i32
          %add3A_166 = vector.broadcast %add3A_165 : i32 to vector<16xi32>
          %add3A_167 = arith.addi %broadcast_in_dim3A_9, %add3A_166 : vector<16xi32>
          %gather3A = tpu.vector_load_idx %arg10[%add3A_157, %iota3A, %add3A_167] : memref<4x16x128xf32, #tpu.memory_space<vmem>>[vector<16xi32>, vector<16xi32>, vector<16xi32>], vector<16xf32>,
          %add3A_168 = arith.constant 0 : i32
          %add3A_169 = arith.addi %mul3A_163, %add3A_168 : i32
          %get3A = arith.index_cast %add3A_169 : i32 to index
          %get3A_170 = arith.constant 0 : index
          %get3A_171 = tpu.vector_load %arg11[%get3A, %get3A_170] {strides = array<i32>} : memref<512x16xf32, #tpu.memory_space<vmem>>, vector<16xf32>,
          %add3A_172 = arith.addf %get3A_171, %gather3A : vector<16xf32>
          %max3A = arith.constant 0.000000e+00 : f32
          %max3A_173 = vector.broadcast %max3A : f32 to vector<16xf32>
          %max3A_174 = arith.maximumf %add3A_172, %max3A_173 : vector<16xf32>
          %add3A_175 = arith.constant 1 : i32
          %add3A_176 = arith.addi %mul3A_161, %add3A_175 : i32
          %add3A_177 = vector.broadcast %add3A_176 : i32 to vector<16xi32>
          %add3A_178 = arith.addi %broadcast_in_dim3A_9, %add3A_177 : vector<16xi32>
          %gather3A_179 = tpu.vector_load_idx %arg10[%add3A_157, %iota3A, %add3A_178] : memref<4x16x128xf32, #tpu.memory_space<vmem>>[vector<16xi32>, vector<16xi32>, vector<16xi32>], vector<16xf32>,
          %add3A_180 = arith.constant 1 : i32
          %add3A_181 = arith.addi %mul3A_163, %add3A_180 : i32
          %get3A_182 = arith.index_cast %add3A_181 : i32 to index
          %get3A_183 = arith.constant 0 : index
          %get3A_184 = tpu.vector_load %arg11[%get3A_182, %get3A_183] {strides = array<i32>} : memref<512x16xf32, #tpu.memory_space<vmem>>, vector<16xf32>,
          %add3A_185 = arith.addf %get3A_184, %gather3A_179 : vector<16xf32>
          %max3A_186 = arith.constant 0.000000e+00 : f32
          %max3A_187 = vector.broadcast %max3A_186 : f32 to vector<16xf32>
          %max3A_188 = arith.maximumf %add3A_185, %max3A_187 : vector<16xf32>
          %add3A_189 = arith.constant 2 : i32
          %add3A_190 = arith.addi %mul3A_161, %add3A_189 : i32
          %add3A_191 = vector.broadcast %add3A_190 : i32 to vector<16xi32>
          %add3A_192 = arith.addi %broadcast_in_dim3A_9, %add3A_191 : vector<16xi32>
          %gather3A_193 = tpu.vector_load_idx %arg10[%add3A_157, %iota3A, %add3A_192] : memref<4x16x128xf32, #tpu.memory_space<vmem>>[vector<16xi32>, vector<16xi32>, vector<16xi32>], vector<16xf32>,
          %add3A_194 = arith.constant 2 : i32
          %add3A_195 = arith.addi %mul3A_163, %add3A_194 : i32
          %get3A_196 = arith.index_cast %add3A_195 : i32 to index
          %get3A_197 = arith.constant 0 : index
          %get3A_198 = tpu.vector_load %arg11[%get3A_196, %get3A_197] {strides = array<i32>} : memref<512x16xf32, #tpu.memory_space<vmem>>, vector<16xf32>,
          %add3A_199 = arith.addf %get3A_198, %gather3A_193 : vector<16xf32>
          %max3A_200 = arith.constant 0.000000e+00 : f32
          %max3A_201 = vector.broadcast %max3A_200 : f32 to vector<16xf32>
          %max3A_202 = arith.maximumf %add3A_199, %max3A_201 : vector<16xf32>
          %add3A_203 = arith.constant 3 : i32
          %add3A_204 = arith.addi %mul3A_161, %add3A_203 : i32
          %add3A_205 = vector.broadcast %add3A_204 : i32 to vector<16xi32>
          %add3A_206 = arith.addi %broadcast_in_dim3A_9, %add3A_205 : vector<16xi32>
          %gather3A_207 = tpu.vector_load_idx %arg10[%add3A_157, %iota3A, %add3A_206] : memref<4x16x128xf32, #tpu.memory_space<vmem>>[vector<16xi32>, vector<16xi32>, vector<16xi32>], vector<16xf32>,
          %add3A_208 = arith.constant 3 : i32
          %add3A_209 = arith.addi %mul3A_163, %add3A_208 : i32
          %get3A_210 = arith.index_cast %add3A_209 : i32 to index
          %get3A_211 = arith.constant 0 : index
          %get3A_212 = tpu.vector_load %arg11[%get3A_210, %get3A_211] {strides = array<i32>} : memref<512x16xf32, #tpu.memory_space<vmem>>, vector<16xf32>,
          %add3A_213 = arith.addf %get3A_212, %gather3A_207 : vector<16xf32>
          %max3A_214 = arith.constant 0.000000e+00 : f32
          %max3A_215 = vector.broadcast %max3A_214 : f32 to vector<16xf32>
          %max3A_216 = arith.maximumf %add3A_213, %max3A_215 : vector<16xf32>
          %add3A_217 = arith.constant 4 : i32
          %add3A_218 = arith.addi %mul3A_161, %add3A_217 : i32
          %add3A_219 = vector.broadcast %add3A_218 : i32 to vector<16xi32>
          %add3A_220 = arith.addi %broadcast_in_dim3A_9, %add3A_219 : vector<16xi32>
          %gather3A_221 = tpu.vector_load_idx %arg10[%add3A_157, %iota3A, %add3A_220] : memref<4x16x128xf32, #tpu.memory_space<vmem>>[vector<16xi32>, vector<16xi32>, vector<16xi32>], vector<16xf32>,
          %add3A_222 = arith.constant 4 : i32
          %add3A_223 = arith.addi %mul3A_163, %add3A_222 : i32
          %get3A_224 = arith.index_cast %add3A_223 : i32 to index
          %get3A_225 = arith.constant 0 : index
          %get3A_226 = tpu.vector_load %arg11[%get3A_224, %get3A_225] {strides = array<i32>} : memref<512x16xf32, #tpu.memory_space<vmem>>, vector<16xf32>,
          %add3A_227 = arith.addf %get3A_226, %gather3A_221 : vector<16xf32>
          %max3A_228 = arith.constant 0.000000e+00 : f32
          %max3A_229 = vector.broadcast %max3A_228 : f32 to vector<16xf32>
          %max3A_230 = arith.maximumf %add3A_227, %max3A_229 : vector<16xf32>
          %add3A_231 = arith.constant 5 : i32
          %add3A_232 = arith.addi %mul3A_161, %add3A_231 : i32
          %add3A_233 = vector.broadcast %add3A_232 : i32 to vector<16xi32>
          %add3A_234 = arith.addi %broadcast_in_dim3A_9, %add3A_233 : vector<16xi32>
          %gather3A_235 = tpu.vector_load_idx %arg10[%add3A_157, %iota3A, %add3A_234] : memref<4x16x128xf32, #tpu.memory_space<vmem>>[vector<16xi32>, vector<16xi32>, vector<16xi32>], vector<16xf32>,
          %add3A_236 = arith.constant 5 : i32
          %add3A_237 = arith.addi %mul3A_163, %add3A_236 : i32
          %get3A_238 = arith.index_cast %add3A_237 : i32 to index
          %get3A_239 = arith.constant 0 : index
          %get3A_240 = tpu.vector_load %arg11[%get3A_238, %get3A_239] {strides = array<i32>} : memref<512x16xf32, #tpu.memory_space<vmem>>, vector<16xf32>,
          %add3A_241 = arith.addf %get3A_240, %gather3A_235 : vector<16xf32>
          %max3A_242 = arith.constant 0.000000e+00 : f32
          %max3A_243 = vector.broadcast %max3A_242 : f32 to vector<16xf32>
          %max3A_244 = arith.maximumf %add3A_241, %max3A_243 : vector<16xf32>
          %add3A_245 = arith.constant 6 : i32
          %add3A_246 = arith.addi %mul3A_161, %add3A_245 : i32
          %add3A_247 = vector.broadcast %add3A_246 : i32 to vector<16xi32>
          %add3A_248 = arith.addi %broadcast_in_dim3A_9, %add3A_247 : vector<16xi32>
          %gather3A_249 = tpu.vector_load_idx %arg10[%add3A_157, %iota3A, %add3A_248] : memref<4x16x128xf32, #tpu.memory_space<vmem>>[vector<16xi32>, vector<16xi32>, vector<16xi32>], vector<16xf32>,
          %add3A_250 = arith.constant 6 : i32
          %add3A_251 = arith.addi %mul3A_163, %add3A_250 : i32
          %get3A_252 = arith.index_cast %add3A_251 : i32 to index
          %get3A_253 = arith.constant 0 : index
          %get3A_254 = tpu.vector_load %arg11[%get3A_252, %get3A_253] {strides = array<i32>} : memref<512x16xf32, #tpu.memory_space<vmem>>, vector<16xf32>,
          %add3A_255 = arith.addf %get3A_254, %gather3A_249 : vector<16xf32>
          %max3A_256 = arith.constant 0.000000e+00 : f32
          %max3A_257 = vector.broadcast %max3A_256 : f32 to vector<16xf32>
          %max3A_258 = arith.maximumf %add3A_255, %max3A_257 : vector<16xf32>
          %add3A_259 = arith.constant 7 : i32
          %add3A_260 = arith.addi %mul3A_161, %add3A_259 : i32
          %add3A_261 = vector.broadcast %add3A_260 : i32 to vector<16xi32>
          %add3A_262 = arith.addi %broadcast_in_dim3A_9, %add3A_261 : vector<16xi32>
          %gather3A_263 = tpu.vector_load_idx %arg10[%add3A_157, %iota3A, %add3A_262] : memref<4x16x128xf32, #tpu.memory_space<vmem>>[vector<16xi32>, vector<16xi32>, vector<16xi32>], vector<16xf32>,
          %add3A_264 = arith.constant 7 : i32
          %add3A_265 = arith.addi %mul3A_163, %add3A_264 : i32
          %get3A_266 = arith.index_cast %add3A_265 : i32 to index
          %get3A_267 = arith.constant 0 : index
          %get3A_268 = tpu.vector_load %arg11[%get3A_266, %get3A_267] {strides = array<i32>} : memref<512x16xf32, #tpu.memory_space<vmem>>, vector<16xf32>,
          %add3A_269 = arith.addf %get3A_268, %gather3A_263 : vector<16xf32>
          %max3A_270 = arith.constant 0.000000e+00 : f32
          %max3A_271 = vector.broadcast %max3A_270 : f32 to vector<16xf32>
          %max3A_272 = arith.maximumf %add3A_269, %max3A_271 : vector<16xf32>
          %add3A_273 = arith.constant 0 : i32
          %add3A_274 = arith.addi %mul3A_163, %add3A_273 : i32
          %swap3A = arith.index_cast %add3A_274 : i32 to index
          %swap3A_275 = arith.constant 0 : index
          %swap3A_276 = tpu.vector_load %arg12[%swap3A, %swap3A_275] {strides = array<i32>} : memref<512x16xf32, #tpu.memory_space<vmem>>, vector<16xf32>,
          tpu.vector_store %arg12[%swap3A, %swap3A_275], %max3A_174 {strides = array<i32>} : memref<512x16xf32, #tpu.memory_space<vmem>>, vector<16xf32>,
          %add3A_277 = arith.constant 1 : i32
          %add3A_278 = arith.addi %mul3A_163, %add3A_277 : i32
          %swap3A_279 = arith.index_cast %add3A_278 : i32 to index
          %swap3A_280 = arith.constant 0 : index
          %swap3A_281 = tpu.vector_load %arg12[%swap3A_279, %swap3A_280] {strides = array<i32>} : memref<512x16xf32, #tpu.memory_space<vmem>>, vector<16xf32>,
          tpu.vector_store %arg12[%swap3A_279, %swap3A_280], %max3A_188 {strides = array<i32>} : memref<512x16xf32, #tpu.memory_space<vmem>>, vector<16xf32>,
          %add3A_282 = arith.constant 2 : i32
          %add3A_283 = arith.addi %mul3A_163, %add3A_282 : i32
          %swap3A_284 = arith.index_cast %add3A_283 : i32 to index
          %swap3A_285 = arith.constant 0 : index
          %swap3A_286 = tpu.vector_load %arg12[%swap3A_284, %swap3A_285] {strides = array<i32>} : memref<512x16xf32, #tpu.memory_space<vmem>>, vector<16xf32>,
          tpu.vector_store %arg12[%swap3A_284, %swap3A_285], %max3A_202 {strides = array<i32>} : memref<512x16xf32, #tpu.memory_space<vmem>>, vector<16xf32>,
          %add3A_287 = arith.constant 3 : i32
          %add3A_288 = arith.addi %mul3A_163, %add3A_287 : i32
          %swap3A_289 = arith.index_cast %add3A_288 : i32 to index
          %swap3A_290 = arith.constant 0 : index
          %swap3A_291 = tpu.vector_load %arg12[%swap3A_289, %swap3A_290] {strides = array<i32>} : memref<512x16xf32, #tpu.memory_space<vmem>>, vector<16xf32>,
          tpu.vector_store %arg12[%swap3A_289, %swap3A_290], %max3A_216 {strides = array<i32>} : memref<512x16xf32, #tpu.memory_space<vmem>>, vector<16xf32>,
          %add3A_292 = arith.constant 4 : i32
          %add3A_293 = arith.addi %mul3A_163, %add3A_292 : i32
          %swap3A_294 = arith.index_cast %add3A_293 : i32 to index
          %swap3A_295 = arith.constant 0 : index
          %swap3A_296 = tpu.vector_load %arg12[%swap3A_294, %swap3A_295] {strides = array<i32>} : memref<512x16xf32, #tpu.memory_space<vmem>>, vector<16xf32>,
          tpu.vector_store %arg12[%swap3A_294, %swap3A_295], %max3A_230 {strides = array<i32>} : memref<512x16xf32, #tpu.memory_space<vmem>>, vector<16xf32>,
          %add3A_297 = arith.constant 5 : i32
          %add3A_298 = arith.addi %mul3A_163, %add3A_297 : i32
          %swap3A_299 = arith.index_cast %add3A_298 : i32 to index
          %swap3A_300 = arith.constant 0 : index
          %swap3A_301 = tpu.vector_load %arg12[%swap3A_299, %swap3A_300] {strides = array<i32>} : memref<512x16xf32, #tpu.memory_space<vmem>>, vector<16xf32>,
          tpu.vector_store %arg12[%swap3A_299, %swap3A_300], %max3A_244 {strides = array<i32>} : memref<512x16xf32, #tpu.memory_space<vmem>>, vector<16xf32>,
          %add3A_302 = arith.constant 6 : i32
          %add3A_303 = arith.addi %mul3A_163, %add3A_302 : i32
          %swap3A_304 = arith.index_cast %add3A_303 : i32 to index
          %swap3A_305 = arith.constant 0 : index
          %swap3A_306 = tpu.vector_load %arg12[%swap3A_304, %swap3A_305] {strides = array<i32>} : memref<512x16xf32, #tpu.memory_space<vmem>>, vector<16xf32>,
          tpu.vector_store %arg12[%swap3A_304, %swap3A_305], %max3A_258 {strides = array<i32>} : memref<512x16xf32, #tpu.memory_space<vmem>>, vector<16xf32>,
          %add3A_307 = arith.constant 7 : i32
          %add3A_308 = arith.addi %mul3A_163, %add3A_307 : i32
          %swap3A_309 = arith.index_cast %add3A_308 : i32 to index
          %swap3A_310 = arith.constant 0 : index
          %swap3A_311 = tpu.vector_load %arg12[%swap3A_309, %swap3A_310] {strides = array<i32>} : memref<512x16xf32, #tpu.memory_space<vmem>>, vector<16xf32>,
          tpu.vector_store %arg12[%swap3A_309, %swap3A_310], %max3A_272 {strides = array<i32>} : memref<512x16xf32, #tpu.memory_space<vmem>>, vector<16xf32>,
          %scan3A_312 = arith.constant 0 : i32
          scf.yield %scan3A_312 : i32
        }
        %scan3A_140 = arith.constant 64 : i32
        %dma_start3A_141 = arith.constant 0 : i32
        %dma_start3A_142 = arith.constant 0 : i32
        %dma_start3A_143 = tpu.memref_slice %arg19[%dma_start3A_141, %dma_start3A_142] : memref<50048x16xf32, #tpu.memory_space<vmem_shared>> -> memref<50048x16xf32, #tpu.memory_space<vmem_shared>>
        tpu.enqueue_indirect_dma source(%arg12 : memref<512x16xf32, #tpu.memory_space<vmem>>) target(%dma_start3A_143 : memref<50048x16xf32, #tpu.memory_space<vmem_shared>>) offsets(%arg9 : memref<512xi32, #tpu.memory_space<vmem>>) semaphore(%arg22 : memref<!tpu.dma_semaphore, #tpu.memory_space<semaphore_mem>>) {add = true}
        %dma_wait3A_144 = arith.constant 0 : i32
        %dma_wait3A_145 = arith.constant 0 : i32
        %dma_wait3A_146 = tpu.memref_slice %arg19[%dma_wait3A_144, %dma_wait3A_145] : memref<50048x16xf32, #tpu.memory_space<vmem_shared>> -> memref<50048x16xf32, #tpu.memory_space<vmem_shared>>
        tpu.wait_indirect_dma semaphore(%arg22 : memref<!tpu.dma_semaphore, #tpu.memory_space<semaphore_mem>>) src(%arg12 : memref<512x16xf32, #tpu.memory_space<vmem>>) dst(%dma_wait3A_146 : memref<50048x16xf32, #tpu.memory_space<vmem_shared>>)
        %add3A_147 = arith.constant 2 : i32
        %add3A_148 = arith.addi %while3A_106, %add3A_147 : i32
        %lt3A_149 = arith.cmpi slt, %add3A_148, %select_n3A : i32
        %convert_element_type3A_150 = arith.extui %lt3A_149 : i1 to i32
        %cond3A_151 = arith.constant 0 : i32
        %cond3A_152 = arith.cmpi ne, %convert_element_type3A_150, %cond3A_151 : i32
        scf.if %cond3A_152 {
          %add3A_153 = arith.constant 2 : i32
          %add3A_154 = arith.addi %while3A_106, %add3A_153 : i32
          %add3A_155 = arith.addi %add3A_6, %add3A_154 : i32
          %mul3A_156 = arith.constant 512 : i32
          %mul3A_157 = arith.muli %mul3A_156, %add3A_155 : i32
          "tpu.region"() ({
            %run_scoped3A_171 = tpu.sem_alloc : memref<!tpu.dma_semaphore, #tpu.memory_space<semaphore_mem>>
            %dma_start3A_172 = tpu.memref_slice %arg2[%mul3A_157] : memref<1602560xi32, #tpu.memory_space<hbm>> -> memref<512xi32, #tpu.memory_space<hbm>>
            %dma_start3A_173 = tpu.memref_slice %arg2[%mul3A_157] : memref<1602560xi32, #tpu.memory_space<hbm>> -> memref<512xi32, #tpu.memory_space<hbm>>
            tpu.enqueue_dma source(%dma_start3A_173 : memref<512xi32, #tpu.memory_space<hbm>>) target(%arg8 : memref<512xi32, #tpu.memory_space<vmem>>) target_semaphore(%run_scoped3A_171 : memref<!tpu.dma_semaphore, #tpu.memory_space<semaphore_mem>>)
            %dma_wait3A_174 = tpu.memref_slice %arg2[%mul3A_157] : memref<1602560xi32, #tpu.memory_space<hbm>> -> memref<512xi32, #tpu.memory_space<hbm>>
            %dma_wait3A_175 = tpu.memref_slice %arg2[%mul3A_157] : memref<1602560xi32, #tpu.memory_space<hbm>> -> memref<512xi32, #tpu.memory_space<hbm>>
            tpu.wait_dma2 semaphore(%run_scoped3A_171 : memref<!tpu.dma_semaphore, #tpu.memory_space<semaphore_mem>>) src(%dma_wait3A_175 : memref<512xi32, #tpu.memory_space<hbm>>) dst(%arg8 : memref<512xi32, #tpu.memory_space<vmem>>)
            tpu.yield
          }) : () -> ()
          %mul3A_158 = arith.constant 512 : i32
          %mul3A_159 = arith.muli %mul3A_158, %add3A_155 : i32
          "tpu.region"() ({
            %run_scoped3A_171 = tpu.sem_alloc : memref<!tpu.dma_semaphore, #tpu.memory_space<semaphore_mem>>
            %dma_start3A_172 = tpu.memref_slice %arg3[%mul3A_159] : memref<1602560xi32, #tpu.memory_space<hbm>> -> memref<512xi32, #tpu.memory_space<hbm>>
            %dma_start3A_173 = tpu.memref_slice %arg3[%mul3A_159] : memref<1602560xi32, #tpu.memory_space<hbm>> -> memref<512xi32, #tpu.memory_space<hbm>>
            tpu.enqueue_dma source(%dma_start3A_173 : memref<512xi32, #tpu.memory_space<hbm>>) target(%arg9 : memref<512xi32, #tpu.memory_space<vmem>>) target_semaphore(%run_scoped3A_171 : memref<!tpu.dma_semaphore, #tpu.memory_space<semaphore_mem>>)
            %dma_wait3A_174 = tpu.memref_slice %arg3[%mul3A_159] : memref<1602560xi32, #tpu.memory_space<hbm>> -> memref<512xi32, #tpu.memory_space<hbm>>
            %dma_wait3A_175 = tpu.memref_slice %arg3[%mul3A_159] : memref<1602560xi32, #tpu.memory_space<hbm>> -> memref<512xi32, #tpu.memory_space<hbm>>
            tpu.wait_dma2 semaphore(%run_scoped3A_171 : memref<!tpu.dma_semaphore, #tpu.memory_space<semaphore_mem>>) src(%dma_wait3A_175 : memref<512xi32, #tpu.memory_space<hbm>>) dst(%arg9 : memref<512xi32, #tpu.memory_space<vmem>>)
            tpu.yield
          }) : () -> ()
          %mul3A_160 = arith.constant 4 : i32
          %mul3A_161 = arith.muli %mul3A_160, %add3A_155 : i32
          %dma_start3A_162 = arith.constant 16 : i32
          %dma_start3A_163 = arith.constant 0 : i32
          %dma_start3A_164 = tpu.memref_slice %arg4[%mul3A_161, %dma_start3A_162, %dma_start3A_163] : memref<12520x32x128xf32, #tpu.memory_space<hbm>> -> memref<4x16x128xf32, #tpu.memory_space<hbm>>
          %dma_start3A_165 = arith.constant 16 : i32
          %dma_start3A_166 = arith.constant 0 : i32
          %dma_start3A_167 = tpu.memref_slice %arg4[%mul3A_161, %dma_start3A_165, %dma_start3A_166] : memref<12520x32x128xf32, #tpu.memory_space<hbm>> -> memref<4x16x128xf32, #tpu.memory_space<hbm>>
          tpu.enqueue_dma source(%dma_start3A_167 : memref<4x16x128xf32, #tpu.memory_space<hbm>>) target(%arg10 : memref<4x16x128xf32, #tpu.memory_space<vmem>>) target_semaphore(%arg21 : memref<!tpu.dma_semaphore, #tpu.memory_space<semaphore_mem>>)
          %dma_start3A_168 = arith.constant 0 : i32
          %dma_start3A_169 = arith.constant 0 : i32
          %dma_start3A_170 = tpu.memref_slice %arg6[%dma_start3A_168, %dma_start3A_169] : memref<50000x16xf32, #tpu.memory_space<hbm>> -> memref<50000x16xf32, #tpu.memory_space<hbm>>
          tpu.enqueue_indirect_dma source(%dma_start3A_170 : memref<50000x16xf32, #tpu.memory_space<hbm>>) target(%arg11 : memref<512x16xf32, #tpu.memory_space<vmem>>) offsets(%arg8 : memref<512xi32, #tpu.memory_space<vmem>>) semaphore(%arg20 : memref<!tpu.dma_semaphore, #tpu.memory_space<semaphore_mem>>)
        } else {
        }
      } else {
      }
      %and3A_113 = arith.constant 1 : i32
      %and3A_114 = arith.andi %while3A_106, %and3A_113 : i32
      %eq3A_115 = arith.constant 1 : i32
      %eq3A_116 = arith.cmpi eq, %and3A_114, %eq3A_115 : i32
      %convert_element_type3A_117 = arith.extui %eq3A_116 : i1 to i32
      %cond3A_118 = arith.constant 0 : i32
      %cond3A_119 = arith.cmpi ne, %convert_element_type3A_117, %cond3A_118 : i32
      scf.if %cond3A_119 {
        %dma_wait3A = arith.constant 0 : i32
        %dma_wait3A_121 = arith.constant 0 : i32
        %dma_wait3A_122 = arith.constant 0 : i32
        %dma_wait3A_123 = tpu.memref_slice %arg4[%dma_wait3A, %dma_wait3A_121, %dma_wait3A_122] : memref<12520x32x128xf32, #tpu.memory_space<hbm>> -> memref<4x16x128xf32, #tpu.memory_space<hbm>>
        %dma_wait3A_124 = arith.constant 0 : i32
        %dma_wait3A_125 = arith.constant 0 : i32
        %dma_wait3A_126 = arith.constant 0 : i32
        %dma_wait3A_127 = tpu.memref_slice %arg4[%dma_wait3A_124, %dma_wait3A_125, %dma_wait3A_126] : memref<12520x32x128xf32, #tpu.memory_space<hbm>> -> memref<4x16x128xf32, #tpu.memory_space<hbm>>
        tpu.wait_dma2 semaphore(%arg24 : memref<!tpu.dma_semaphore, #tpu.memory_space<semaphore_mem>>) src(%dma_wait3A_127 : memref<4x16x128xf32, #tpu.memory_space<hbm>>) dst(%arg15 : memref<4x16x128xf32, #tpu.memory_space<vmem>>)
        %dma_wait3A_128 = arith.constant 0 : i32
        %dma_wait3A_129 = arith.constant 0 : i32
        %dma_wait3A_130 = tpu.memref_slice %arg6[%dma_wait3A_128, %dma_wait3A_129] : memref<50000x16xf32, #tpu.memory_space<hbm>> -> memref<512x16xf32, #tpu.memory_space<hbm>>
        %dma_wait3A_131 = arith.constant 0 : i32
        %dma_wait3A_132 = arith.constant 0 : i32
        %dma_wait3A_133 = tpu.memref_slice %arg6[%dma_wait3A_131, %dma_wait3A_132] : memref<50000x16xf32, #tpu.memory_space<hbm>> -> memref<512x16xf32, #tpu.memory_space<hbm>>
        tpu.wait_dma2 semaphore(%arg23 : memref<!tpu.dma_semaphore, #tpu.memory_space<semaphore_mem>>) src(%dma_wait3A_133 : memref<512x16xf32, #tpu.memory_space<hbm>>) dst(%arg16 : memref<512x16xf32, #tpu.memory_space<vmem>>)
        %scan3A_134 = arith.constant 0 : i32
        %scan3A_135 = arith.constant 0 : i32
        %scan3A_136 = arith.constant 64 : i32
        %scan3A_137 = arith.addi %scan3A_135, %scan3A_136 : i32
        %scan3A_138 = arith.constant 1 : i32
        %scan3A_139 = scf.for %scan3A_153 = %scan3A_135 to %scan3A_137 step %scan3A_138 iter_args(%scan3A_154 = %scan3A_134) -> (i32)  : i32 {
          %shift_right_logical3A = arith.constant 4 : i32
          %shift_right_logical3A_155 = arith.shrui %scan3A_153, %shift_right_logical3A : i32
          %add3A_156 = vector.broadcast %shift_right_logical3A_155 : i32 to vector<16xi32>
          %add3A_157 = arith.addi %broadcast_in_dim3A_9, %add3A_156 : vector<16xi32>
          %and3A_158 = arith.constant 15 : i32
          %and3A_159 = arith.andi %scan3A_153, %and3A_158 : i32
          %mul3A_160 = arith.constant 8 : i32
          %mul3A_161 = arith.muli %and3A_159, %mul3A_160 : i32
          %mul3A_162 = arith.constant 8 : i32
          %mul3A_163 = arith.muli %scan3A_153, %mul3A_162 : i32
          %add3A_164 = arith.constant 0 : i32
          %add3A_165 = arith.addi %mul3A_161, %add3A_164 : i32
          %add3A_166 = vector.broadcast %add3A_165 : i32 to vector<16xi32>
          %add3A_167 = arith.addi %broadcast_in_dim3A_9, %add3A_166 : vector<16xi32>
          %gather3A = tpu.vector_load_idx %arg15[%add3A_157, %iota3A, %add3A_167] : memref<4x16x128xf32, #tpu.memory_space<vmem>>[vector<16xi32>, vector<16xi32>, vector<16xi32>], vector<16xf32>,
          %add3A_168 = arith.constant 0 : i32
          %add3A_169 = arith.addi %mul3A_163, %add3A_168 : i32
          %get3A = arith.index_cast %add3A_169 : i32 to index
          %get3A_170 = arith.constant 0 : index
          %get3A_171 = tpu.vector_load %arg16[%get3A, %get3A_170] {strides = array<i32>} : memref<512x16xf32, #tpu.memory_space<vmem>>, vector<16xf32>,
          %add3A_172 = arith.addf %get3A_171, %gather3A : vector<16xf32>
          %max3A = arith.constant 0.000000e+00 : f32
          %max3A_173 = vector.broadcast %max3A : f32 to vector<16xf32>
          %max3A_174 = arith.maximumf %add3A_172, %max3A_173 : vector<16xf32>
          %add3A_175 = arith.constant 1 : i32
          %add3A_176 = arith.addi %mul3A_161, %add3A_175 : i32
          %add3A_177 = vector.broadcast %add3A_176 : i32 to vector<16xi32>
          %add3A_178 = arith.addi %broadcast_in_dim3A_9, %add3A_177 : vector<16xi32>
          %gather3A_179 = tpu.vector_load_idx %arg15[%add3A_157, %iota3A, %add3A_178] : memref<4x16x128xf32, #tpu.memory_space<vmem>>[vector<16xi32>, vector<16xi32>, vector<16xi32>], vector<16xf32>,
          %add3A_180 = arith.constant 1 : i32
          %add3A_181 = arith.addi %mul3A_163, %add3A_180 : i32
          %get3A_182 = arith.index_cast %add3A_181 : i32 to index
          %get3A_183 = arith.constant 0 : index
          %get3A_184 = tpu.vector_load %arg16[%get3A_182, %get3A_183] {strides = array<i32>} : memref<512x16xf32, #tpu.memory_space<vmem>>, vector<16xf32>,
          %add3A_185 = arith.addf %get3A_184, %gather3A_179 : vector<16xf32>
          %max3A_186 = arith.constant 0.000000e+00 : f32
          %max3A_187 = vector.broadcast %max3A_186 : f32 to vector<16xf32>
          %max3A_188 = arith.maximumf %add3A_185, %max3A_187 : vector<16xf32>
          %add3A_189 = arith.constant 2 : i32
          %add3A_190 = arith.addi %mul3A_161, %add3A_189 : i32
          %add3A_191 = vector.broadcast %add3A_190 : i32 to vector<16xi32>
          %add3A_192 = arith.addi %broadcast_in_dim3A_9, %add3A_191 : vector<16xi32>
          %gather3A_193 = tpu.vector_load_idx %arg15[%add3A_157, %iota3A, %add3A_192] : memref<4x16x128xf32, #tpu.memory_space<vmem>>[vector<16xi32>, vector<16xi32>, vector<16xi32>], vector<16xf32>,
          %add3A_194 = arith.constant 2 : i32
          %add3A_195 = arith.addi %mul3A_163, %add3A_194 : i32
          %get3A_196 = arith.index_cast %add3A_195 : i32 to index
          %get3A_197 = arith.constant 0 : index
          %get3A_198 = tpu.vector_load %arg16[%get3A_196, %get3A_197] {strides = array<i32>} : memref<512x16xf32, #tpu.memory_space<vmem>>, vector<16xf32>,
          %add3A_199 = arith.addf %get3A_198, %gather3A_193 : vector<16xf32>
          %max3A_200 = arith.constant 0.000000e+00 : f32
          %max3A_201 = vector.broadcast %max3A_200 : f32 to vector<16xf32>
          %max3A_202 = arith.maximumf %add3A_199, %max3A_201 : vector<16xf32>
          %add3A_203 = arith.constant 3 : i32
          %add3A_204 = arith.addi %mul3A_161, %add3A_203 : i32
          %add3A_205 = vector.broadcast %add3A_204 : i32 to vector<16xi32>
          %add3A_206 = arith.addi %broadcast_in_dim3A_9, %add3A_205 : vector<16xi32>
          %gather3A_207 = tpu.vector_load_idx %arg15[%add3A_157, %iota3A, %add3A_206] : memref<4x16x128xf32, #tpu.memory_space<vmem>>[vector<16xi32>, vector<16xi32>, vector<16xi32>], vector<16xf32>,
          %add3A_208 = arith.constant 3 : i32
          %add3A_209 = arith.addi %mul3A_163, %add3A_208 : i32
          %get3A_210 = arith.index_cast %add3A_209 : i32 to index
          %get3A_211 = arith.constant 0 : index
          %get3A_212 = tpu.vector_load %arg16[%get3A_210, %get3A_211] {strides = array<i32>} : memref<512x16xf32, #tpu.memory_space<vmem>>, vector<16xf32>,
          %add3A_213 = arith.addf %get3A_212, %gather3A_207 : vector<16xf32>
          %max3A_214 = arith.constant 0.000000e+00 : f32
          %max3A_215 = vector.broadcast %max3A_214 : f32 to vector<16xf32>
          %max3A_216 = arith.maximumf %add3A_213, %max3A_215 : vector<16xf32>
          %add3A_217 = arith.constant 4 : i32
          %add3A_218 = arith.addi %mul3A_161, %add3A_217 : i32
          %add3A_219 = vector.broadcast %add3A_218 : i32 to vector<16xi32>
          %add3A_220 = arith.addi %broadcast_in_dim3A_9, %add3A_219 : vector<16xi32>
          %gather3A_221 = tpu.vector_load_idx %arg15[%add3A_157, %iota3A, %add3A_220] : memref<4x16x128xf32, #tpu.memory_space<vmem>>[vector<16xi32>, vector<16xi32>, vector<16xi32>], vector<16xf32>,
          %add3A_222 = arith.constant 4 : i32
          %add3A_223 = arith.addi %mul3A_163, %add3A_222 : i32
          %get3A_224 = arith.index_cast %add3A_223 : i32 to index
          %get3A_225 = arith.constant 0 : index
          %get3A_226 = tpu.vector_load %arg16[%get3A_224, %get3A_225] {strides = array<i32>} : memref<512x16xf32, #tpu.memory_space<vmem>>, vector<16xf32>,
          %add3A_227 = arith.addf %get3A_226, %gather3A_221 : vector<16xf32>
          %max3A_228 = arith.constant 0.000000e+00 : f32
          %max3A_229 = vector.broadcast %max3A_228 : f32 to vector<16xf32>
          %max3A_230 = arith.maximumf %add3A_227, %max3A_229 : vector<16xf32>
          %add3A_231 = arith.constant 5 : i32
          %add3A_232 = arith.addi %mul3A_161, %add3A_231 : i32
          %add3A_233 = vector.broadcast %add3A_232 : i32 to vector<16xi32>
          %add3A_234 = arith.addi %broadcast_in_dim3A_9, %add3A_233 : vector<16xi32>
          %gather3A_235 = tpu.vector_load_idx %arg15[%add3A_157, %iota3A, %add3A_234] : memref<4x16x128xf32, #tpu.memory_space<vmem>>[vector<16xi32>, vector<16xi32>, vector<16xi32>], vector<16xf32>,
          %add3A_236 = arith.constant 5 : i32
          %add3A_237 = arith.addi %mul3A_163, %add3A_236 : i32
          %get3A_238 = arith.index_cast %add3A_237 : i32 to index
          %get3A_239 = arith.constant 0 : index
          %get3A_240 = tpu.vector_load %arg16[%get3A_238, %get3A_239] {strides = array<i32>} : memref<512x16xf32, #tpu.memory_space<vmem>>, vector<16xf32>,
          %add3A_241 = arith.addf %get3A_240, %gather3A_235 : vector<16xf32>
          %max3A_242 = arith.constant 0.000000e+00 : f32
          %max3A_243 = vector.broadcast %max3A_242 : f32 to vector<16xf32>
          %max3A_244 = arith.maximumf %add3A_241, %max3A_243 : vector<16xf32>
          %add3A_245 = arith.constant 6 : i32
          %add3A_246 = arith.addi %mul3A_161, %add3A_245 : i32
          %add3A_247 = vector.broadcast %add3A_246 : i32 to vector<16xi32>
          %add3A_248 = arith.addi %broadcast_in_dim3A_9, %add3A_247 : vector<16xi32>
          %gather3A_249 = tpu.vector_load_idx %arg15[%add3A_157, %iota3A, %add3A_248] : memref<4x16x128xf32, #tpu.memory_space<vmem>>[vector<16xi32>, vector<16xi32>, vector<16xi32>], vector<16xf32>,
          %add3A_250 = arith.constant 6 : i32
          %add3A_251 = arith.addi %mul3A_163, %add3A_250 : i32
          %get3A_252 = arith.index_cast %add3A_251 : i32 to index
          %get3A_253 = arith.constant 0 : index
          %get3A_254 = tpu.vector_load %arg16[%get3A_252, %get3A_253] {strides = array<i32>} : memref<512x16xf32, #tpu.memory_space<vmem>>, vector<16xf32>,
          %add3A_255 = arith.addf %get3A_254, %gather3A_249 : vector<16xf32>
          %max3A_256 = arith.constant 0.000000e+00 : f32
          %max3A_257 = vector.broadcast %max3A_256 : f32 to vector<16xf32>
          %max3A_258 = arith.maximumf %add3A_255, %max3A_257 : vector<16xf32>
          %add3A_259 = arith.constant 7 : i32
          %add3A_260 = arith.addi %mul3A_161, %add3A_259 : i32
          %add3A_261 = vector.broadcast %add3A_260 : i32 to vector<16xi32>
          %add3A_262 = arith.addi %broadcast_in_dim3A_9, %add3A_261 : vector<16xi32>
          %gather3A_263 = tpu.vector_load_idx %arg15[%add3A_157, %iota3A, %add3A_262] : memref<4x16x128xf32, #tpu.memory_space<vmem>>[vector<16xi32>, vector<16xi32>, vector<16xi32>], vector<16xf32>,
          %add3A_264 = arith.constant 7 : i32
          %add3A_265 = arith.addi %mul3A_163, %add3A_264 : i32
          %get3A_266 = arith.index_cast %add3A_265 : i32 to index
          %get3A_267 = arith.constant 0 : index
          %get3A_268 = tpu.vector_load %arg16[%get3A_266, %get3A_267] {strides = array<i32>} : memref<512x16xf32, #tpu.memory_space<vmem>>, vector<16xf32>,
          %add3A_269 = arith.addf %get3A_268, %gather3A_263 : vector<16xf32>
          %max3A_270 = arith.constant 0.000000e+00 : f32
          %max3A_271 = vector.broadcast %max3A_270 : f32 to vector<16xf32>
          %max3A_272 = arith.maximumf %add3A_269, %max3A_271 : vector<16xf32>
          %add3A_273 = arith.constant 0 : i32
          %add3A_274 = arith.addi %mul3A_163, %add3A_273 : i32
          %swap3A = arith.index_cast %add3A_274 : i32 to index
          %swap3A_275 = arith.constant 0 : index
          %swap3A_276 = tpu.vector_load %arg17[%swap3A, %swap3A_275] {strides = array<i32>} : memref<512x16xf32, #tpu.memory_space<vmem>>, vector<16xf32>,
          tpu.vector_store %arg17[%swap3A, %swap3A_275], %max3A_174 {strides = array<i32>} : memref<512x16xf32, #tpu.memory_space<vmem>>, vector<16xf32>,
          %add3A_277 = arith.constant 1 : i32
          %add3A_278 = arith.addi %mul3A_163, %add3A_277 : i32
          %swap3A_279 = arith.index_cast %add3A_278 : i32 to index
          %swap3A_280 = arith.constant 0 : index
          %swap3A_281 = tpu.vector_load %arg17[%swap3A_279, %swap3A_280] {strides = array<i32>} : memref<512x16xf32, #tpu.memory_space<vmem>>, vector<16xf32>,
          tpu.vector_store %arg17[%swap3A_279, %swap3A_280], %max3A_188 {strides = array<i32>} : memref<512x16xf32, #tpu.memory_space<vmem>>, vector<16xf32>,
          %add3A_282 = arith.constant 2 : i32
          %add3A_283 = arith.addi %mul3A_163, %add3A_282 : i32
          %swap3A_284 = arith.index_cast %add3A_283 : i32 to index
          %swap3A_285 = arith.constant 0 : index
          %swap3A_286 = tpu.vector_load %arg17[%swap3A_284, %swap3A_285] {strides = array<i32>} : memref<512x16xf32, #tpu.memory_space<vmem>>, vector<16xf32>,
          tpu.vector_store %arg17[%swap3A_284, %swap3A_285], %max3A_202 {strides = array<i32>} : memref<512x16xf32, #tpu.memory_space<vmem>>, vector<16xf32>,
          %add3A_287 = arith.constant 3 : i32
          %add3A_288 = arith.addi %mul3A_163, %add3A_287 : i32
          %swap3A_289 = arith.index_cast %add3A_288 : i32 to index
          %swap3A_290 = arith.constant 0 : index
          %swap3A_291 = tpu.vector_load %arg17[%swap3A_289, %swap3A_290] {strides = array<i32>} : memref<512x16xf32, #tpu.memory_space<vmem>>, vector<16xf32>,
          tpu.vector_store %arg17[%swap3A_289, %swap3A_290], %max3A_216 {strides = array<i32>} : memref<512x16xf32, #tpu.memory_space<vmem>>, vector<16xf32>,
          %add3A_292 = arith.constant 4 : i32
          %add3A_293 = arith.addi %mul3A_163, %add3A_292 : i32
          %swap3A_294 = arith.index_cast %add3A_293 : i32 to index
          %swap3A_295 = arith.constant 0 : index
          %swap3A_296 = tpu.vector_load %arg17[%swap3A_294, %swap3A_295] {strides = array<i32>} : memref<512x16xf32, #tpu.memory_space<vmem>>, vector<16xf32>,
          tpu.vector_store %arg17[%swap3A_294, %swap3A_295], %max3A_230 {strides = array<i32>} : memref<512x16xf32, #tpu.memory_space<vmem>>, vector<16xf32>,
          %add3A_297 = arith.constant 5 : i32
          %add3A_298 = arith.addi %mul3A_163, %add3A_297 : i32
          %swap3A_299 = arith.index_cast %add3A_298 : i32 to index
          %swap3A_300 = arith.constant 0 : index
          %swap3A_301 = tpu.vector_load %arg17[%swap3A_299, %swap3A_300] {strides = array<i32>} : memref<512x16xf32, #tpu.memory_space<vmem>>, vector<16xf32>,
          tpu.vector_store %arg17[%swap3A_299, %swap3A_300], %max3A_244 {strides = array<i32>} : memref<512x16xf32, #tpu.memory_space<vmem>>, vector<16xf32>,
          %add3A_302 = arith.constant 6 : i32
          %add3A_303 = arith.addi %mul3A_163, %add3A_302 : i32
          %swap3A_304 = arith.index_cast %add3A_303 : i32 to index
          %swap3A_305 = arith.constant 0 : index
          %swap3A_306 = tpu.vector_load %arg17[%swap3A_304, %swap3A_305] {strides = array<i32>} : memref<512x16xf32, #tpu.memory_space<vmem>>, vector<16xf32>,
          tpu.vector_store %arg17[%swap3A_304, %swap3A_305], %max3A_258 {strides = array<i32>} : memref<512x16xf32, #tpu.memory_space<vmem>>, vector<16xf32>,
          %add3A_307 = arith.constant 7 : i32
          %add3A_308 = arith.addi %mul3A_163, %add3A_307 : i32
          %swap3A_309 = arith.index_cast %add3A_308 : i32 to index
          %swap3A_310 = arith.constant 0 : index
          %swap3A_311 = tpu.vector_load %arg17[%swap3A_309, %swap3A_310] {strides = array<i32>} : memref<512x16xf32, #tpu.memory_space<vmem>>, vector<16xf32>,
          tpu.vector_store %arg17[%swap3A_309, %swap3A_310], %max3A_272 {strides = array<i32>} : memref<512x16xf32, #tpu.memory_space<vmem>>, vector<16xf32>,
          %scan3A_312 = arith.constant 0 : i32
          scf.yield %scan3A_312 : i32
        }
        %scan3A_140 = arith.constant 64 : i32
        %dma_start3A_141 = arith.constant 0 : i32
        %dma_start3A_142 = arith.constant 0 : i32
        %dma_start3A_143 = tpu.memref_slice %arg19[%dma_start3A_141, %dma_start3A_142] : memref<50048x16xf32, #tpu.memory_space<vmem_shared>> -> memref<50048x16xf32, #tpu.memory_space<vmem_shared>>
        tpu.enqueue_indirect_dma source(%arg17 : memref<512x16xf32, #tpu.memory_space<vmem>>) target(%dma_start3A_143 : memref<50048x16xf32, #tpu.memory_space<vmem_shared>>) offsets(%arg14 : memref<512xi32, #tpu.memory_space<vmem>>) semaphore(%arg25 : memref<!tpu.dma_semaphore, #tpu.memory_space<semaphore_mem>>) {add = true}
        %dma_wait3A_144 = arith.constant 0 : i32
        %dma_wait3A_145 = arith.constant 0 : i32
        %dma_wait3A_146 = tpu.memref_slice %arg19[%dma_wait3A_144, %dma_wait3A_145] : memref<50048x16xf32, #tpu.memory_space<vmem_shared>> -> memref<50048x16xf32, #tpu.memory_space<vmem_shared>>
        tpu.wait_indirect_dma semaphore(%arg25 : memref<!tpu.dma_semaphore, #tpu.memory_space<semaphore_mem>>) src(%arg17 : memref<512x16xf32, #tpu.memory_space<vmem>>) dst(%dma_wait3A_146 : memref<50048x16xf32, #tpu.memory_space<vmem_shared>>)
        %add3A_147 = arith.constant 2 : i32
        %add3A_148 = arith.addi %while3A_106, %add3A_147 : i32
        %lt3A_149 = arith.cmpi slt, %add3A_148, %select_n3A : i32
        %convert_element_type3A_150 = arith.extui %lt3A_149 : i1 to i32
        %cond3A_151 = arith.constant 0 : i32
        %cond3A_152 = arith.cmpi ne, %convert_element_type3A_150, %cond3A_151 : i32
        scf.if %cond3A_152 {
          %add3A_153 = arith.constant 2 : i32
          %add3A_154 = arith.addi %while3A_106, %add3A_153 : i32
          %add3A_155 = arith.addi %add3A_6, %add3A_154 : i32
          %mul3A_156 = arith.constant 512 : i32
          %mul3A_157 = arith.muli %mul3A_156, %add3A_155 : i32
          "tpu.region"() ({
            %run_scoped3A_171 = tpu.sem_alloc : memref<!tpu.dma_semaphore, #tpu.memory_space<semaphore_mem>>
            %dma_start3A_172 = tpu.memref_slice %arg2[%mul3A_157] : memref<1602560xi32, #tpu.memory_space<hbm>> -> memref<512xi32, #tpu.memory_space<hbm>>
            %dma_start3A_173 = tpu.memref_slice %arg2[%mul3A_157] : memref<1602560xi32, #tpu.memory_space<hbm>> -> memref<512xi32, #tpu.memory_space<hbm>>
            tpu.enqueue_dma source(%dma_start3A_173 : memref<512xi32, #tpu.memory_space<hbm>>) target(%arg13 : memref<512xi32, #tpu.memory_space<vmem>>) target_semaphore(%run_scoped3A_171 : memref<!tpu.dma_semaphore, #tpu.memory_space<semaphore_mem>>)
            %dma_wait3A_174 = tpu.memref_slice %arg2[%mul3A_157] : memref<1602560xi32, #tpu.memory_space<hbm>> -> memref<512xi32, #tpu.memory_space<hbm>>
            %dma_wait3A_175 = tpu.memref_slice %arg2[%mul3A_157] : memref<1602560xi32, #tpu.memory_space<hbm>> -> memref<512xi32, #tpu.memory_space<hbm>>
            tpu.wait_dma2 semaphore(%run_scoped3A_171 : memref<!tpu.dma_semaphore, #tpu.memory_space<semaphore_mem>>) src(%dma_wait3A_175 : memref<512xi32, #tpu.memory_space<hbm>>) dst(%arg13 : memref<512xi32, #tpu.memory_space<vmem>>)
            tpu.yield
          }) : () -> ()
          %mul3A_158 = arith.constant 512 : i32
          %mul3A_159 = arith.muli %mul3A_158, %add3A_155 : i32
          "tpu.region"() ({
            %run_scoped3A_171 = tpu.sem_alloc : memref<!tpu.dma_semaphore, #tpu.memory_space<semaphore_mem>>
            %dma_start3A_172 = tpu.memref_slice %arg3[%mul3A_159] : memref<1602560xi32, #tpu.memory_space<hbm>> -> memref<512xi32, #tpu.memory_space<hbm>>
            %dma_start3A_173 = tpu.memref_slice %arg3[%mul3A_159] : memref<1602560xi32, #tpu.memory_space<hbm>> -> memref<512xi32, #tpu.memory_space<hbm>>
            tpu.enqueue_dma source(%dma_start3A_173 : memref<512xi32, #tpu.memory_space<hbm>>) target(%arg14 : memref<512xi32, #tpu.memory_space<vmem>>) target_semaphore(%run_scoped3A_171 : memref<!tpu.dma_semaphore, #tpu.memory_space<semaphore_mem>>)
            %dma_wait3A_174 = tpu.memref_slice %arg3[%mul3A_159] : memref<1602560xi32, #tpu.memory_space<hbm>> -> memref<512xi32, #tpu.memory_space<hbm>>
            %dma_wait3A_175 = tpu.memref_slice %arg3[%mul3A_159] : memref<1602560xi32, #tpu.memory_space<hbm>> -> memref<512xi32, #tpu.memory_space<hbm>>
            tpu.wait_dma2 semaphore(%run_scoped3A_171 : memref<!tpu.dma_semaphore, #tpu.memory_space<semaphore_mem>>) src(%dma_wait3A_175 : memref<512xi32, #tpu.memory_space<hbm>>) dst(%arg14 : memref<512xi32, #tpu.memory_space<vmem>>)
            tpu.yield
          }) : () -> ()
          %mul3A_160 = arith.constant 4 : i32
          %mul3A_161 = arith.muli %mul3A_160, %add3A_155 : i32
          %dma_start3A_162 = arith.constant 16 : i32
          %dma_start3A_163 = arith.constant 0 : i32
          %dma_start3A_164 = tpu.memref_slice %arg4[%mul3A_161, %dma_start3A_162, %dma_start3A_163] : memref<12520x32x128xf32, #tpu.memory_space<hbm>> -> memref<4x16x128xf32, #tpu.memory_space<hbm>>
          %dma_start3A_165 = arith.constant 16 : i32
          %dma_start3A_166 = arith.constant 0 : i32
          %dma_start3A_167 = tpu.memref_slice %arg4[%mul3A_161, %dma_start3A_165, %dma_start3A_166] : memref<12520x32x128xf32, #tpu.memory_space<hbm>> -> memref<4x16x128xf32, #tpu.memory_space<hbm>>
          tpu.enqueue_dma source(%dma_start3A_167 : memref<4x16x128xf32, #tpu.memory_space<hbm>>) target(%arg15 : memref<4x16x128xf32, #tpu.memory_space<vmem>>) target_semaphore(%arg24 : memref<!tpu.dma_semaphore, #tpu.memory_space<semaphore_mem>>)
          %dma_start3A_168 = arith.constant 0 : i32
          %dma_start3A_169 = arith.constant 0 : i32
          %dma_start3A_170 = tpu.memref_slice %arg6[%dma_start3A_168, %dma_start3A_169] : memref<50000x16xf32, #tpu.memory_space<hbm>> -> memref<50000x16xf32, #tpu.memory_space<hbm>>
          tpu.enqueue_indirect_dma source(%dma_start3A_170 : memref<50000x16xf32, #tpu.memory_space<hbm>>) target(%arg16 : memref<512x16xf32, #tpu.memory_space<vmem>>) offsets(%arg13 : memref<512xi32, #tpu.memory_space<vmem>>) semaphore(%arg23 : memref<!tpu.dma_semaphore, #tpu.memory_space<semaphore_mem>>)
        } else {
        }
      } else {
      }
      %while3A_120 = arith.constant 0 : i32
      scf.yield %while3A_120 : i32
    }
    %barrier3A_103 = arith.constant 0 : index
    tpu.barrier barrier_id(%barrier3A_103)
    %run_scoped3A_104 = arith.constant 1 : i32
    "tpu.region"() ({
      %run_scoped3A_106 = tpu.sem_alloc : memref<!tpu.dma_semaphore, #tpu.memory_space<semaphore_mem>>
      %dma_start3A_107 = arith.constant 0 : i32
      %dma_start3A_108 = tpu.memref_slice %arg7[%arg0, %run_scoped3A_104, %mul3A_2, %dma_start3A_107] : memref<2x2x50048x16xf32, #tpu.memory_space<hbm>> -> memref<1x1x3128x16xf32, #tpu.memory_space<hbm>>
      %dma_start3A_109 = tpu.memref_squeeze %dma_start3A_108 : memref<1x1x3128x16xf32, #tpu.memory_space<hbm>> -> memref<3128x16xf32, #tpu.memory_space<hbm>>
      %dma_start3A_110 = arith.constant 0 : i32
      %dma_start3A_111 = tpu.memref_slice %arg19[%mul3A_2, %dma_start3A_110] : memref<50048x16xf32, #tpu.memory_space<vmem_shared>> -> memref<3128x16xf32, #tpu.memory_space<vmem_shared>>
      tpu.enqueue_dma source(%dma_start3A_111 : memref<3128x16xf32, #tpu.memory_space<vmem_shared>>) target(%dma_start3A_109 : memref<3128x16xf32, #tpu.memory_space<hbm>>) target_semaphore(%run_scoped3A_106 : memref<!tpu.dma_semaphore, #tpu.memory_space<semaphore_mem>>)
      %dma_wait3A = arith.constant 0 : i32
      %dma_wait3A_112 = tpu.memref_slice %arg7[%arg0, %run_scoped3A_104, %mul3A_2, %dma_wait3A] : memref<2x2x50048x16xf32, #tpu.memory_space<hbm>> -> memref<1x1x3128x16xf32, #tpu.memory_space<hbm>>
      %dma_wait3A_113 = tpu.memref_squeeze %dma_wait3A_112 : memref<1x1x3128x16xf32, #tpu.memory_space<hbm>> -> memref<3128x16xf32, #tpu.memory_space<hbm>>
      %dma_wait3A_114 = arith.constant 0 : i32
      %dma_wait3A_115 = tpu.memref_slice %arg19[%mul3A_2, %dma_wait3A_114] : memref<50048x16xf32, #tpu.memory_space<vmem_shared>> -> memref<3128x16xf32, #tpu.memory_space<vmem_shared>>
      tpu.wait_dma2 semaphore(%run_scoped3A_106 : memref<!tpu.dma_semaphore, #tpu.memory_space<semaphore_mem>>) src(%dma_wait3A_115 : memref<3128x16xf32, #tpu.memory_space<vmem_shared>>) dst(%dma_wait3A_113 : memref<3128x16xf32, #tpu.memory_space<hbm>>)
      tpu.yield
    }) : () -> ()
    %barrier3A_105 = arith.constant 0 : index
    tpu.barrier barrier_id(%barrier3A_105)
    return
  }
}

module attributes {stable_mosaic.version = 14 : i64} {
  func.func @_edge_mlp_body(%arg0: i32, %arg1: memref<100x2560xf32, #tpu.memory_space<vmem>>, %arg2: memref<64x100xf32, #tpu.memory_space<vmem>>, %arg3: memref<64x1xf32, #tpu.memory_space<vmem>>, %arg4: memref<32x64xf32, #tpu.memory_space<vmem>>, %arg5: memref<32x1xf32, #tpu.memory_space<vmem>>, %arg6: memref<20x32x128xf32, #tpu.memory_space<vmem>>) attributes {dimension_semantics = [#tpu.dimension_semantics<arbitrary>], iteration_bounds = array<i64: 626>, scalar_prefetch = 0 : i64, scratch_operands = 0 : i64, tpu.core_type = #tpu.core_type<tc>, window_params = [{transform_indices = @transform_0, window_bounds = array<i64: 100, 2560>}, {pipeline_mode = #tpu.pipeline_mode<synchronous>, transform_indices = @transform_1, window_bounds = array<i64: 64, 100>}, {pipeline_mode = #tpu.pipeline_mode<synchronous>, transform_indices = @transform_2, window_bounds = array<i64: 64, 1>}, {pipeline_mode = #tpu.pipeline_mode<synchronous>, transform_indices = @transform_3, window_bounds = array<i64: 32, 64>}, {pipeline_mode = #tpu.pipeline_mode<synchronous>, transform_indices = @transform_4, window_bounds = array<i64: 32, 1>}, {transform_indices = @transform_5, window_bounds = array<i64: 20, 32, 128>}]} {
    %get3A = arith.constant 0 : index
    %get3A_0 = arith.constant 0 : index
    %get3A_1 = vector.load %arg1[%get3A, %get3A_0] : memref<100x2560xf32, #tpu.memory_space<vmem>>, vector<100x2560xf32>
    %get3A_2 = arith.constant 0 : index
    %get3A_3 = arith.constant 0 : index
    %get3A_4 = vector.load %arg2[%get3A_2, %get3A_3] : memref<64x100xf32, #tpu.memory_space<vmem>>, vector<64x100xf32>
    %dot_general3A = arith.constant dense<0.000000e+00> : vector<64x2560xf32>
    %dot_general3A_5 = tpu.matmul %get3A_4, %get3A_1, %dot_general3A {dimension_numbers = #tpu.dot_dimension_numbers<[1], [0], [0], [1], [0, 0, 1, 1], [], []>, transpose_lhs_hint = false} : vector<64x100xf32>, vector<100x2560xf32>, vector<64x2560xf32> -> vector<64x2560xf32>
    %get3A_6 = arith.constant 0 : index
    %get3A_7 = arith.constant 0 : index
    %get3A_8 = vector.load %arg3[%get3A_6, %get3A_7] : memref<64x1xf32, #tpu.memory_space<vmem>>, vector<64x1xf32>
    %add3A = vector.broadcast %get3A_8 : vector<64x1xf32> to vector<64x2560xf32>
    %add3A_9 = arith.addf %dot_general3A_5, %add3A : vector<64x2560xf32>
    %max3A = arith.constant 0.000000e+00 : f32
    %max3A_10 = vector.broadcast %max3A : f32 to vector<64x2560xf32>
    %max3A_11 = arith.maximumf %add3A_9, %max3A_10 : vector<64x2560xf32>
    %get3A_12 = arith.constant 0 : index
    %get3A_13 = arith.constant 0 : index
    %get3A_14 = vector.load %arg4[%get3A_12, %get3A_13] : memref<32x64xf32, #tpu.memory_space<vmem>>, vector<32x64xf32>
    %dot_general3A_15 = arith.constant dense<0.000000e+00> : vector<32x2560xf32>
    %dot_general3A_16 = tpu.matmul %get3A_14, %max3A_11, %dot_general3A_15 {dimension_numbers = #tpu.dot_dimension_numbers<[1], [0], [0], [1], [0, 0, 1, 1], [], []>, transpose_lhs_hint = false} : vector<32x64xf32>, vector<64x2560xf32>, vector<32x2560xf32> -> vector<32x2560xf32>
    %get3A_17 = arith.constant 0 : index
    %get3A_18 = arith.constant 0 : index
    %get3A_19 = vector.load %arg5[%get3A_17, %get3A_18] : memref<32x1xf32, #tpu.memory_space<vmem>>, vector<32x1xf32>
    %add3A_20 = vector.broadcast %get3A_19 : vector<32x1xf32> to vector<32x2560xf32>
    %add3A_21 = arith.addf %dot_general3A_16, %add3A_20 : vector<32x2560xf32>
    %max3A_22 = arith.constant 0.000000e+00 : f32
    %max3A_23 = vector.broadcast %max3A_22 : f32 to vector<32x2560xf32>
    %max3A_24 = arith.maximumf %add3A_21, %max3A_23 : vector<32x2560xf32>
    %slice3A = vector.extract_strided_slice %max3A_24 {offsets = [0, 0], sizes = [32, 128], strides = [1, 1]} : vector<32x2560xf32> to vector<32x128xf32>
    %swap3A = arith.constant 0 : index
    %swap3A_25 = arith.constant 0 : index
    %swap3A_26 = arith.constant 0 : index
    %swap3A_27 = vector.load %arg6[%swap3A, %swap3A_25, %swap3A_26] : memref<20x32x128xf32, #tpu.memory_space<vmem>>, vector<1x32x128xf32>
    %swap3A_28 = vector.shape_cast %swap3A_27 : vector<1x32x128xf32> to vector<32x128xf32>
    %swap3A_29 = vector.shape_cast %slice3A : vector<32x128xf32> to vector<1x32x128xf32>
    tpu.vector_store %arg6[%swap3A, %swap3A_25, %swap3A_26], %swap3A_29 {strides = array<i32>} : memref<20x32x128xf32, #tpu.memory_space<vmem>>, vector<1x32x128xf32>,
    %slice3A_30 = vector.extract_strided_slice %max3A_24 {offsets = [0, 128], sizes = [32, 128], strides = [1, 1]} : vector<32x2560xf32> to vector<32x128xf32>
    %swap3A_31 = arith.constant 1 : index
    %swap3A_32 = arith.constant 0 : index
    %swap3A_33 = arith.constant 0 : index
    %swap3A_34 = vector.load %arg6[%swap3A_31, %swap3A_32, %swap3A_33] : memref<20x32x128xf32, #tpu.memory_space<vmem>>, vector<1x32x128xf32>
    %swap3A_35 = vector.shape_cast %swap3A_34 : vector<1x32x128xf32> to vector<32x128xf32>
    %swap3A_36 = vector.shape_cast %slice3A_30 : vector<32x128xf32> to vector<1x32x128xf32>
    tpu.vector_store %arg6[%swap3A_31, %swap3A_32, %swap3A_33], %swap3A_36 {strides = array<i32>} : memref<20x32x128xf32, #tpu.memory_space<vmem>>, vector<1x32x128xf32>,
    %slice3A_37 = vector.extract_strided_slice %max3A_24 {offsets = [0, 256], sizes = [32, 128], strides = [1, 1]} : vector<32x2560xf32> to vector<32x128xf32>
    %swap3A_38 = arith.constant 2 : index
    %swap3A_39 = arith.constant 0 : index
    %swap3A_40 = arith.constant 0 : index
    %swap3A_41 = vector.load %arg6[%swap3A_38, %swap3A_39, %swap3A_40] : memref<20x32x128xf32, #tpu.memory_space<vmem>>, vector<1x32x128xf32>
    %swap3A_42 = vector.shape_cast %swap3A_41 : vector<1x32x128xf32> to vector<32x128xf32>
    %swap3A_43 = vector.shape_cast %slice3A_37 : vector<32x128xf32> to vector<1x32x128xf32>
    tpu.vector_store %arg6[%swap3A_38, %swap3A_39, %swap3A_40], %swap3A_43 {strides = array<i32>} : memref<20x32x128xf32, #tpu.memory_space<vmem>>, vector<1x32x128xf32>,
    %slice3A_44 = vector.extract_strided_slice %max3A_24 {offsets = [0, 384], sizes = [32, 128], strides = [1, 1]} : vector<32x2560xf32> to vector<32x128xf32>
    %swap3A_45 = arith.constant 3 : index
    %swap3A_46 = arith.constant 0 : index
    %swap3A_47 = arith.constant 0 : index
    %swap3A_48 = vector.load %arg6[%swap3A_45, %swap3A_46, %swap3A_47] : memref<20x32x128xf32, #tpu.memory_space<vmem>>, vector<1x32x128xf32>
    %swap3A_49 = vector.shape_cast %swap3A_48 : vector<1x32x128xf32> to vector<32x128xf32>
    %swap3A_50 = vector.shape_cast %slice3A_44 : vector<32x128xf32> to vector<1x32x128xf32>
    tpu.vector_store %arg6[%swap3A_45, %swap3A_46, %swap3A_47], %swap3A_50 {strides = array<i32>} : memref<20x32x128xf32, #tpu.memory_space<vmem>>, vector<1x32x128xf32>,
    %slice3A_51 = vector.extract_strided_slice %max3A_24 {offsets = [0, 512], sizes = [32, 128], strides = [1, 1]} : vector<32x2560xf32> to vector<32x128xf32>
    %swap3A_52 = arith.constant 4 : index
    %swap3A_53 = arith.constant 0 : index
    %swap3A_54 = arith.constant 0 : index
    %swap3A_55 = vector.load %arg6[%swap3A_52, %swap3A_53, %swap3A_54] : memref<20x32x128xf32, #tpu.memory_space<vmem>>, vector<1x32x128xf32>
    %swap3A_56 = vector.shape_cast %swap3A_55 : vector<1x32x128xf32> to vector<32x128xf32>
    %swap3A_57 = vector.shape_cast %slice3A_51 : vector<32x128xf32> to vector<1x32x128xf32>
    tpu.vector_store %arg6[%swap3A_52, %swap3A_53, %swap3A_54], %swap3A_57 {strides = array<i32>} : memref<20x32x128xf32, #tpu.memory_space<vmem>>, vector<1x32x128xf32>,
    %slice3A_58 = vector.extract_strided_slice %max3A_24 {offsets = [0, 640], sizes = [32, 128], strides = [1, 1]} : vector<32x2560xf32> to vector<32x128xf32>
    %swap3A_59 = arith.constant 5 : index
    %swap3A_60 = arith.constant 0 : index
    %swap3A_61 = arith.constant 0 : index
    %swap3A_62 = vector.load %arg6[%swap3A_59, %swap3A_60, %swap3A_61] : memref<20x32x128xf32, #tpu.memory_space<vmem>>, vector<1x32x128xf32>
    %swap3A_63 = vector.shape_cast %swap3A_62 : vector<1x32x128xf32> to vector<32x128xf32>
    %swap3A_64 = vector.shape_cast %slice3A_58 : vector<32x128xf32> to vector<1x32x128xf32>
    tpu.vector_store %arg6[%swap3A_59, %swap3A_60, %swap3A_61], %swap3A_64 {strides = array<i32>} : memref<20x32x128xf32, #tpu.memory_space<vmem>>, vector<1x32x128xf32>,
    %slice3A_65 = vector.extract_strided_slice %max3A_24 {offsets = [0, 768], sizes = [32, 128], strides = [1, 1]} : vector<32x2560xf32> to vector<32x128xf32>
    %swap3A_66 = arith.constant 6 : index
    %swap3A_67 = arith.constant 0 : index
    %swap3A_68 = arith.constant 0 : index
    %swap3A_69 = vector.load %arg6[%swap3A_66, %swap3A_67, %swap3A_68] : memref<20x32x128xf32, #tpu.memory_space<vmem>>, vector<1x32x128xf32>
    %swap3A_70 = vector.shape_cast %swap3A_69 : vector<1x32x128xf32> to vector<32x128xf32>
    %swap3A_71 = vector.shape_cast %slice3A_65 : vector<32x128xf32> to vector<1x32x128xf32>
    tpu.vector_store %arg6[%swap3A_66, %swap3A_67, %swap3A_68], %swap3A_71 {strides = array<i32>} : memref<20x32x128xf32, #tpu.memory_space<vmem>>, vector<1x32x128xf32>,
    %slice3A_72 = vector.extract_strided_slice %max3A_24 {offsets = [0, 896], sizes = [32, 128], strides = [1, 1]} : vector<32x2560xf32> to vector<32x128xf32>
    %swap3A_73 = arith.constant 7 : index
    %swap3A_74 = arith.constant 0 : index
    %swap3A_75 = arith.constant 0 : index
    %swap3A_76 = vector.load %arg6[%swap3A_73, %swap3A_74, %swap3A_75] : memref<20x32x128xf32, #tpu.memory_space<vmem>>, vector<1x32x128xf32>
    %swap3A_77 = vector.shape_cast %swap3A_76 : vector<1x32x128xf32> to vector<32x128xf32>
    %swap3A_78 = vector.shape_cast %slice3A_72 : vector<32x128xf32> to vector<1x32x128xf32>
    tpu.vector_store %arg6[%swap3A_73, %swap3A_74, %swap3A_75], %swap3A_78 {strides = array<i32>} : memref<20x32x128xf32, #tpu.memory_space<vmem>>, vector<1x32x128xf32>,
    %slice3A_79 = vector.extract_strided_slice %max3A_24 {offsets = [0, 1024], sizes = [32, 128], strides = [1, 1]} : vector<32x2560xf32> to vector<32x128xf32>
    %swap3A_80 = arith.constant 8 : index
    %swap3A_81 = arith.constant 0 : index
    %swap3A_82 = arith.constant 0 : index
    %swap3A_83 = vector.load %arg6[%swap3A_80, %swap3A_81, %swap3A_82] : memref<20x32x128xf32, #tpu.memory_space<vmem>>, vector<1x32x128xf32>
    %swap3A_84 = vector.shape_cast %swap3A_83 : vector<1x32x128xf32> to vector<32x128xf32>
    %swap3A_85 = vector.shape_cast %slice3A_79 : vector<32x128xf32> to vector<1x32x128xf32>
    tpu.vector_store %arg6[%swap3A_80, %swap3A_81, %swap3A_82], %swap3A_85 {strides = array<i32>} : memref<20x32x128xf32, #tpu.memory_space<vmem>>, vector<1x32x128xf32>,
    %slice3A_86 = vector.extract_strided_slice %max3A_24 {offsets = [0, 1152], sizes = [32, 128], strides = [1, 1]} : vector<32x2560xf32> to vector<32x128xf32>
    %swap3A_87 = arith.constant 9 : index
    %swap3A_88 = arith.constant 0 : index
    %swap3A_89 = arith.constant 0 : index
    %swap3A_90 = vector.load %arg6[%swap3A_87, %swap3A_88, %swap3A_89] : memref<20x32x128xf32, #tpu.memory_space<vmem>>, vector<1x32x128xf32>
    %swap3A_91 = vector.shape_cast %swap3A_90 : vector<1x32x128xf32> to vector<32x128xf32>
    %swap3A_92 = vector.shape_cast %slice3A_86 : vector<32x128xf32> to vector<1x32x128xf32>
    tpu.vector_store %arg6[%swap3A_87, %swap3A_88, %swap3A_89], %swap3A_92 {strides = array<i32>} : memref<20x32x128xf32, #tpu.memory_space<vmem>>, vector<1x32x128xf32>,
    %slice3A_93 = vector.extract_strided_slice %max3A_24 {offsets = [0, 1280], sizes = [32, 128], strides = [1, 1]} : vector<32x2560xf32> to vector<32x128xf32>
    %swap3A_94 = arith.constant 10 : index
    %swap3A_95 = arith.constant 0 : index
    %swap3A_96 = arith.constant 0 : index
    %swap3A_97 = vector.load %arg6[%swap3A_94, %swap3A_95, %swap3A_96] : memref<20x32x128xf32, #tpu.memory_space<vmem>>, vector<1x32x128xf32>
    %swap3A_98 = vector.shape_cast %swap3A_97 : vector<1x32x128xf32> to vector<32x128xf32>
    %swap3A_99 = vector.shape_cast %slice3A_93 : vector<32x128xf32> to vector<1x32x128xf32>
    tpu.vector_store %arg6[%swap3A_94, %swap3A_95, %swap3A_96], %swap3A_99 {strides = array<i32>} : memref<20x32x128xf32, #tpu.memory_space<vmem>>, vector<1x32x128xf32>,
    %slice3A_100 = vector.extract_strided_slice %max3A_24 {offsets = [0, 1408], sizes = [32, 128], strides = [1, 1]} : vector<32x2560xf32> to vector<32x128xf32>
    %swap3A_101 = arith.constant 11 : index
    %swap3A_102 = arith.constant 0 : index
    %swap3A_103 = arith.constant 0 : index
    %swap3A_104 = vector.load %arg6[%swap3A_101, %swap3A_102, %swap3A_103] : memref<20x32x128xf32, #tpu.memory_space<vmem>>, vector<1x32x128xf32>
    %swap3A_105 = vector.shape_cast %swap3A_104 : vector<1x32x128xf32> to vector<32x128xf32>
    %swap3A_106 = vector.shape_cast %slice3A_100 : vector<32x128xf32> to vector<1x32x128xf32>
    tpu.vector_store %arg6[%swap3A_101, %swap3A_102, %swap3A_103], %swap3A_106 {strides = array<i32>} : memref<20x32x128xf32, #tpu.memory_space<vmem>>, vector<1x32x128xf32>,
    %slice3A_107 = vector.extract_strided_slice %max3A_24 {offsets = [0, 1536], sizes = [32, 128], strides = [1, 1]} : vector<32x2560xf32> to vector<32x128xf32>
    %swap3A_108 = arith.constant 12 : index
    %swap3A_109 = arith.constant 0 : index
    %swap3A_110 = arith.constant 0 : index
    %swap3A_111 = vector.load %arg6[%swap3A_108, %swap3A_109, %swap3A_110] : memref<20x32x128xf32, #tpu.memory_space<vmem>>, vector<1x32x128xf32>
    %swap3A_112 = vector.shape_cast %swap3A_111 : vector<1x32x128xf32> to vector<32x128xf32>
    %swap3A_113 = vector.shape_cast %slice3A_107 : vector<32x128xf32> to vector<1x32x128xf32>
    tpu.vector_store %arg6[%swap3A_108, %swap3A_109, %swap3A_110], %swap3A_113 {strides = array<i32>} : memref<20x32x128xf32, #tpu.memory_space<vmem>>, vector<1x32x128xf32>,
    %slice3A_114 = vector.extract_strided_slice %max3A_24 {offsets = [0, 1664], sizes = [32, 128], strides = [1, 1]} : vector<32x2560xf32> to vector<32x128xf32>
    %swap3A_115 = arith.constant 13 : index
    %swap3A_116 = arith.constant 0 : index
    %swap3A_117 = arith.constant 0 : index
    %swap3A_118 = vector.load %arg6[%swap3A_115, %swap3A_116, %swap3A_117] : memref<20x32x128xf32, #tpu.memory_space<vmem>>, vector<1x32x128xf32>
    %swap3A_119 = vector.shape_cast %swap3A_118 : vector<1x32x128xf32> to vector<32x128xf32>
    %swap3A_120 = vector.shape_cast %slice3A_114 : vector<32x128xf32> to vector<1x32x128xf32>
    tpu.vector_store %arg6[%swap3A_115, %swap3A_116, %swap3A_117], %swap3A_120 {strides = array<i32>} : memref<20x32x128xf32, #tpu.memory_space<vmem>>, vector<1x32x128xf32>,
    %slice3A_121 = vector.extract_strided_slice %max3A_24 {offsets = [0, 1792], sizes = [32, 128], strides = [1, 1]} : vector<32x2560xf32> to vector<32x128xf32>
    %swap3A_122 = arith.constant 14 : index
    %swap3A_123 = arith.constant 0 : index
    %swap3A_124 = arith.constant 0 : index
    %swap3A_125 = vector.load %arg6[%swap3A_122, %swap3A_123, %swap3A_124] : memref<20x32x128xf32, #tpu.memory_space<vmem>>, vector<1x32x128xf32>
    %swap3A_126 = vector.shape_cast %swap3A_125 : vector<1x32x128xf32> to vector<32x128xf32>
    %swap3A_127 = vector.shape_cast %slice3A_121 : vector<32x128xf32> to vector<1x32x128xf32>
    tpu.vector_store %arg6[%swap3A_122, %swap3A_123, %swap3A_124], %swap3A_127 {strides = array<i32>} : memref<20x32x128xf32, #tpu.memory_space<vmem>>, vector<1x32x128xf32>,
    %slice3A_128 = vector.extract_strided_slice %max3A_24 {offsets = [0, 1920], sizes = [32, 128], strides = [1, 1]} : vector<32x2560xf32> to vector<32x128xf32>
    %swap3A_129 = arith.constant 15 : index
    %swap3A_130 = arith.constant 0 : index
    %swap3A_131 = arith.constant 0 : index
    %swap3A_132 = vector.load %arg6[%swap3A_129, %swap3A_130, %swap3A_131] : memref<20x32x128xf32, #tpu.memory_space<vmem>>, vector<1x32x128xf32>
    %swap3A_133 = vector.shape_cast %swap3A_132 : vector<1x32x128xf32> to vector<32x128xf32>
    %swap3A_134 = vector.shape_cast %slice3A_128 : vector<32x128xf32> to vector<1x32x128xf32>
    tpu.vector_store %arg6[%swap3A_129, %swap3A_130, %swap3A_131], %swap3A_134 {strides = array<i32>} : memref<20x32x128xf32, #tpu.memory_space<vmem>>, vector<1x32x128xf32>,
    %slice3A_135 = vector.extract_strided_slice %max3A_24 {offsets = [0, 2048], sizes = [32, 128], strides = [1, 1]} : vector<32x2560xf32> to vector<32x128xf32>
    %swap3A_136 = arith.constant 16 : index
    %swap3A_137 = arith.constant 0 : index
    %swap3A_138 = arith.constant 0 : index
    %swap3A_139 = vector.load %arg6[%swap3A_136, %swap3A_137, %swap3A_138] : memref<20x32x128xf32, #tpu.memory_space<vmem>>, vector<1x32x128xf32>
    %swap3A_140 = vector.shape_cast %swap3A_139 : vector<1x32x128xf32> to vector<32x128xf32>
    %swap3A_141 = vector.shape_cast %slice3A_135 : vector<32x128xf32> to vector<1x32x128xf32>
    tpu.vector_store %arg6[%swap3A_136, %swap3A_137, %swap3A_138], %swap3A_141 {strides = array<i32>} : memref<20x32x128xf32, #tpu.memory_space<vmem>>, vector<1x32x128xf32>,
    %slice3A_142 = vector.extract_strided_slice %max3A_24 {offsets = [0, 2176], sizes = [32, 128], strides = [1, 1]} : vector<32x2560xf32> to vector<32x128xf32>
    %swap3A_143 = arith.constant 17 : index
    %swap3A_144 = arith.constant 0 : index
    %swap3A_145 = arith.constant 0 : index
    %swap3A_146 = vector.load %arg6[%swap3A_143, %swap3A_144, %swap3A_145] : memref<20x32x128xf32, #tpu.memory_space<vmem>>, vector<1x32x128xf32>
    %swap3A_147 = vector.shape_cast %swap3A_146 : vector<1x32x128xf32> to vector<32x128xf32>
    %swap3A_148 = vector.shape_cast %slice3A_142 : vector<32x128xf32> to vector<1x32x128xf32>
    tpu.vector_store %arg6[%swap3A_143, %swap3A_144, %swap3A_145], %swap3A_148 {strides = array<i32>} : memref<20x32x128xf32, #tpu.memory_space<vmem>>, vector<1x32x128xf32>,
    %slice3A_149 = vector.extract_strided_slice %max3A_24 {offsets = [0, 2304], sizes = [32, 128], strides = [1, 1]} : vector<32x2560xf32> to vector<32x128xf32>
    %swap3A_150 = arith.constant 18 : index
    %swap3A_151 = arith.constant 0 : index
    %swap3A_152 = arith.constant 0 : index
    %swap3A_153 = vector.load %arg6[%swap3A_150, %swap3A_151, %swap3A_152] : memref<20x32x128xf32, #tpu.memory_space<vmem>>, vector<1x32x128xf32>
    %swap3A_154 = vector.shape_cast %swap3A_153 : vector<1x32x128xf32> to vector<32x128xf32>
    %swap3A_155 = vector.shape_cast %slice3A_149 : vector<32x128xf32> to vector<1x32x128xf32>
    tpu.vector_store %arg6[%swap3A_150, %swap3A_151, %swap3A_152], %swap3A_155 {strides = array<i32>} : memref<20x32x128xf32, #tpu.memory_space<vmem>>, vector<1x32x128xf32>,
    %slice3A_156 = vector.extract_strided_slice %max3A_24 {offsets = [0, 2432], sizes = [32, 128], strides = [1, 1]} : vector<32x2560xf32> to vector<32x128xf32>
    %swap3A_157 = arith.constant 19 : index
    %swap3A_158 = arith.constant 0 : index
    %swap3A_159 = arith.constant 0 : index
    %swap3A_160 = vector.load %arg6[%swap3A_157, %swap3A_158, %swap3A_159] : memref<20x32x128xf32, #tpu.memory_space<vmem>>, vector<1x32x128xf32>
    %swap3A_161 = vector.shape_cast %swap3A_160 : vector<1x32x128xf32> to vector<32x128xf32>
    %swap3A_162 = vector.shape_cast %slice3A_156 : vector<32x128xf32> to vector<1x32x128xf32>
    tpu.vector_store %arg6[%swap3A_157, %swap3A_158, %swap3A_159], %swap3A_162 {strides = array<i32>} : memref<20x32x128xf32, #tpu.memory_space<vmem>>, vector<1x32x128xf32>,
    return
  }
  func.func @transform_0(%arg0: i32) -> (i32, i32) {
    %c0_i32 = arith.constant 0 : i32
    %c0_i32_0 = arith.constant 0 : i32
    return %c0_i32, %arg0 : i32, i32
  }
  func.func @transform_1(%arg0: i32) -> (i32, i32) {
    %c0_i32 = arith.constant 0 : i32
    %c0_i32_0 = arith.constant 0 : i32
    %c0_i32_1 = arith.constant 0 : i32
    return %c0_i32, %c0_i32_0 : i32, i32
  }
  func.func @transform_2(%arg0: i32) -> (i32, i32) {
    %c0_i32 = arith.constant 0 : i32
    %c0_i32_0 = arith.constant 0 : i32
    %c0_i32_1 = arith.constant 0 : i32
    return %c0_i32, %c0_i32_0 : i32, i32
  }
  func.func @transform_3(%arg0: i32) -> (i32, i32) {
    %c0_i32 = arith.constant 0 : i32
    %c0_i32_0 = arith.constant 0 : i32
    %c0_i32_1 = arith.constant 0 : i32
    return %c0_i32, %c0_i32_0 : i32, i32
  }
  func.func @transform_4(%arg0: i32) -> (i32, i32) {
    %c0_i32 = arith.constant 0 : i32
    %c0_i32_0 = arith.constant 0 : i32
    %c0_i32_1 = arith.constant 0 : i32
    return %c0_i32, %c0_i32_0 : i32, i32
  }
  func.func @transform_5(%arg0: i32) -> (i32, i32, i32) {
    %c0_i32 = arith.constant 0 : i32
    %c0_i32_0 = arith.constant 0 : i32
    %c0_i32_1 = arith.constant 0 : i32
    return %arg0, %c0_i32, %c0_i32_0 : i32, i32, i32
  }
}

module attributes {stable_mosaic.version = 14 : i64} {
  func.func @_graph_body(%arg0: i32, %arg1: memref<1000x32xf32, #tpu.memory_space<vmem>>, %arg2: memref<2x1x1000x16xf32, #tpu.memory_space<vmem>>, %arg3: memref<2x1x1000x16xf32, #tpu.memory_space<vmem>>, %arg4: memref<32x128xf32, #tpu.memory_space<vmem>>, %arg5: memref<16x128xf32, #tpu.memory_space<vmem>>, %arg6: memref<16x128xf32, #tpu.memory_space<vmem>>, %arg7: memref<1x128xf32, #tpu.memory_space<vmem>>, %arg8: memref<128x256xf32, #tpu.memory_space<vmem>>, %arg9: memref<1x256xf32, #tpu.memory_space<vmem>>, %arg10: memref<1x256xf32, #tpu.memory_space<vmem>>, %arg11: memref<1x1x512xf32, #tpu.memory_space<vmem>>) attributes {dimension_semantics = [#tpu.dimension_semantics<arbitrary>], iteration_bounds = array<i64: 50>, scalar_prefetch = 0 : i64, scratch_operands = 0 : i64, tpu.core_type = #tpu.core_type<tc>, window_params = [{transform_indices = @transform_0, window_bounds = array<i64: 1000, 32>}, {transform_indices = @transform_1, window_bounds = array<i64: 2, 1, 1000, 16>}, {transform_indices = @transform_2, window_bounds = array<i64: 2, 1, 1000, 16>}, {pipeline_mode = #tpu.pipeline_mode<synchronous>, transform_indices = @transform_3, window_bounds = array<i64: 32, 128>}, {pipeline_mode = #tpu.pipeline_mode<synchronous>, transform_indices = @transform_4, window_bounds = array<i64: 16, 128>}, {pipeline_mode = #tpu.pipeline_mode<synchronous>, transform_indices = @transform_5, window_bounds = array<i64: 16, 128>}, {pipeline_mode = #tpu.pipeline_mode<synchronous>, transform_indices = @transform_6, window_bounds = array<i64: 1, 128>}, {pipeline_mode = #tpu.pipeline_mode<synchronous>, transform_indices = @transform_7, window_bounds = array<i64: 128, 256>}, {pipeline_mode = #tpu.pipeline_mode<synchronous>, transform_indices = @transform_8, window_bounds = array<i64: 1, 256>}, {pipeline_mode = #tpu.pipeline_mode<synchronous>, transform_indices = @transform_9, window_bounds = array<i64: 1, 256>}, {transform_indices = @transform_10, window_bounds = array<i64: 1, 1, 512>}]} {
    %get3A = arith.constant 0 : index
    %get3A_0 = arith.constant 0 : index
    %get3A_1 = arith.constant 0 : index
    %get3A_2 = arith.constant 0 : index
    %get3A_3 = vector.load %arg2[%get3A, %get3A_0, %get3A_1, %get3A_2] : memref<2x1x1000x16xf32, #tpu.memory_space<vmem>>, vector<1x1x1000x16xf32>
    %get3A_4 = vector.shape_cast %get3A_3 : vector<1x1x1000x16xf32> to vector<1000x16xf32>
    %get3A_5 = arith.constant 1 : index
    %get3A_6 = arith.constant 0 : index
    %get3A_7 = arith.constant 0 : index
    %get3A_8 = arith.constant 0 : index
    %get3A_9 = vector.load %arg2[%get3A_5, %get3A_6, %get3A_7, %get3A_8] : memref<2x1x1000x16xf32, #tpu.memory_space<vmem>>, vector<1x1x1000x16xf32>
    %get3A_10 = vector.shape_cast %get3A_9 : vector<1x1x1000x16xf32> to vector<1000x16xf32>
    %add3A = arith.addf %get3A_4, %get3A_10 : vector<1000x16xf32>
    %get3A_11 = arith.constant 0 : index
    %get3A_12 = arith.constant 0 : index
    %get3A_13 = arith.constant 0 : index
    %get3A_14 = arith.constant 0 : index
    %get3A_15 = vector.load %arg3[%get3A_11, %get3A_12, %get3A_13, %get3A_14] : memref<2x1x1000x16xf32, #tpu.memory_space<vmem>>, vector<1x1x1000x16xf32>
    %get3A_16 = vector.shape_cast %get3A_15 : vector<1x1x1000x16xf32> to vector<1000x16xf32>
    %get3A_17 = arith.constant 1 : index
    %get3A_18 = arith.constant 0 : index
    %get3A_19 = arith.constant 0 : index
    %get3A_20 = arith.constant 0 : index
    %get3A_21 = vector.load %arg3[%get3A_17, %get3A_18, %get3A_19, %get3A_20] : memref<2x1x1000x16xf32, #tpu.memory_space<vmem>>, vector<1x1x1000x16xf32>
    %get3A_22 = vector.shape_cast %get3A_21 : vector<1x1x1000x16xf32> to vector<1000x16xf32>
    %add3A_23 = arith.addf %get3A_16, %get3A_22 : vector<1000x16xf32>
    %get3A_24 = arith.constant 0 : index
    %get3A_25 = arith.constant 0 : index
    %get3A_26 = vector.load %arg1[%get3A_24, %get3A_25] : memref<1000x32xf32, #tpu.memory_space<vmem>>, vector<1000x32xf32>
    %get3A_27 = arith.constant 0 : index
    %get3A_28 = arith.constant 0 : index
    %get3A_29 = vector.load %arg4[%get3A_27, %get3A_28] : memref<32x128xf32, #tpu.memory_space<vmem>>, vector<32x128xf32>
    %dot_general3A = arith.constant dense<0.000000e+00> : vector<1000x128xf32>
    %dot_general3A_30 = tpu.matmul %get3A_26, %get3A_29, %dot_general3A {dimension_numbers = #tpu.dot_dimension_numbers<[1], [0], [0], [1], [0, 0, 1, 1], [], []>, transpose_lhs_hint = false} : vector<1000x32xf32>, vector<32x128xf32>, vector<1000x128xf32> -> vector<1000x128xf32>
    %get3A_31 = arith.constant 0 : index
    %get3A_32 = arith.constant 0 : index
    %get3A_33 = vector.load %arg5[%get3A_31, %get3A_32] : memref<16x128xf32, #tpu.memory_space<vmem>>, vector<16x128xf32>
    %dot_general3A_34 = arith.constant dense<0.000000e+00> : vector<1000x128xf32>
    %dot_general3A_35 = tpu.matmul %add3A, %get3A_33, %dot_general3A_34 {dimension_numbers = #tpu.dot_dimension_numbers<[1], [0], [0], [1], [0, 0, 1, 1], [], []>, transpose_lhs_hint = false} : vector<1000x16xf32>, vector<16x128xf32>, vector<1000x128xf32> -> vector<1000x128xf32>
    %add3A_36 = arith.addf %dot_general3A_30, %dot_general3A_35 : vector<1000x128xf32>
    %get3A_37 = arith.constant 0 : index
    %get3A_38 = arith.constant 0 : index
    %get3A_39 = vector.load %arg6[%get3A_37, %get3A_38] : memref<16x128xf32, #tpu.memory_space<vmem>>, vector<16x128xf32>
    %dot_general3A_40 = arith.constant dense<0.000000e+00> : vector<1000x128xf32>
    %dot_general3A_41 = tpu.matmul %add3A_23, %get3A_39, %dot_general3A_40 {dimension_numbers = #tpu.dot_dimension_numbers<[1], [0], [0], [1], [0, 0, 1, 1], [], []>, transpose_lhs_hint = false} : vector<1000x16xf32>, vector<16x128xf32>, vector<1000x128xf32> -> vector<1000x128xf32>
    %add3A_42 = arith.addf %add3A_36, %dot_general3A_41 : vector<1000x128xf32>
    %get3A_43 = arith.constant 0 : index
    %get3A_44 = arith.constant 0 : index
    %get3A_45 = vector.load %arg7[%get3A_43, %get3A_44] : memref<1x128xf32, #tpu.memory_space<vmem>>, vector<1x128xf32>
    %add3A_46 = vector.broadcast %get3A_45 : vector<1x128xf32> to vector<1000x128xf32>
    %add3A_47 = arith.addf %add3A_42, %add3A_46 : vector<1000x128xf32>
    %max3A = arith.constant 0.000000e+00 : f32
    %max3A_48 = vector.broadcast %max3A : f32 to vector<1000x128xf32>
    %max3A_49 = arith.maximumf %add3A_47, %max3A_48 : vector<1000x128xf32>
    %get3A_50 = arith.constant 0 : index
    %get3A_51 = arith.constant 0 : index
    %get3A_52 = vector.load %arg8[%get3A_50, %get3A_51] : memref<128x256xf32, #tpu.memory_space<vmem>>, vector<128x256xf32>
    %dot_general3A_53 = arith.constant dense<0.000000e+00> : vector<1000x256xf32>
    %dot_general3A_54 = tpu.matmul %max3A_49, %get3A_52, %dot_general3A_53 {dimension_numbers = #tpu.dot_dimension_numbers<[1], [0], [0], [1], [0, 0, 1, 1], [], []>, transpose_lhs_hint = false} : vector<1000x128xf32>, vector<128x256xf32>, vector<1000x256xf32> -> vector<1000x256xf32>
    %get3A_55 = arith.constant 0 : index
    %get3A_56 = arith.constant 0 : index
    %get3A_57 = vector.load %arg9[%get3A_55, %get3A_56] : memref<1x256xf32, #tpu.memory_space<vmem>>, vector<1x256xf32>
    %add3A_58 = vector.broadcast %get3A_57 : vector<1x256xf32> to vector<1000x256xf32>
    %add3A_59 = arith.addf %dot_general3A_54, %add3A_58 : vector<1000x256xf32>
    %max3A_60 = arith.constant 0.000000e+00 : f32
    %max3A_61 = vector.broadcast %max3A_60 : f32 to vector<1000x256xf32>
    %max3A_62 = arith.maximumf %add3A_59, %max3A_61 : vector<1000x256xf32>
    %get3A_63 = arith.constant 0 : index
    %get3A_64 = arith.constant 0 : index
    %get3A_65 = vector.load %arg10[%get3A_63, %get3A_64] : memref<1x256xf32, #tpu.memory_space<vmem>>, vector<1x256xf32>
    %mul3A = vector.broadcast %get3A_65 : vector<1x256xf32> to vector<1000x256xf32>
    %mul3A_66 = arith.mulf %max3A_62, %mul3A : vector<1000x256xf32>
    %reduce_sum3A = arith.constant dense<0.000000e+00> : vector<1000xf32>
    %reduce_sum3A_67 = vector.multi_reduction <add>, %mul3A_66, %reduce_sum3A [1] : vector<1000x256xf32> to vector<1000xf32>
    %broadcast_in_dim3A = vector.shape_cast %reduce_sum3A_67 : vector<1000xf32> to vector<1000x1xf32>
    %tanh3A = math.tanh %broadcast_in_dim3A : vector<1000x1xf32>
    %scan3A = arith.constant -1.001000e+00 : f32
    %scan3A_68 = arith.constant 1.001000e+00 : f32
    %scan3A_69 = arith.constant 0 : i32
    %scan3A_70 = arith.constant 50 : i32
    %scan3A_71 = arith.addi %scan3A_69, %scan3A_70 : i32
    %scan3A_72 = arith.constant 1 : i32
    %scan3A_73:2 = scf.for %scan3A_96 = %scan3A_69 to %scan3A_71 step %scan3A_72 iter_args(%scan3A_97 = %scan3A, %scan3A_98 = %scan3A_68) -> (f32, f32)  : i32 {
      %add3A_99 = arith.addf %scan3A_97, %scan3A_98 : f32
      %mul3A_100 = arith.constant 5.000000e-01 : f32
      %mul3A_101 = arith.mulf %add3A_99, %mul3A_100 : f32
      %ge3A_102 = vector.broadcast %mul3A_101 : f32 to vector<1000x1xf32>
      %ge3A_103 = arith.cmpf oge, %tanh3A, %ge3A_102 : vector<1000x1xf32>
      %convert_element_type3A = arith.extui %ge3A_103 : vector<1000x1xi1> to vector<1000x1xi32>
      %convert_element_type3A_104 = arith.sitofp %convert_element_type3A : vector<1000x1xi32> to vector<1000x1xf32>
      %reduce_sum3A_105 = vector.shape_cast %convert_element_type3A_104 : vector<1000x1xf32> to vector<1x1000x1xf32>
      %reduce_sum3A_106 = arith.constant dense<0.000000e+00> : vector<1xf32>
      %reduce_sum3A_107 = vector.multi_reduction <add>, %reduce_sum3A_105, %reduce_sum3A_106 [1, 2] : vector<1x1000x1xf32> to vector<1xf32>
      %reduce_sum3A_108 = vector.shape_cast %reduce_sum3A_107 : vector<1xf32> to vector<1x1x1xf32>
      %reduce_sum3A_109 = vector.extract %reduce_sum3A_108[0, 0, 0] : f32 from vector<1x1x1xf32>
      %ge3A_110 = arith.constant 8.000000e+02 : f32
      %ge3A_111 = arith.cmpf oge, %reduce_sum3A_109, %ge3A_110 : f32
      %select_n3A_112 = arith.select %ge3A_111, %mul3A_101, %scan3A_97 : f32
      %select_n3A_113 = arith.select %ge3A_111, %scan3A_98, %mul3A_101 : f32
      scf.yield %select_n3A_112, %select_n3A_113 : f32, f32
    }
    %ge3A = vector.broadcast %scan3A_73#0 : f32 to vector<1000x1xf32>
    %ge3A_74 = arith.cmpf oge, %tanh3A, %ge3A : vector<1000x1xf32>
    %mul3A_75 = vector.broadcast %tanh3A : vector<1000x1xf32> to vector<1000x256xf32>
    %mul3A_76 = arith.mulf %max3A_62, %mul3A_75 : vector<1000x256xf32>
    %jit3A = arith.constant 0xFF800000 : f32
    %broadcast_in_dim3A_77 = vector.shape_cast %ge3A_74 : vector<1000x1xi1> to vector<1000x1xi1>
    %broadcast_in_dim3A_78 = vector.broadcast %broadcast_in_dim3A_77 : vector<1000x1xi1> to vector<1000x256xi1>
    %broadcast_in_dim3A_79 = vector.broadcast %jit3A : f32 to vector<1000x256xf32>
    %select_n3A = arith.select %broadcast_in_dim3A_78, %mul3A_76, %broadcast_in_dim3A_79 : vector<1000x256xi1>, vector<1000x256xf32>
    %reduce_max3A = arith.constant dense<0xFF800000> : vector<256xf32>
    %reduce_max3A_80 = vector.multi_reduction <maximumf>, %select_n3A, %reduce_max3A [0] : vector<1000x256xf32> to vector<256xf32>
    %jit3A_81 = arith.constant 0.000000e+00 : f32
    %broadcast_in_dim3A_82 = vector.shape_cast %ge3A_74 : vector<1000x1xi1> to vector<1000x1xi1>
    %broadcast_in_dim3A_83 = vector.broadcast %broadcast_in_dim3A_82 : vector<1000x1xi1> to vector<1000x256xi1>
    %broadcast_in_dim3A_84 = vector.broadcast %jit3A_81 : f32 to vector<1000x256xf32>
    %select_n3A_85 = arith.select %broadcast_in_dim3A_83, %mul3A_76, %broadcast_in_dim3A_84 : vector<1000x256xi1>, vector<1000x256xf32>
    %reduce_sum3A_86 = arith.constant dense<0.000000e+00> : vector<256xf32>
    %reduce_sum3A_87 = vector.multi_reduction <add>, %select_n3A_85, %reduce_sum3A_86 [0] : vector<1000x256xf32> to vector<256xf32>
    %mul3A_88 = arith.constant 1.250000e-03 : f32
    %mul3A_89 = vector.broadcast %mul3A_88 : f32 to vector<256xf32>
    %mul3A_90 = arith.mulf %reduce_sum3A_87, %mul3A_89 : vector<256xf32>
    %concatenate3A = tpu.concatenate %reduce_max3A_80, %mul3A_90 in 0 : vector<256xf32>, vector<256xf32> -> vector<512xf32>
    %swap3A = arith.constant 0 : index
    %swap3A_91 = arith.constant 0 : index
    %swap3A_92 = arith.constant 0 : index
    %swap3A_93 = vector.load %arg11[%swap3A, %swap3A_91, %swap3A_92] : memref<1x1x512xf32, #tpu.memory_space<vmem>>, vector<1x1x512xf32>
    %swap3A_94 = vector.shape_cast %swap3A_93 : vector<1x1x512xf32> to vector<512xf32>
    %swap3A_95 = vector.shape_cast %concatenate3A : vector<512xf32> to vector<1x1x512xf32>
    tpu.vector_store %arg11[%swap3A, %swap3A_91, %swap3A_92], %swap3A_95 {strides = array<i32>} : memref<1x1x512xf32, #tpu.memory_space<vmem>>, vector<1x1x512xf32>,
    return
  }
  func.func @transform_0(%arg0: i32) -> (i32, i32) {
    %c0_i32 = arith.constant 0 : i32
    %c0_i32_0 = arith.constant 0 : i32
    return %arg0, %c0_i32 : i32, i32
  }
  func.func @transform_1(%arg0: i32) -> (i32, i32, i32, i32) {
    %c0_i32 = arith.constant 0 : i32
    %c0_i32_0 = arith.constant 0 : i32
    %c0_i32_1 = arith.constant 0 : i32
    %c0_i32_2 = arith.constant 0 : i32
    return %c0_i32, %c0_i32_0, %arg0, %c0_i32_1 : i32, i32, i32, i32
  }
  func.func @transform_2(%arg0: i32) -> (i32, i32, i32, i32) {
    %c0_i32 = arith.constant 0 : i32
    %c0_i32_0 = arith.constant 0 : i32
    %c0_i32_1 = arith.constant 0 : i32
    %c0_i32_2 = arith.constant 0 : i32
    return %c0_i32, %c0_i32_0, %arg0, %c0_i32_1 : i32, i32, i32, i32
  }
  func.func @transform_3(%arg0: i32) -> (i32, i32) {
    %c0_i32 = arith.constant 0 : i32
    %c0_i32_0 = arith.constant 0 : i32
    %c0_i32_1 = arith.constant 0 : i32
    return %c0_i32, %c0_i32_0 : i32, i32
  }
  func.func @transform_4(%arg0: i32) -> (i32, i32) {
    %c0_i32 = arith.constant 0 : i32
    %c0_i32_0 = arith.constant 0 : i32
    %c0_i32_1 = arith.constant 0 : i32
    return %c0_i32, %c0_i32_0 : i32, i32
  }
  func.func @transform_5(%arg0: i32) -> (i32, i32) {
    %c0_i32 = arith.constant 0 : i32
    %c0_i32_0 = arith.constant 0 : i32
    %c0_i32_1 = arith.constant 0 : i32
    return %c0_i32, %c0_i32_0 : i32, i32
  }
  func.func @transform_6(%arg0: i32) -> (i32, i32) {
    %c0_i32 = arith.constant 0 : i32
    %c0_i32_0 = arith.constant 0 : i32
    %c0_i32_1 = arith.constant 0 : i32
    return %c0_i32, %c0_i32_0 : i32, i32
  }
  func.func @transform_7(%arg0: i32) -> (i32, i32) {
    %c0_i32 = arith.constant 0 : i32
    %c0_i32_0 = arith.constant 0 : i32
    %c0_i32_1 = arith.constant 0 : i32
    return %c0_i32, %c0_i32_0 : i32, i32
  }
  func.func @transform_8(%arg0: i32) -> (i32, i32) {
    %c0_i32 = arith.constant 0 : i32
    %c0_i32_0 = arith.constant 0 : i32
    %c0_i32_1 = arith.constant 0 : i32
    return %c0_i32, %c0_i32_0 : i32, i32
  }
  func.func @transform_9(%arg0: i32) -> (i32, i32) {
    %c0_i32 = arith.constant 0 : i32
    %c0_i32_0 = arith.constant 0 : i32
    %c0_i32_1 = arith.constant 0 : i32
    return %c0_i32, %c0_i32_0 : i32, i32
  }
  func.func @transform_10(%arg0: i32) -> (i32, i32, i32) {
    %c0_i32 = arith.constant 0 : i32
    %c0_i32_0 = arith.constant 0 : i32
    %c0_i32_1 = arith.constant 0 : i32
    return %arg0, %c0_i32, %c0_i32_0 : i32, i32, i32
  }
}

module attributes {stable_mosaic.version = 14 : i64} {
  func.func @_readout_body(%arg0: memref<64x512xf32, #tpu.memory_space<vmem>>, %arg1: memref<512x128xf32, #tpu.memory_space<vmem>>, %arg2: memref<1x128xf32, #tpu.memory_space<vmem>>, %arg3: memref<128x64xf32, #tpu.memory_space<vmem>>, %arg4: memref<1x64xf32, #tpu.memory_space<vmem>>, %arg5: memref<64x2xf32, #tpu.memory_space<vmem>>, %arg6: memref<1x2xf32, #tpu.memory_space<vmem>>, %arg7: memref<64x2xf32, #tpu.memory_space<vmem>>) attributes {dimension_semantics = [], scalar_prefetch = 0 : i64, scratch_operands = 0 : i64, tpu.core_type = #tpu.core_type<tc>} {
    %get3A = arith.constant 0 : index
    %get3A_0 = arith.constant 0 : index
    %get3A_1 = vector.load %arg0[%get3A, %get3A_0] : memref<64x512xf32, #tpu.memory_space<vmem>>, vector<64x512xf32>
    %get3A_2 = arith.constant 0 : index
    %get3A_3 = arith.constant 0 : index
    %get3A_4 = vector.load %arg1[%get3A_2, %get3A_3] : memref<512x128xf32, #tpu.memory_space<vmem>>, vector<512x128xf32>
    %dot_general3A = arith.constant dense<0.000000e+00> : vector<64x128xf32>
    %dot_general3A_5 = tpu.matmul %get3A_1, %get3A_4, %dot_general3A {dimension_numbers = #tpu.dot_dimension_numbers<[1], [0], [0], [1], [0, 0, 1, 1], [], []>, transpose_lhs_hint = false} : vector<64x512xf32>, vector<512x128xf32>, vector<64x128xf32> -> vector<64x128xf32>
    %get3A_6 = arith.constant 0 : index
    %get3A_7 = arith.constant 0 : index
    %get3A_8 = vector.load %arg2[%get3A_6, %get3A_7] : memref<1x128xf32, #tpu.memory_space<vmem>>, vector<1x128xf32>
    %add3A = vector.broadcast %get3A_8 : vector<1x128xf32> to vector<64x128xf32>
    %add3A_9 = arith.addf %dot_general3A_5, %add3A : vector<64x128xf32>
    %max3A = arith.constant 0.000000e+00 : f32
    %max3A_10 = vector.broadcast %max3A : f32 to vector<64x128xf32>
    %max3A_11 = arith.maximumf %add3A_9, %max3A_10 : vector<64x128xf32>
    %get3A_12 = arith.constant 0 : index
    %get3A_13 = arith.constant 0 : index
    %get3A_14 = vector.load %arg3[%get3A_12, %get3A_13] : memref<128x64xf32, #tpu.memory_space<vmem>>, vector<128x64xf32>
    %dot_general3A_15 = arith.constant dense<0.000000e+00> : vector<64x64xf32>
    %dot_general3A_16 = tpu.matmul %max3A_11, %get3A_14, %dot_general3A_15 {dimension_numbers = #tpu.dot_dimension_numbers<[1], [0], [0], [1], [0, 0, 1, 1], [], []>, transpose_lhs_hint = false} : vector<64x128xf32>, vector<128x64xf32>, vector<64x64xf32> -> vector<64x64xf32>
    %get3A_17 = arith.constant 0 : index
    %get3A_18 = arith.constant 0 : index
    %get3A_19 = vector.load %arg4[%get3A_17, %get3A_18] : memref<1x64xf32, #tpu.memory_space<vmem>>, vector<1x64xf32>
    %add3A_20 = vector.broadcast %get3A_19 : vector<1x64xf32> to vector<64x64xf32>
    %add3A_21 = arith.addf %dot_general3A_16, %add3A_20 : vector<64x64xf32>
    %max3A_22 = arith.constant 0.000000e+00 : f32
    %max3A_23 = vector.broadcast %max3A_22 : f32 to vector<64x64xf32>
    %max3A_24 = arith.maximumf %add3A_21, %max3A_23 : vector<64x64xf32>
    %get3A_25 = arith.constant 0 : index
    %get3A_26 = arith.constant 0 : index
    %get3A_27 = vector.load %arg5[%get3A_25, %get3A_26] : memref<64x2xf32, #tpu.memory_space<vmem>>, vector<64x2xf32>
    %dot_general3A_28 = arith.constant dense<0.000000e+00> : vector<64x2xf32>
    %dot_general3A_29 = tpu.matmul %max3A_24, %get3A_27, %dot_general3A_28 {dimension_numbers = #tpu.dot_dimension_numbers<[1], [0], [0], [1], [0, 0, 1, 1], [], []>, transpose_lhs_hint = false} : vector<64x64xf32>, vector<64x2xf32>, vector<64x2xf32> -> vector<64x2xf32>
    %get3A_30 = arith.constant 0 : index
    %get3A_31 = arith.constant 0 : index
    %get3A_32 = vector.load %arg6[%get3A_30, %get3A_31] : memref<1x2xf32, #tpu.memory_space<vmem>>, vector<1x2xf32>
    %add3A_33 = vector.broadcast %get3A_32 : vector<1x2xf32> to vector<64x2xf32>
    %add3A_34 = arith.addf %dot_general3A_29, %add3A_33 : vector<64x2xf32>
    %reduce_max3A = arith.constant dense<0xFF800000> : vector<64xf32>
    %reduce_max3A_35 = vector.multi_reduction <maximumf>, %add3A_34, %reduce_max3A [1] : vector<64x2xf32> to vector<64xf32>
    %broadcast_in_dim3A = vector.shape_cast %reduce_max3A_35 : vector<64xf32> to vector<64x1xf32>
    %sub3A = vector.broadcast %broadcast_in_dim3A : vector<64x1xf32> to vector<64x2xf32>
    %sub3A_36 = arith.subf %add3A_34, %sub3A : vector<64x2xf32>
    %exp3A = math.exp %sub3A_36 : vector<64x2xf32>
    %sub3A_37 = vector.broadcast %broadcast_in_dim3A : vector<64x1xf32> to vector<64x2xf32>
    %sub3A_38 = arith.subf %add3A_34, %sub3A_37 : vector<64x2xf32>
    %reduce_sum3A = arith.constant dense<0.000000e+00> : vector<64xf32>
    %reduce_sum3A_39 = vector.multi_reduction <add>, %exp3A, %reduce_sum3A [1] : vector<64x2xf32> to vector<64xf32>
    %broadcast_in_dim3A_40 = vector.shape_cast %reduce_sum3A_39 : vector<64xf32> to vector<64x1xf32>
    %log3A = math.log %broadcast_in_dim3A_40 : vector<64x1xf32>
    %sub3A_41 = vector.broadcast %log3A : vector<64x1xf32> to vector<64x2xf32>
    %sub3A_42 = arith.subf %sub3A_38, %sub3A_41 : vector<64x2xf32>
    %swap3A = arith.constant 0 : index
    %swap3A_43 = arith.constant 0 : index
    %swap3A_44 = vector.load %arg7[%swap3A, %swap3A_43] : memref<64x2xf32, #tpu.memory_space<vmem>>, vector<64x2xf32>
    tpu.vector_store %arg7[%swap3A, %swap3A_43], %sub3A_42 {strides = array<i32>} : memref<64x2xf32, #tpu.memory_space<vmem>>, vector<64x2xf32>,
    return
  }
}

</mosaic_0001>

<sc_bundles>
// kernel: kernel.6.cloned.1.call-start
scs
__scs_entry_jumppad:
0x0: {  	(pc) =	sbr.rel $0x88, $3  }
0x1: {  	(tag) =	ssettag $0x0;
	lr =	simm.s32 $0x1  }
0x2: {  	[smem:$0x3F8F] =	sst lr;
	_ =	strace $0xD0000000  }
0x3: {  	_ = 	snop  }
0x4: {  	_ = 	snop  }
0x5: {  	_ = 	snop  }
0x6: {  	_ = 	snop  }
0x7: {  	_ = 	snop  }
__scs_overlays_trampoline_lowered:
0x8: {  	[smem:$0x3F9E] =	sst s0  }
0x9: {  	[smem:$0x3F9F] =	sst s1  }
0xa: {  	[smem:$0x3FA0] =	sst s2  }
0xb: {  	[smem:$0x3FA1] =	sst s3  }
0xc: {  	[smem:$0x3FA2] =	sst s4  }
0xd: {  	[smem:$0x3FA3] =	sst s5  }
0xe: {  	[smem:$0x3FA4] =	sst s6  }
0xf: {  	[smem:$0x3FA5] =	sst s7  }
0x10: {  	[smem:$0x3FA6] =	sst s8  }
0x11: {  	[smem:$0x3FA7] =	sst s9;
	s0 =	simm.s32 @!p0 $0x0  }
0x12: {  	s1 =	sld [smem:$0x3F8D];
	s0 =	simm.s32 @p0 $0x1  }
0x13: {  	[smem:$0x3FA8] =	sst s0;
	s0 =	simm.s32 @!p1 $0x0  }
0x14: {  	s2 =	sld [smem:$0x3F8C];
	s0 =	simm.s32 @p1 $0x1  }
0x15: {  	[smem:$0x3FA9] =	sst s0;
	s0 =	simm.s32 @!p2 $0x0  }
0x16: {  	s3 =	sld [smem:$0x3FDB];
	s0 =	simm.s32 @p2 $0x1  }
0x17: {  	s4 =	simm.s32 $0x1BF5;
	[smem:$0x3FAB] =	sst s0  }
0x18: {  	s0 =	sld [smem:$0x3F8E];
	_ =	swait.ge [sflag:s4], $0x0  }
0x19: {  	s7 =	sld [smem:$0x3F8F]  }
0x1a: {  	s8 =	sadd.s32 $0xFFFFE003, lr  }
0x1b: {  	s9 =	sadd.s32 $0xFFFFFEF7, lr;
	s5 =	simm.s32 $0xFFFFFFFF;
	p2 =	slt.u32 s8, $0xFFFFF086  }
0x1c: {  	p1 =	slt.u32 s9, $0xF7A;
	s5 =	simm.s32 @!p2 $0x0  }
0x1d: {  	s5 =	simm.s32 @p1 $0x1;
	p0 =	seq.s32 s7, s2  }
0x1e: {  	s7 =	smul.u32 @!p0 $0xF7A, s2;
	p2 =	seq.s32 @!p0 s5, $0x0  }
0x1f: {  	s9 =	smul.u32 $0xF7A, s1;
	s8 =	simm.s32 @!p0 $0x1BF5;
	p2 =	por !p2, p0  }
0x20: {  	[sflag:s8] =	ssyncset.s32 @!p0 $0xFFFFF086;
	s6 =	sadd.s32 @!p0 s3, s7;
	s7 =	simm.s32 @!p0 $0x108  }
0x21: {  	s3 =	sadd.s32 s3, s9;
	s6 =	sadd.s32 @!p0 $0x88, s6;
	s7 =	simm.s32 @p2 $0x1082  }
0x22: {  	[simem:s7], [sflag:s8] =	dma.local @!p0 [hbm:s6], $0xF7A  }
0x23: {  	s9 =	sor.u32 $0xD0000000, s2;
	s6 =	simm.s32 $0x108;
	_ =	swait.ge @!p0 [sflag:s8], $0x0  }
0x24: {  	s3 =	sadd.s32 $0x88, s3;
	s6 =	simm.s32 @!p1 $0x1082;
	[sflag:s4] =	ssyncset.s32 $0xFFFFF086  }
0x25: {  	[simem:s6], [sflag:s4] =	dma.local [hbm:s3], $0xF7A  }
0x26: {  	[smem:$0x3F8F] =	sst s1;
	(tag) =	ssettag s2;
	_ =	strace s9  }
0x27: {  	s1 =	sld [smem:$0x3F9F]  }
0x28: {  	s2 =	sld [smem:$0x3FA0]  }
0x29: {  	s4 =	sld [smem:$0x3FA2]  }
0x2a: {  	p0 =	seq.s32 s5, $0x0;
	s5 =	sld [smem:$0x3FA3]  }
0x2b: {  	s6 =	sld [smem:$0x3FA4]  }
0x2c: {  	s7 =	sld [smem:$0x3FA5]  }
0x2d: {  	s3 =	simm.s32 $0x108;
	s8 =	sld [smem:$0x3FA6]  }
0x2e: {  	s3 =	simm.s32 @!p0 $0x1082;
	s9 =	sld [smem:$0x3FA7]  }
0x2f: {  	lr =	sadd.s32 s0, s3;
	s0 =	sld [smem:$0x3F9E]  }
0x30: {  	s3 =	sld [smem:$0x3FA1]  }
0x31: {  	[smem:$0x3FAA] =	sst s10  }
0x32: {  	s10 =	sld [smem:$0x3FA8];
	_ =	sdelay $0x3  }
0x33: {  	p0 =	seq.s32 s10, $0x1;
	s10 =	sld [smem:$0x3FAA];
	_ =	sdelay $0x3  }
0x34: {  	[smem:$0x3FAA] =	sst s10  }
0x35: {  	s10 =	sld [smem:$0x3FA9];
	_ =	sdelay $0x3  }
0x36: {  	p1 =	seq.s32 s10, $0x1;
	s10 =	sld [smem:$0x3FAA];
	_ =	sdelay $0x3  }
0x37: {  	[smem:$0x3FAA] =	sst s10  }
0x38: {  	s10 =	sld [smem:$0x3FAB]  }
0x39: {  	_ = 	snop;
	(pc) =	sbr.ind lr, $3  }
0x3a: {  	_ = 	snop  }
0x3b: {  	_ = 	snop  }
0x3c: {  	p2 =	seq.s32 s10, $0x1;
	s10 =	sld [smem:$0x3FAA]  }
0x3d: {  	_ =	shalt  }
0x3e: {  	_ =	shalt  }
0x3f: {  	_ =	shalt  }
0x40: {  	_ =	shalt  }
0x41: {  	_ =	shalt  }
0x42: {  	_ =	shalt  }
0x43: {  	_ =	shalt  }
0x44: {  	_ =	shalt  }
0x45: {  	_ =	shalt  }
0x46: {  	_ =	shalt  }
0x47: {  	_ =	shalt  }
0x48: {  	_ =	shalt  }
0x49: {  	_ =	shalt  }
0x4a: {  	_ =	shalt  }
0x4b: {  	_ =	shalt  }
0x4c: {  	_ =	shalt  }
0x4d: {  	_ =	shalt  }
0x4e: {  	_ =	shalt  }
0x4f: {  	_ =	shalt  }
0x50: {  	_ =	shalt  }
0x51: {  	_ =	shalt  }
0x52: {  	_ =	shalt  }
0x53: {  	_ =	shalt  }
0x54: {  	_ =	shalt  }
0x55: {  	_ =	shalt  }
0x56: {  	_ =	shalt  }
0x57: {  	_ =	shalt  }
0x58: {  	_ =	shalt  }
0x59: {  	_ =	shalt  }
0x5a: {  	_ =	shalt  }
0x5b: {  	_ =	shalt  }
0x5c: {  	_ =	shalt  }
0x5d: {  	_ =	shalt  }
0x5e: {  	_ =	shalt  }
0x5f: {  	_ =	shalt  }
0x60: {  	_ =	shalt  }
0x61: {  	_ =	shalt  }
0x62: {  	_ =	shalt  }
0x63: {  	_ =	shalt  }
0x64: {  	_ =	shalt  }
0x65: {  	_ =	shalt  }
0x66: {  	_ =	shalt  }
0x67: {  	_ =	shalt  }
0x68: {  	_ =	shalt  }
0x69: {  	_ =	shalt  }
0x6a: {  	_ =	shalt  }
0x6b: {  	_ =	shalt  }
0x6c: {  	_ =	shalt  }
0x6d: {  	_ =	shalt  }
0x6e: {  	_ =	shalt  }
0x6f: {  	_ =	shalt  }
0x70: {  	_ =	shalt  }
0x71: {  	_ =	shalt  }
0x72: {  	_ =	shalt  }
0x73: {  	_ =	shalt  }
0x74: {  	_ =	shalt  }
0x75: {  	_ =	shalt  }
0x76: {  	_ =	shalt  }
0x77: {  	_ =	shalt  }
0x78: {  	_ =	shalt  }
0x79: {  	_ =	shalt  }
0x7a: {  	_ =	shalt  }
0x7b: {  	_ =	shalt  }
0x7c: {  	_ =	shalt  }
0x7d: {  	_ =	shalt  }
0x7e: {  	_ =	shalt  }
0x7f: {  	_ =	shalt  }
0x80: {  	_ =	shalt  }
0x81: {  	_ =	shalt  }
0x82: {  	_ =	shalt  }
0x83: {  	_ =	shalt  }
0x84: {  	_ =	shalt  }
0x85: {  	_ =	shalt  }
0x86: {  	_ =	shalt  }
0x87: {  	_ =	shalt  }
.Lfunc_end0:
.L_simem_size_0:
called_computation_lowered:
.L_overlay_start_0:
0x88: {  	s2 =	sld [smem:$0x3FD9]  }
0x89: {  	s3 =	sld [smem:$0x3FFE];
	_ =	sdelay $0x1  }
0x8a: {  	s1 =	srdreg.scid  }
0x8b: {  	s0 =	sand.u32 $0x1, s1  }
0x8c: {  	s16 =	sshll.u32 s0, $0xA;
	s2 =	sadd.s32 s3, s2  }
0x8d: {  	s2 =	sadd.s32 s2, s16  }
0x8e: {  	[smem:$0x3FB6] =	sst s2  }
0x8f: {  	_ = 	snop  }
0x90: {  	(tm) =	ssettm $0x1  }
0x91: {  	s17 =	sld [smem:$0x3FFB];
	_ =	sdelay $0x3  }
0x92: {  	_ =	strace s17  }
0x93: {  	s2 =	sld [smem:$0x3FFC];
	_ =	sdelay $0x3  }
0x94: {  	_ =	strace s2  }
0x95: {  	s2 =	sld [smem:$0x3FFD];
	_ =	sdelay $0x3  }
0x96: {  	_ =	strace s2  }
0x97: {  	_ =	strace $0x8FFFFFFF  }
0x98: {  	s18 =	sld [smem:$0x3FDB];
	_ =	sdelay $0x1  }
0x99: {  	s19 =	simm.s32 $_scs_section_size  }
0x9a: {  	s4 =	simm.s32 $_size__tile_overlayer_lowered;
	s5 =	simm.s32 $_tile_overlayer_lowered  }
0x9b: {  	s22 =	simm.s32 $0x1BFF;
	s21 =	sshll.u32 s5, $0x1;
	s2 =	sadd.s32 s19, s18  }
0x9c: {  	s6 =	simm.s32 $0x0;
	s20 =	sshll.u32 s4, $0x1;
	s4 =	sadd.s32 s21, s2  }
0x9d: {  	[timem:s6], [sflag:s22] =	dma.local [hbm:s4], s20  }
0x9e: {  	_ =	swait.ge [sflag:s22], s20  }
0x9f: {  	s3 =	ssub.s32 $0x0, s20;
	[sflag:s22] =	ssyncset.done $0x0  }
0xa0: {  	[sflag:s22] =	ssyncadd.s32 s3;
	_ =	sdelay $0x1  }
0xa1: {  	s23 =	simm.s32 $0x1B8B  }
0xa2: {  	_ =	swait.ge [sflag:s23], $0x1  }
0xa3: {  	[sflag:s23] =	ssyncset.done $0x0  }
0xa4: {  	s25 =	simm.s32 $0x1B8E;
	s24 =	sld [smem:$0x3FFE];
	[sflag:s23] =	ssyncadd.s32 $0xFFFFFFFF  }
0xa5: {  	s26 =	simm.s32 $execute0_lowered;
	[smem:$0x3FD2] =	sst s25  }
0xa6: {  	s4 =	sshll.u32 s26, $0x1;
	_ =	strace $0x80000046;
	[dreg:$0x1] =	wrdreg $0xFFFFFFFF  }
0xa7: {  	s28 =	simm.s32 $_size_execute0_lowered;
	s2 =	sadd.s32 s2, s4;
	[dreg:$0x0] =	wrdreg $0x0  }
0xa8: {  	s4 =	sshll.u32 s28, $0x1;
	[dreg:$0x2] =	wrdreg s2  }
0xa9: {  	[dreg:$0x3] =	wrdreg s4  }
0xaa: {  	[dreg:$0x4] =	wrdreg $0xC0  }
0xab: {  	_ =	task [dreg:s6], $0x5FFFF  }
0xac: {  	[dreg:$0x1] =	wrdreg $0xFFFFFFFF  }
0xad: {  	[dreg:$0x0] =	wrdreg $0x60  }
0xae: {  	[dreg:$0x2] =	wrdreg s24  }
0xaf: {  	[dreg:$0x3] =	wrdreg $0xD0800  }
0xb0: {  	[dreg:$0x4] =	wrdreg $0x9  }
0xb1: {  	_ =	task.clear_ibuf [dreg:s6], $0x5FFFF;
	_ =	strace $0x90000046  }
0xb2: {  	s29 =	simm.s32 $0x9;
	_ =	strace $0x80000048  }
0xb3: {  	_ =	swait.ge [sflag:s29], $0x1  }
0xb4: {  	[sflag:s29] =	ssyncadd.s32 $0xFFFFFFFF  }
0xb5: {  	_ =	strace $0x90000048  }
0xb6: {  	_ =	sfence  }
0xb7: {  	s30 =	sld [smem:$0x0];
	_ =	sdelay $0x2  }
0xb8: {  	s31 =	sshll.u32 s1, $0xD;
	s1 =	sshrl.u32 s1, $0x2  }
0xb9: {  	s3 =	sand.u32 $0x4000, s31;
	s1 =	sadd.s32 s1, s30  }
0xba: {  	s0 =	sor.u32 s3, s0;
	s1 =	sshll.u32 s1, $0x11  }
0xbb: {  	s0 =	sor.u32 s1, s0  }
0xbc: {  	s0 =	sadd.s32 $0x8F2B, s0  }
0xbd: {  	[sflag:s0] =	ssyncadd.remote.s32 $0x1  }
0xbe: {  	_ =	sfence.sel $0xFFFF  }
0xbf: {  	[dreg:$0x0] =	wrdreg $0xFFFFFFFF;
	(pc) =	sbr.abs _section_cstart, $3  }
0xc0: {  	[dreg:$0x1] =	wrdreg $0xFFFFFFFF  }
0xc1: {  	_ =	task.clear_ibuf [dreg:s6], $0x2FFFF;
	_ =	strace $0x9FFFFFFF  }
0xc2: {  	(tm) =	ssettm $0x7FFFFFFF  }
0xc3: {  	_ =	shalt  }
tec
execute0_lowered:
.L_overlay_start_1:
0x0: {  	(tag) =	ssettag $0x1  }
0x1: {  	s0 =	rddreg [dreg:$0x0]  }
0x2: {  	s1 =	rddreg [dreg:$0x1]  }
0x3: {  	s15 =	simm.s32 $0x0;
	s2 =	srdreg.scid;
	s16 =	stileid.u32  }
0x4: {  	s28 =	simm.s32 $0x200;
	s31 =	simm.s32 $0x400;
	[smem:$0x7FF] =	sst s15  }
0x5: {  	s4 =	sadd.s32 $0x10EC00, s0;
	s2 =	sand.u32 $0x1, s2;
	s5 =	sadd.s32 $0xDDC00, s0  }
0x6: {  	s6 =	sadd.s32 $0x264800, s0;
	s11 =	smul.u32 $0xC380, s16;
	s7 =	sadd.s32 $0xC5400, s0  }
0x7: {  	s8 =	sadd.s32 $0x24C000, s0;
	s25 =	smul.u32 $0x30E00, s16;
	_ =	strace $0x80000047  }
0x8: {  	s3 =	smul.u32 $0x187000, s2;
	s9 =	sshll.u32 s2, $0x4;
	s2 =	ssub.s32 $0x2, s2  }
0x9: {  	s10 =	sor.u32 s16, s9;
	s12 =	sshrl.u32 s2, $0x1;
	s16 =	simm.s32 $0x6800  }
0xa: {  	s3 =	sadd.s32 s11, s3;
	s9 =	smul.u32 $0x61, s10;
	s13 =	smin.u32 s10, $0x1A  }
0xb: {  	s2 =	ssub.s32 s2, s12;
	p0 =	slt.u32 s10, $0x1A;
	s10 =	simm.s32 $0x62  }
0xc: {  	s11 =	sadd.s32 s11, s1;
	s3 =	sshrl.u32 s3, $0x3;
	s10 =	simm.s32 @!p0 $0x61  }
0xd: {  	[dreg:$0xb] =	wrdreg s11;
	s2 =	smax.u32 s2, $0x1;
	s11 =	simm.s32 $0x3  }
0xe: {  	s3 =	sadd.s32 s3, s0;
	s9 =	sadd.s32 s13, s9;
	[dreg:$0xf] =	wrdreg s2  }
0xf: {  	s19 =	sshll.u32 s9, $0x6;
	s21 =	sadd.s32 $0x1, s9;
	s22 =	sshll.u32 s9, $0xB  }
0x10: {  	s26 =	sadd.s32 $0x13FC00, s3;
	s3 =	sadd.s32 $0x158300, s3;
	s20 =	sadd.s32 s4, s19  }
0x11: {  	s12 =	sadd.s32 s5, s19;
	s14 =	sshll.u32 s21, $0x6;
	[dreg:$0xa] =	wrdreg s26  }
0x12: {  	s17 =	sadd.s32 s6, s22;
	s13 =	sshll.u32 s21, $0xB;
	[dreg:$0xe] =	wrdreg s3  }
0x13: {  	s26 =	simm.s32 $0x7;
	s19 =	simm.s32 $0x4;
	[dreg:$0x4] =	wrdreg s20  }
0x14: {  	s21 =	simm.s32 $0x6;
	[dreg:$0x5] =	wrdreg s12;
	s14 =	sand.u32 $0x1FFFFFC0, s14  }
0x15: {  	[dreg:$0x6] =	wrdreg s17;
	s13 =	sand.u32 $0x1FFFF800, s13;
	s23 =	sadd.s32 s4, s14  }
0x16: {  	v0 =	vlaneseq.u32;
	s17 =	sadd.s32 $0x264900, s0;
	s14 =	sadd.s32 s5, s14;
	[dreg:$0x7] =	wrdreg s23  }
.Ltmp0:
0x17: {  	v0 =	vmul.u32 $0x80, v0;
	s24 =	sadd.s32 s6, s13;
	[dreg:$0x8] =	wrdreg s14;
	(pc) =	sbr.rel .LBB2_1-.Ltmp0, $4  }
0x18: {  	s0 =	sshrl.u32 s25, $0x2;
	s29 =	sadd.s32 s22, s17;
	[dreg:$0x9] =	wrdreg s24  }
0x19: {  	v1 =	vimm.f32 $0.0e+00;
	v2 =	vor.u32 $0x1, v0;
	s25 =	simm.s32 $0xC800;
	s30 =	sadd.s32 s13, s17;
	[dreg:$0xc] =	wrdreg s29  }
0x1a: {  	v3 =	vor.u32 $0x2, v0;
	v4 =	vor.u32 $0x3, v0;
	v5 =	vor.u32 $0x4, v0;
	s13 =	simm.s32 $0x6600;
	s22 =	simm.s32 $0x2;
	[dreg:$0xd] =	wrdreg s30  }
0x1b: {  	v6 =	vor.u32 $0x5, v0;
	v7 =	vor.u32 $0x6, v0;
	v8 =	vor.u32 $0x7, v0;
	s24 =	sadd.s32 s0, s1;
	s0 =	simm.s32 $0x5;
	s23 =	simm.s32 $0x1  }
.LBB2_27:
0x1c: {  	[bflag:$0x0] =	sbarrier.arrive $0xFFFF  }
0x1d: {  	s2 =	rddreg [dreg:$0xe]  }
0x1e: {  	s3 =	rddreg [dreg:$0x10]  }
0x1f: {  	s12 =	rddreg [dreg:$0x11]  }
0x20: {  	[hbm:s2], [sflag:s3] =	dma.local [spmem:s12], $0x1870  }
0x21: {  	_ =	swait.ge [sflag:s26], $0x1870  }
0x22: {  	s15 =	rddreg [dreg:$0x3]  }
0x23: {  	s30 =	rddreg [dreg:$0xf];
	s15 =	sadd.s32 $0x1, s15  }
0x24: {  	p0 =	sne.s32 s15, s30  }
.Ltmp1:
0x25: {  	_ = 	snop;
	(pc) =	sbr.rel @!p0 .LBB2_28-.Ltmp1, $3  }
0x26: {  	[sflag:s26] =	ssyncset.done $0x0  }
0x27: {  	[sflag:s26] =	ssyncadd.s32 $0xFFFFE790  }
0x28: {  	[bflag:$0x0] =	sbarrier.arrive $0xFFFF;
	_ =	sdelay $0x1  }
.LBB2_1:
0x29: {  	s2 =	simm.s32 $0x0  }
.LBB2_2:
0x2a: {  	p0 =	sne.s32 s2, $0x21C0  }
.Ltmp2:
0x2b: {  	_ = 	snop;
	(pc) =	sbr.rel @p0 .LBB2_2-.Ltmp2, $3  }
0x2c: {  	_ =	sdelay $0x1  }
0x2d: {  	s3 =	sshra.s32 s2, $0x2  }
0x2e: {  	s2 =	sadd.s32 $0x40, s2;
	[tilespmem:s3+$0xC800] =	vst v1  }
0x2f: {  	[dreg:$0x3] =	wrdreg s15;
	s2 =	sadd.s32 $0x0, s24  }
0x30: {  	[spmem:s2] =	stream.linear.scatter [tilespmem:s25], [sflag:$0x7], $0x880, $0x38;
	[tilespmem:$0x19400] =	vst v63  }
0x31: {  	s2 =	simm.s32 $0x2200;
	_ =	swait.ge [sflag:s26], $0x880  }
.LBB2_4:
0x32: {  	s3 =	sshra.s32 s2, $0x2;
	[sflag:s26] =	ssyncset.done $0x0;
	p0 =	sne.s32 s2, $0x2EC00  }
.Ltmp3:
0x33: {  	s3 =	sadd.s32 s3, s24;
	[sflag:s26] =	ssyncadd.s32 $0xFFFFF780;
	(pc) =	sbr.rel @p0 .LBB2_4-.Ltmp3, $3  }
0x34: {  	[spmem:s3] =	stream.linear.scatter [tilespmem:s25], [sflag:$0x7], $0x880, $0x38;
	[tilespmem:$0x19400] =	vst v63  }
0x35: {  	s2 =	sadd.s32 $0x2200, s2;
	_ =	sdelay $0x1  }
0x36: {  	_ =	swait.ge [sflag:s26], $0x880  }
0x37: {  	[sflag:s26] =	ssyncset.done $0x0  }
0x38: {  	[sflag:s26] =	ssyncadd.s32 $0xFFFFF780  }
0x39: {  	[bflag:$0x0] =	sbarrier.arrive $0xFFFF  }
0x3a: {  	s12 =	simm.s32 $0x0;
	s2 =	rddreg [dreg:$0x4]  }
0x3b: {  	[tilespmem:s12], [sflag:$0x7] =	stream.linear.gather [hbm4b:s2+s12], $0x200, $0x38;
	[tilespmem:$0x19400] =	vst v63  }
0x3c: {  	_ =	swait.ge [sflag:s26], $0x200  }
0x3d: {  	[sflag:s26] =	ssyncset.done $0x0  }
0x3e: {  	s29 =	rddreg [dreg:$0x5];
	[sflag:s26] =	ssyncadd.s32 $0xFFFFFE00  }
0x3f: {  	[tilespmem:s28], [sflag:$0x7] =	stream.linear.gather [hbm4b:s29+s12], $0x200, $0x38;
	[tilespmem:$0x19400] =	vst v63  }
0x40: {  	_ =	swait.ge [sflag:s26], $0x200  }
0x41: {  	s3 =	simm.s32 $0x800;
	[sflag:s26] =	ssyncset.done $0x0  }
0x42: {  	s14 =	simm.s32 $0x1000;
	s30 =	rddreg [dreg:$0x6];
	[sflag:s26] =	ssyncadd.s32 $0xFFFFFE00  }
0x43: {  	[tilespmem:s31], [sflag:$0x2] =	stream.strided.gather [hbm4b:s30+s3], $0x2000, s14, s3, $0x38;
	[tilespmem:$0x19400] =	vst v63  }
0x44: {  	s15 =	simm.s32 $0x2400  }
0x45: {  	[tilespmem:s15], [sflag:$0x1] =	stream.indirect.gather [hbm4b:s7+s28], $0x10, s12, s28, $0xb8;
	[tilespmem:$0x19400] =	vst v63  }
0x46: {  	s18 =	rddreg [dreg:$0x7];
	s15 =	simm.s32 $0x6400  }
0x47: {  	[tilespmem:s15], [sflag:$0x7] =	stream.linear.gather [hbm4b:s18+s12], $0x200, $0x38;
	[tilespmem:$0x19400] =	vst v63  }
0x48: {  	_ =	swait.ge [sflag:s26], $0x200  }
0x49: {  	[sflag:s26] =	ssyncset.done $0x0  }
0x4a: {  	s20 =	rddreg [dreg:$0x8];
	[sflag:s26] =	ssyncadd.s32 $0xFFFFFE00  }
0x4b: {  	[tilespmem:s13], [sflag:$0x7] =	stream.linear.gather [hbm4b:s20+s12], $0x200, $0x38;
	[tilespmem:$0x19400] =	vst v63  }
0x4c: {  	_ =	swait.ge [sflag:s26], $0x200  }
.Ltmp4:
0x4d: {  	[sflag:s26] =	ssyncset.done $0x0;
	(pc) =	sbr.rel .LBB2_6-.Ltmp4, $4  }
0x4e: {  	s29 =	rddreg [dreg:$0x9];
	[sflag:s26] =	ssyncadd.s32 $0xFFFFFE00  }
0x4f: {  	[tilespmem:s16], [sflag:$0x5] =	stream.strided.gather [hbm4b:s29+s3], $0x2000, s14, s3, $0x38;
	[tilespmem:$0x19400] =	vst v63  }
0x50: {  	s30 =	simm.s32 $0x8800  }
0x51: {  	[tilespmem:s30], [sflag:$0x4] =	stream.indirect.gather [hbm4b:s7+s28], $0x10, s15, s28, $0xb8;
	[tilespmem:$0x19400] =	vst v63  }
.LBB2_13:
0x52: {  	s12 =	sadd.s32 $0x1, s12  }
0x53: {  	p0 =	sne.s32 s12, s10  }
.Ltmp5:
0x54: {  	_ = 	snop;
	(pc) =	sbr.rel @!p0 .LBB2_14-.Ltmp5, $1  }
0x55: {  	_ =	sdelay $0x3  }
.LBB2_6:
0x56: {  	s14 =	sand.u32 $0x1, s12  }
0x57: {  	p0 =	seq.s32 s14, $0x1  }
.Ltmp6:
0x58: {  	_ = 	snop;
	(pc) =	sbr.rel @p0 .LBB2_10-.Ltmp6, $1  }
0x59: {  	_ =	sdelay $0x3  }
0x5a: {  	s15 =	simm.s32 $0x0  }
0x5b: {  	_ =	swait.ge [sflag:s22], $0x2000;
	s2 =	sand.u32 $0x78, s15  }
0x5c: {  	[sflag:s22] =	ssyncset.done $0x0;
	v9 =	vmov s2  }
0x5d: {  	s20 =	simm.s32 $0x0;
	[sflag:s22] =	ssyncadd.s32 $0xFFFFE000;
	v9 =	vshrl.u32 v9, $0x3  }
0x5e: {  	s2 =	sand.u32 $0xFFFFF800, s20;
	_ =	swait.ge [sflag:s23], $0x2000;
	v9 =	vshll.u32 v9, $0x3  }
0x5f: {  	[sflag:s23] =	ssyncset.done $0x0;
	v9 =	vor.u32 s2, v9  }
0x60: {  	s29 =	simm.s32 $0x2440;
	[sflag:s23] =	ssyncadd.s32 $0xFFFFE000;
	v12 =	vbroadcast v9, $0x0  }
0x61: {  	v9 =	vld [tilespmem:s29+$0x30]  }
0x62: {  	v10 =	vld [tilespmem:s29+$0x0];
	v13 =	vor.u32 v0, v12  }
0x63: {  	v11 =	vld [tilespmem:s29+$0x10];
	v14 =	vor.u32 v7, v12  }
0x64: {  	v17 =	vld [tilespmem:s29+$0xFFFFFFD0];
	v15 =	vor.u32 v2, v12  }
0x65: {  	v19 =	vld [tilespmem:s29+$0x20];
	v16 =	vor.u32 v6, v12  }
0x66: {  	v21 =	vld [tilespmem:s29+$0xFFFFFFC0];
	v20 =	vor.u32 v8, v12  }
0x67: {  	v22 =	vor.u32 v5, v12;
	v23 =	vld.idx.msk [tilespmem:v13+s31+$0x0], $0xffff  }
0x68: {  	v24 =	vor.u32 v4, v12;
	v25 =	vld.idx.msk [tilespmem:v14+s31+$0x0], $0xffff  }
0x69: {  	v12 =	vor.u32 v3, v12;
	v26 =	vld.idx.msk [tilespmem:v15+s31+$0x0], $0xffff  }
0x6a: {  	v18 =	vld.idx.msk [tilespmem:v16+s31+$0x0], $0xffff  }
0x6b: {  	v13 =	vld.idx.msk [tilespmem:v20+s31+$0x0], $0xffff  }
0x6c: {  	v16 =	vld.idx.msk [tilespmem:v22+s31+$0x0], $0xffff  }
0x6d: {  	v14 =	vld.idx.msk [tilespmem:v24+s31+$0x0], $0xffff;
	v15 =	vadd.f32 v21, v23  }
0x6e: {  	v12 =	vld.idx.msk [tilespmem:v12+s31+$0x0], $0xffff;
	v20 =	vadd.f32 v19, v25  }
0x6f: {  	s30 =	simm.s32 $0x4440;
	s3 =	simm.s32 $0x4440;
	s2 =	simm.s32 $0x1;
	v19 =	vadd.f32 v17, v26;
	v17 =	vld [tilespmem:s29+$0xFFFFFFF0];
	v15 =	vmax.f32 v15, $0.0e+00  }
.LBB2_8:
0x70: {  	v21 =	vld [tilespmem:s29+$0xFFFFFFE0];
	v11 =	vadd.f32 v11, v18;
	v18 =	vmax.f32 v20, $0.0e+00;
	s15 =	sadd.s32 $0x8, s15;
	s29 =	sadd.s32 $0x80, s29;
	s30 =	sadd.s32 $0x80, s30  }
0x71: {  	p0 =	sne.s32 s2, $0x3F;
	s18 =	smov.u32 s2;
	s2 =	sadd.s32 $0x1, s2;
	v19 =	vmax.f32 v19, $0.0e+00;
	[tilespmem:s3+$0x20] =	vst v18  }
0x72: {  	v10 =	vadd.f32 v10, v16;
	v11 =	vmax.f32 v11, $0.0e+00;
	[tilespmem:s3+$0xFFFFFFD0] =	vst v19  }
0x73: {  	v9 =	vadd.f32 v9, v13;
	s20 =	sand.u32 $0x78, s15;
	[tilespmem:s3+$0x10] =	vst v11  }
0x74: {  	v11 =	vmov s20;
	v10 =	vmax.f32 v10, $0.0e+00;
	v13 =	vadd.f32 v17, v14;
	[tilespmem:s3+$0xFFFFFFC0] =	vst v15  }
0x75: {  	s18 =	sshll.u32 s18, $0x7;
	v9 =	vmax.f32 v9, $0.0e+00;
	v11 =	vshrl.u32 v11, $0x3;
	v12 =	vadd.f32 v21, v12;
	[tilespmem:s3+$0x0] =	vst v10  }
0x76: {  	s18 =	sand.u32 $0xFFFFF800, s18;
	v10 =	vshll.u32 v11, $0x3;
	v11 =	vmax.f32 v13, $0.0e+00;
	[tilespmem:s3+$0x30] =	vst v9  }
0x77: {  	v9 =	vor.u32 s18, v10;
	v10 =	vmax.f32 v12, $0.0e+00;
	[tilespmem:s3+$0xFFFFFFF0] =	vst v11  }
0x78: {  	v12 =	vbroadcast v9, $0x0;
	[tilespmem:s3+$0xFFFFFFE0] =	vst v10;
	s3 =	smov.u32 s30  }
0x79: {  	v9 =	vld [tilespmem:s29+$0x30]  }
0x7a: {  	v13 =	vor.u32 v0, v12;
	v14 =	vor.u32 v2, v12;
	v15 =	vor.u32 v8, v12;
	v10 =	vld [tilespmem:s29+$0x0]  }
0x7b: {  	v17 =	vor.u32 v3, v12;
	v19 =	vor.u32 v4, v12;
	v16 =	vor.u32 v7, v12;
	v11 =	vld [tilespmem:s29+$0x10]  }
0x7c: {  	v20 =	vor.u32 v5, v12;
	v12 =	vor.u32 v6, v12;
	v21 =	vld [tilespmem:s29+$0xFFFFFFD0]  }
0x7d: {  	v22 =	vld [tilespmem:s29+$0x20]  }
0x7e: {  	v23 =	vld [tilespmem:s29+$0xFFFFFFC0]  }
0x7f: {  	v24 =	vld.idx.msk [tilespmem:v13+s31+$0x0], $0xffff  }
0x80: {  	v25 =	vld.idx.msk [tilespmem:v16+s31+$0x0], $0xffff  }
0x81: {  	v26 =	vld.idx.msk [tilespmem:v14+s31+$0x0], $0xffff  }
0x82: {  	v18 =	vld.idx.msk [tilespmem:v12+s31+$0x0], $0xffff  }
.Ltmp7:
0x83: {  	v13 =	vld.idx.msk [tilespmem:v15+s31+$0x0], $0xffff;
	(pc) =	sbr.rel @p0 .LBB2_8-.Ltmp7, $4  }
0x84: {  	v16 =	vld.idx.msk [tilespmem:v20+s31+$0x0], $0xffff  }
0x85: {  	v15 =	vadd.f32 v23, v24;
	v14 =	vld.idx.msk [tilespmem:v19+s31+$0x0], $0xffff  }
0x86: {  	v20 =	vadd.f32 v22, v25;
	v12 =	vld.idx.msk [tilespmem:v17+s31+$0x0], $0xffff  }
0x87: {  	v15 =	vmax.f32 v15, $0.0e+00;
	v19 =	vadd.f32 v21, v26;
	v17 =	vld [tilespmem:s29+$0xFFFFFFF0]  }
0x88: {  	v21 =	vld [tilespmem:s29+$0xFFFFFFE0]  }
0x89: {  	v11 =	vadd.f32 v11, v18;
	v63 =	vmax.f32 v20, $0.0e+00;
	[tilespmem:s3+$0xFFFFFFC0] =	vst v15  }
0x8a: {  	v9 =	vadd.f32 v9, v13;
	v19 =	vmax.f32 v19, $0.0e+00;
	[tilespmem:s3+$0x20] =	vst v63  }
0x8b: {  	v10 =	vadd.f32 v10, v16;
	v11 =	vmax.f32 v11, $0.0e+00;
	[tilespmem:s3+$0xFFFFFFD0] =	vst v19  }
0x8c: {  	v9 =	vmax.f32 v9, $0.0e+00;
	[tilespmem:s3+$0x10] =	vst v11;
	v11 =	vadd.f32 v17, v14  }
0x8d: {  	v10 =	vmax.f32 v10, $0.0e+00;
	[tilespmem:s3+$0x30] =	vst v9;
	v12 =	vadd.f32 v21, v12  }
0x8e: {  	[tilespmem:s3+$0x0] =	vst v10;
	v10 =	vmax.f32 v11, $0.0e+00  }
0x8f: {  	v9 =	vmax.f32 v12, $0.0e+00;
	[tilespmem:s3+$0xFFFFFFF0] =	vst v10  }
0x90: {  	s2 =	simm.s32 $0x4400;
	[tilespmem:s3+$0xFFFFFFE0] =	vst v9  }
0x91: {  	[spmem:s1] =	stream.indirect.scatter.add.f32 [tilespmem:s2], [sflag:$0x3], $0x10, s28, s28, $0xb8;
	[tilespmem:$0x19400] =	vst v63  }
0x92: {  	s2 =	sadd.s32 $0x2, s12  }
0x93: {  	p0 =	sge.u32 s2, s10  }
0x94: {  	s2 =	sadd.s32 @!p0 s9, s2  }
0x95: {  	_ =	swait.ge [sflag:s11], $0x2000;
	s3 =	sshll.u32 @!p0 s2, $0x6  }
0x96: {  	[sflag:s11] =	ssyncset.done $0x0;
	s3 =	sand.u32 @!p0 $0x1FFFFFC0, s3  }
0x97: {  	s18 =	simm.s32 @!p0 $0x0;
	[sflag:s11] =	ssyncadd.s32 $0xFFFFE000;
	s15 =	sadd.s32 @!p0 s4, s3  }
0x98: {  	[tilespmem:s18], [sflag:$0x7] =	stream.linear.gather @!p0 [hbm4b:s15+s18], $0x200, $0x38;
	[tilespmem:$0x19400] =	vst v63  }
0x99: {  	s15 =	simm.s32 @!p0 $0x7  }
0x9a: {  	_ =	swait.ge @!p0 [sflag:s15], $0x200  }
0x9b: {  	s20 =	simm.s32 @!p0 $0x200;
	[sflag:s15] =	ssyncset.done @!p0 $0x0  }
0x9c: {  	s2 =	sshll.u32 @!p0 s2, $0xB;
	s3 =	sadd.s32 @!p0 s5, s3;
	[sflag:s15] =	ssyncadd.s32 @!p0 $0xFFFFFE00  }
0x9d: {  	[tilespmem:s20], [sflag:$0x7] =	stream.linear.gather @!p0 [hbm4b:s3+s18], $0x200, $0x38;
	[tilespmem:$0x19400] =	vst v63  }
0x9e: {  	s2 =	sand.u32 @!p0 $0x1FFFF800, s2;
	_ =	swait.ge @!p0 [sflag:s15], $0x200  }
0x9f: {  	s29 =	simm.s32 @!p0 $0x400;
	s2 =	sadd.s32 @!p0 s6, s2;
	[sflag:s15] =	ssyncset.done @!p0 $0x0  }
0xa0: {  	s3 =	simm.s32 @!p0 $0x800;
	[sflag:s15] =	ssyncadd.s32 @!p0 $0xFFFFFE00;
	s15 =	simm.s32 @!p0 $0x1000  }
0xa1: {  	[tilespmem:s29], [sflag:$0x2] =	stream.strided.gather @!p0 [hbm4b:s2+s3], $0x2000, s15, s3, $0x38;
	[tilespmem:$0x19400] =	vst v63  }
0xa2: {  	s2 =	simm.s32 @!p0 $0x2400  }
0xa3: {  	[tilespmem:s2], [sflag:$0x1] =	stream.indirect.gather @!p0 [hbm4b:s7+s20], $0x10, s18, s20, $0xb8;
	[tilespmem:$0x19400] =	vst v63  }
0xa4: {  	p0 =	seq.s32 s14, $0x0  }
.Ltmp8:
0xa5: {  	_ = 	snop;
	(pc) =	sbr.rel @p0 .LBB2_13-.Ltmp8, $1  }
0xa6: {  	_ =	sdelay $0x3  }
.LBB2_10:
0xa7: {  	s14 =	simm.s32 $0x0  }
0xa8: {  	_ =	swait.ge [sflag:s0], $0x2000;
	s2 =	sand.u32 $0x78, s14  }
0xa9: {  	[sflag:s0] =	ssyncset.done $0x0;
	v9 =	vmov s2  }
0xaa: {  	s30 =	simm.s32 $0x0;
	[sflag:s0] =	ssyncadd.s32 $0xFFFFE000;
	v9 =	vshrl.u32 v9, $0x3  }
0xab: {  	s2 =	sand.u32 $0xFFFFF800, s30;
	_ =	swait.ge [sflag:s19], $0x2000;
	v9 =	vshll.u32 v9, $0x3  }
0xac: {  	[sflag:s19] =	ssyncset.done $0x0;
	v9 =	vor.u32 s2, v9  }
0xad: {  	s15 =	simm.s32 $0x8840;
	[sflag:s19] =	ssyncadd.s32 $0xFFFFE000;
	v12 =	vbroadcast v9, $0x0  }
0xae: {  	v9 =	vld [tilespmem:s15+$0x30]  }
0xaf: {  	v10 =	vld [tilespmem:s15+$0x0];
	v13 =	vor.u32 v0, v12  }
0xb0: {  	v11 =	vld [tilespmem:s15+$0x10];
	v14 =	vor.u32 v7, v12  }
0xb1: {  	v17 =	vld [tilespmem:s15+$0xFFFFFFD0];
	v15 =	vor.u32 v2, v12  }
0xb2: {  	v19 =	vld [tilespmem:s15+$0x20];
	v16 =	vor.u32 v6, v12  }
0xb3: {  	v21 =	vld [tilespmem:s15+$0xFFFFFFC0];
	v20 =	vor.u32 v8, v12  }
0xb4: {  	v22 =	vor.u32 v5, v12;
	v23 =	vld.idx.msk [tilespmem:v13+s16+$0x0], $0xffff  }
0xb5: {  	v24 =	vor.u32 v4, v12;
	v25 =	vld.idx.msk [tilespmem:v14+s16+$0x0], $0xffff  }
0xb6: {  	v12 =	vor.u32 v3, v12;
	v26 =	vld.idx.msk [tilespmem:v15+s16+$0x0], $0xffff  }
0xb7: {  	v18 =	vld.idx.msk [tilespmem:v16+s16+$0x0], $0xffff  }
0xb8: {  	v13 =	vld.idx.msk [tilespmem:v20+s16+$0x0], $0xffff  }
0xb9: {  	v16 =	vld.idx.msk [tilespmem:v22+s16+$0x0], $0xffff  }
0xba: {  	v14 =	vld.idx.msk [tilespmem:v24+s16+$0x0], $0xffff;
	v15 =	vadd.f32 v21, v23  }
0xbb: {  	v12 =	vld.idx.msk [tilespmem:v12+s16+$0x0], $0xffff;
	v20 =	vadd.f32 v19, v25  }
0xbc: {  	s29 =	simm.s32 $0xA840;
	s3 =	simm.s32 $0xA840;
	s2 =	simm.s32 $0x1;
	v19 =	vadd.f32 v17, v26;
	v17 =	vld [tilespmem:s15+$0xFFFFFFF0];
	v15 =	vmax.f32 v15, $0.0e+00  }
.LBB2_11:
0xbd: {  	v21 =	vld [tilespmem:s15+$0xFFFFFFE0];
	v11 =	vadd.f32 v11, v18;
	v18 =	vmax.f32 v20, $0.0e+00;
	s14 =	sadd.s32 $0x8, s14;
	s15 =	sadd.s32 $0x80, s15;
	s29 =	sadd.s32 $0x80, s29  }
0xbe: {  	p0 =	sne.s32 s2, $0x3F;
	s18 =	smov.u32 s2;
	s2 =	sadd.s32 $0x1, s2;
	v19 =	vmax.f32 v19, $0.0e+00;
	[tilespmem:s3+$0x20] =	vst v18  }
0xbf: {  	v10 =	vadd.f32 v10, v16;
	v11 =	vmax.f32 v11, $0.0e+00;
	[tilespmem:s3+$0xFFFFFFD0] =	vst v19  }
0xc0: {  	v9 =	vadd.f32 v9, v13;
	s20 =	sand.u32 $0x78, s14;
	[tilespmem:s3+$0x10] =	vst v11  }
0xc1: {  	v11 =	vmov s20;
	v10 =	vmax.f32 v10, $0.0e+00;
	v13 =	vadd.f32 v17, v14;
	[tilespmem:s3+$0xFFFFFFC0] =	vst v15  }
0xc2: {  	s18 =	sshll.u32 s18, $0x7;
	v9 =	vmax.f32 v9, $0.0e+00;
	v11 =	vshrl.u32 v11, $0x3;
	v12 =	vadd.f32 v21, v12;
	[tilespmem:s3+$0x0] =	vst v10  }
0xc3: {  	s18 =	sand.u32 $0xFFFFF800, s18;
	v10 =	vshll.u32 v11, $0x3;
	v11 =	vmax.f32 v13, $0.0e+00;
	[tilespmem:s3+$0x30] =	vst v9  }
0xc4: {  	v9 =	vor.u32 s18, v10;
	v10 =	vmax.f32 v12, $0.0e+00;
	[tilespmem:s3+$0xFFFFFFF0] =	vst v11  }
0xc5: {  	v12 =	vbroadcast v9, $0x0;
	[tilespmem:s3+$0xFFFFFFE0] =	vst v10;
	s3 =	smov.u32 s29  }
0xc6: {  	v9 =	vld [tilespmem:s15+$0x30]  }
0xc7: {  	v13 =	vor.u32 v0, v12;
	v14 =	vor.u32 v2, v12;
	v15 =	vor.u32 v8, v12;
	v10 =	vld [tilespmem:s15+$0x0]  }
0xc8: {  	v17 =	vor.u32 v3, v12;
	v19 =	vor.u32 v4, v12;
	v16 =	vor.u32 v7, v12;
	v11 =	vld [tilespmem:s15+$0x10]  }
0xc9: {  	v20 =	vor.u32 v5, v12;
	v12 =	vor.u32 v6, v12;
	v21 =	vld [tilespmem:s15+$0xFFFFFFD0]  }
0xca: {  	v22 =	vld [tilespmem:s15+$0x20]  }
0xcb: {  	v23 =	vld [tilespmem:s15+$0xFFFFFFC0]  }
0xcc: {  	v24 =	vld.idx.msk [tilespmem:v13+s16+$0x0], $0xffff  }
0xcd: {  	v25 =	vld.idx.msk [tilespmem:v16+s16+$0x0], $0xffff  }
0xce: {  	v26 =	vld.idx.msk [tilespmem:v14+s16+$0x0], $0xffff  }
0xcf: {  	v18 =	vld.idx.msk [tilespmem:v12+s16+$0x0], $0xffff  }
.Ltmp9:
0xd0: {  	v13 =	vld.idx.msk [tilespmem:v15+s16+$0x0], $0xffff;
	(pc) =	sbr.rel @p0 .LBB2_11-.Ltmp9, $4  }
0xd1: {  	v16 =	vld.idx.msk [tilespmem:v20+s16+$0x0], $0xffff  }
0xd2: {  	v15 =	vadd.f32 v23, v24;
	v14 =	vld.idx.msk [tilespmem:v19+s16+$0x0], $0xffff  }
0xd3: {  	v20 =	vadd.f32 v22, v25;
	v12 =	vld.idx.msk [tilespmem:v17+s16+$0x0], $0xffff  }
0xd4: {  	v15 =	vmax.f32 v15, $0.0e+00;
	v19 =	vadd.f32 v21, v26;
	v17 =	vld [tilespmem:s15+$0xFFFFFFF0]  }
0xd5: {  	v21 =	vld [tilespmem:s15+$0xFFFFFFE0]  }
0xd6: {  	v11 =	vadd.f32 v11, v18;
	v63 =	vmax.f32 v20, $0.0e+00;
	[tilespmem:s3+$0xFFFFFFC0] =	vst v15  }
0xd7: {  	v9 =	vadd.f32 v9, v13;
	v19 =	vmax.f32 v19, $0.0e+00;
	[tilespmem:s3+$0x20] =	vst v63  }
0xd8: {  	v10 =	vadd.f32 v10, v16;
	v11 =	vmax.f32 v11, $0.0e+00;
	[tilespmem:s3+$0xFFFFFFD0] =	vst v19  }
0xd9: {  	v9 =	vmax.f32 v9, $0.0e+00;
	[tilespmem:s3+$0x10] =	vst v11;
	v11 =	vadd.f32 v17, v14  }
0xda: {  	v10 =	vmax.f32 v10, $0.0e+00;
	[tilespmem:s3+$0x30] =	vst v9;
	v12 =	vadd.f32 v21, v12  }
0xdb: {  	[tilespmem:s3+$0x0] =	vst v10;
	v10 =	vmax.f32 v11, $0.0e+00  }
0xdc: {  	v9 =	vmax.f32 v12, $0.0e+00;
	[tilespmem:s3+$0xFFFFFFF0] =	vst v10  }
0xdd: {  	s2 =	simm.s32 $0xA800;
	[tilespmem:s3+$0xFFFFFFE0] =	vst v9  }
0xde: {  	[spmem:s1] =	stream.indirect.scatter.add.f32 [tilespmem:s2], [sflag:$0x6], $0x10, s13, s28, $0xb8;
	[tilespmem:$0x19400] =	vst v63  }
0xdf: {  	s2 =	sadd.s32 $0x2, s12  }
0xe0: {  	p0 =	sge.u32 s2, s10  }
0xe1: {  	s2 =	sadd.s32 @!p0 s9, s2  }
0xe2: {  	_ =	swait.ge [sflag:s21], $0x2000;
	s3 =	sshll.u32 @!p0 s2, $0x6  }
0xe3: {  	[sflag:s21] =	ssyncset.done $0x0;
	s15 =	simm.s32 @!p0 $0x0;
	s3 =	sand.u32 @!p0 $0x1FFFFFC0, s3  }
0xe4: {  	s18 =	simm.s32 @!p0 $0x6400;
	[sflag:s21] =	ssyncadd.s32 $0xFFFFE000;
	s14 =	sadd.s32 @!p0 s4, s3  }
0xe5: {  	[tilespmem:s18], [sflag:$0x7] =	stream.linear.gather @!p0 [hbm4b:s14+s15], $0x200, $0x38;
	[tilespmem:$0x19400] =	vst v63  }
0xe6: {  	s14 =	simm.s32 @!p0 $0x7  }
0xe7: {  	_ =	swait.ge @!p0 [sflag:s14], $0x200  }
0xe8: {  	s20 =	simm.s32 @!p0 $0x6600;
	s2 =	sshll.u32 @!p0 s2, $0xB;
	[sflag:s14] =	ssyncset.done @!p0 $0x0  }
0xe9: {  	s2 =	sand.u32 @!p0 $0x1FFFF800, s2;
	s3 =	sadd.s32 @!p0 s5, s3;
	[sflag:s14] =	ssyncadd.s32 @!p0 $0xFFFFFE00  }
0xea: {  	[tilespmem:s20], [sflag:$0x7] =	stream.linear.gather @!p0 [hbm4b:s3+s15], $0x200, $0x38;
	[tilespmem:$0x19400] =	vst v63  }
0xeb: {  	s2 =	sadd.s32 @!p0 s6, s2;
	_ =	swait.ge @!p0 [sflag:s14], $0x200  }
.Ltmp10:
0xec: {  	s3 =	simm.s32 @!p0 $0x800;
	[sflag:s14] =	ssyncset.done @!p0 $0x0;
	(pc) =	sbr.rel .LBB2_13-.Ltmp10, $4  }
0xed: {  	s15 =	simm.s32 @!p0 $0x6800;
	[sflag:s14] =	ssyncadd.s32 @!p0 $0xFFFFFE00;
	s14 =	simm.s32 @!p0 $0x1000  }
0xee: {  	[tilespmem:s15], [sflag:$0x5] =	stream.strided.gather @!p0 [hbm4b:s2+s3], $0x2000, s14, s3, $0x38;
	[tilespmem:$0x19400] =	vst v63  }
0xef: {  	s2 =	simm.s32 @!p0 $0x200;
	s3 =	simm.s32 @!p0 $0x8800  }
0xf0: {  	[tilespmem:s3], [sflag:$0x4] =	stream.indirect.gather @!p0 [hbm4b:s7+s2], $0x10, s18, s2, $0xb8;
	[tilespmem:$0x19400] =	vst v63  }
.LBB2_14:
0xf1: {  	s2 =	stileid.u32;
	[bflag:$0x0] =	sbarrier.arrive $0xFFFF  }
0xf2: {  	s2 =	sshll.u32 s2, $0x6;
	s29 =	rddreg [dreg:$0xb]  }
0xf3: {  	s30 =	rddreg [dreg:$0xa];
	s3 =	sor.u32 $0x1C07, s2  }
0xf4: {  	s12 =	sshrl.u32 s29, $0x3;
	[dreg:$0x10] =	wrdreg s3  }
0xf5: {  	[dreg:$0x11] =	wrdreg s12  }
0xf6: {  	[hbm:s30], [sflag:s3] =	dma.local [spmem:s12], $0x1870  }
0xf7: {  	_ =	swait.ge [sflag:s26], $0x1870  }
0xf8: {  	[sflag:s26] =	ssyncset.done $0x0  }
0xf9: {  	[sflag:s26] =	ssyncadd.s32 $0xFFFFE790  }
0xfa: {  	s2 =	simm.s32 $0x40;
	s3 =	simm.s32 $0x0;
	[bflag:$0x0] =	sbarrier.arrive $0xFFFF  }
.LBB2_15:
0xfb: {  	p0 =	sne.s32 s2, $0x21C0;
	[tilespmem:s3+$0xC800] =	vst v1;
	s3 =	smov.u32 s2;
	s2 =	sadd.s32 $0x40, s2  }
.Ltmp11:
0xfc: {  	(pc) =	sbr.rel @p0 .LBB2_15-.Ltmp11, $2  }
0xfd: {  	_ =	sdelay $0x2  }
0xfe: {  	s3 =	sshra.s32 s3, $0x2  }
0xff: {  	[tilespmem:s3+$0xC800] =	vst v1;
	s2 =	sadd.s32 $0x0, s24  }
0x100: {  	[spmem:s2] =	stream.linear.scatter [tilespmem:s25], [sflag:$0x7], $0x880, $0x38;
	[tilespmem:$0x19400] =	vst v63  }
0x101: {  	s2 =	simm.s32 $0x2200;
	_ =	swait.ge [sflag:s26], $0x880  }
.LBB2_17:
0x102: {  	s3 =	sshra.s32 s2, $0x2;
	[sflag:s26] =	ssyncset.done $0x0;
	p0 =	sne.s32 s2, $0x2EC00  }
.Ltmp12:
0x103: {  	s3 =	sadd.s32 s3, s24;
	[sflag:s26] =	ssyncadd.s32 $0xFFFFF780;
	(pc) =	sbr.rel @p0 .LBB2_17-.Ltmp12, $3  }
0x104: {  	[spmem:s3] =	stream.linear.scatter [tilespmem:s25], [sflag:$0x7], $0x880, $0x38;
	[tilespmem:$0x19400] =	vst v63  }
0x105: {  	s2 =	sadd.s32 $0x2200, s2;
	_ =	sdelay $0x1  }
0x106: {  	_ =	swait.ge [sflag:s26], $0x880  }
0x107: {  	[sflag:s26] =	ssyncset.done $0x0  }
0x108: {  	[sflag:s26] =	ssyncadd.s32 $0xFFFFF780  }
0x109: {  	[bflag:$0x0] =	sbarrier.arrive $0xFFFF  }
0x10a: {  	s15 =	simm.s32 $0x0;
	s2 =	rddreg [dreg:$0x4]  }
0x10b: {  	[tilespmem:s15], [sflag:$0x7] =	stream.linear.gather [hbm4b:s2+s15], $0x200, $0x38;
	[tilespmem:$0x19400] =	vst v63  }
0x10c: {  	_ =	swait.ge [sflag:s26], $0x200  }
0x10d: {  	[sflag:s26] =	ssyncset.done $0x0  }
0x10e: {  	s29 =	rddreg [dreg:$0x5];
	[sflag:s26] =	ssyncadd.s32 $0xFFFFFE00  }
0x10f: {  	[tilespmem:s28], [sflag:$0x7] =	stream.linear.gather [hbm4b:s29+s15], $0x200, $0x38;
	[tilespmem:$0x19400] =	vst v63  }
0x110: {  	_ =	swait.ge [sflag:s26], $0x200  }
0x111: {  	s3 =	simm.s32 $0x800;
	[sflag:s26] =	ssyncset.done $0x0  }
0x112: {  	s12 =	simm.s32 $0x1000;
	s30 =	rddreg [dreg:$0xc];
	[sflag:s26] =	ssyncadd.s32 $0xFFFFFE00  }
0x113: {  	[tilespmem:s31], [sflag:$0x2] =	stream.strided.gather [hbm4b:s30+s3], $0x2000, s12, s3, $0x38;
	[tilespmem:$0x19400] =	vst v63  }
0x114: {  	s14 =	simm.s32 $0x2400  }
0x115: {  	[tilespmem:s14], [sflag:$0x1] =	stream.indirect.gather [hbm4b:s8+s28], $0x10, s15, s28, $0xb8;
	[tilespmem:$0x19400] =	vst v63  }
0x116: {  	s18 =	rddreg [dreg:$0x7];
	s14 =	simm.s32 $0x6400  }
0x117: {  	[tilespmem:s14], [sflag:$0x7] =	stream.linear.gather [hbm4b:s18+s15], $0x200, $0x38;
	[tilespmem:$0x19400] =	vst v63  }
0x118: {  	_ =	swait.ge [sflag:s26], $0x200  }
0x119: {  	[sflag:s26] =	ssyncset.done $0x0  }
0x11a: {  	s20 =	rddreg [dreg:$0x8];
	[sflag:s26] =	ssyncadd.s32 $0xFFFFFE00  }
0x11b: {  	[tilespmem:s13], [sflag:$0x7] =	stream.linear.gather [hbm4b:s20+s15], $0x200, $0x38;
	[tilespmem:$0x19400] =	vst v63  }
0x11c: {  	_ =	swait.ge [sflag:s26], $0x200  }
.Ltmp13:
0x11d: {  	[sflag:s26] =	ssyncset.done $0x0;
	(pc) =	sbr.rel .LBB2_19-.Ltmp13, $4  }
0x11e: {  	s29 =	rddreg [dreg:$0xd];
	[sflag:s26] =	ssyncadd.s32 $0xFFFFFE00  }
0x11f: {  	[tilespmem:s16], [sflag:$0x5] =	stream.strided.gather [hbm4b:s29+s3], $0x2000, s12, s3, $0x38;
	[tilespmem:$0x19400] =	vst v63  }
0x120: {  	s30 =	simm.s32 $0x8800  }
0x121: {  	[tilespmem:s30], [sflag:$0x4] =	stream.indirect.gather [hbm4b:s8+s28], $0x10, s14, s28, $0xb8;
	[tilespmem:$0x19400] =	vst v63  }
.LBB2_26:
0x122: {  	s15 =	sadd.s32 $0x1, s15  }
0x123: {  	p0 =	sne.s32 s15, s10  }
.Ltmp14:
0x124: {  	_ = 	snop;
	(pc) =	sbr.rel @!p0 .LBB2_27-.Ltmp14, $1  }
0x125: {  	_ =	sdelay $0x3  }
.LBB2_19:
0x126: {  	s29 =	sand.u32 $0x1, s15  }
0x127: {  	p0 =	seq.s32 s29, $0x1  }
.Ltmp15:
0x128: {  	_ = 	snop;
	(pc) =	sbr.rel @p0 .LBB2_23-.Ltmp15, $1  }
0x129: {  	_ =	sdelay $0x3  }
0x12a: {  	s30 =	simm.s32 $0x0  }
0x12b: {  	_ =	swait.ge [sflag:s22], $0x2000;
	s2 =	sand.u32 $0x78, s30  }
0x12c: {  	[sflag:s22] =	ssyncset.done $0x0;
	v9 =	vmov s2  }
0x12d: {  	s20 =	simm.s32 $0x0;
	[sflag:s22] =	ssyncadd.s32 $0xFFFFE000;
	v9 =	vshrl.u32 v9, $0x3  }
0x12e: {  	s2 =	sand.u32 $0xFFFFF800, s20;
	_ =	swait.ge [sflag:s23], $0x2000;
	v9 =	vshll.u32 v9, $0x3  }
0x12f: {  	[sflag:s23] =	ssyncset.done $0x0;
	v9 =	vor.u32 s2, v9  }
0x130: {  	s3 =	simm.s32 $0x2440;
	[sflag:s23] =	ssyncadd.s32 $0xFFFFE000;
	v12 =	vbroadcast v9, $0x0  }
0x131: {  	v9 =	vld [tilespmem:s3+$0x30]  }
0x132: {  	v10 =	vld [tilespmem:s3+$0x0];
	v13 =	vor.u32 v0, v12  }
0x133: {  	v11 =	vld [tilespmem:s3+$0x10];
	v14 =	vor.u32 v7, v12  }
0x134: {  	v17 =	vld [tilespmem:s3+$0xFFFFFFD0];
	v15 =	vor.u32 v2, v12  }
0x135: {  	v19 =	vld [tilespmem:s3+$0x20];
	v16 =	vor.u32 v6, v12  }
0x136: {  	v21 =	vld [tilespmem:s3+$0xFFFFFFC0];
	v20 =	vor.u32 v8, v12  }
0x137: {  	v22 =	vor.u32 v5, v12;
	v23 =	vld.idx.msk [tilespmem:v13+s31+$0x0], $0xffff  }
0x138: {  	v24 =	vor.u32 v4, v12;
	v25 =	vld.idx.msk [tilespmem:v14+s31+$0x0], $0xffff  }
0x139: {  	v12 =	vor.u32 v3, v12;
	v26 =	vld.idx.msk [tilespmem:v15+s31+$0x0], $0xffff  }
0x13a: {  	v18 =	vld.idx.msk [tilespmem:v16+s31+$0x0], $0xffff  }
0x13b: {  	v13 =	vld.idx.msk [tilespmem:v20+s31+$0x0], $0xffff  }
0x13c: {  	v16 =	vld.idx.msk [tilespmem:v22+s31+$0x0], $0xffff  }
0x13d: {  	v14 =	vld.idx.msk [tilespmem:v24+s31+$0x0], $0xffff;
	v15 =	vadd.f32 v21, v23  }
0x13e: {  	v12 =	vld.idx.msk [tilespmem:v12+s31+$0x0], $0xffff;
	v20 =	vadd.f32 v19, v25  }
0x13f: {  	s14 =	simm.s32 $0x4440;
	s12 =	simm.s32 $0x4440;
	s2 =	simm.s32 $0x1;
	v19 =	vadd.f32 v17, v26;
	v17 =	vld [tilespmem:s3+$0xFFFFFFF0];
	v15 =	vmax.f32 v15, $0.0e+00  }
.LBB2_21:
0x140: {  	v21 =	vld [tilespmem:s3+$0xFFFFFFE0];
	v11 =	vadd.f32 v11, v18;
	v18 =	vmax.f32 v20, $0.0e+00;
	s30 =	sadd.s32 $0x8, s30;
	s3 =	sadd.s32 $0x80, s3;
	s14 =	sadd.s32 $0x80, s14  }
0x141: {  	p0 =	sne.s32 s2, $0x3F;
	s18 =	smov.u32 s2;
	s2 =	sadd.s32 $0x1, s2;
	v19 =	vmax.f32 v19, $0.0e+00;
	[tilespmem:s12+$0x20] =	vst v18  }
0x142: {  	v10 =	vadd.f32 v10, v16;
	v11 =	vmax.f32 v11, $0.0e+00;
	[tilespmem:s12+$0xFFFFFFD0] =	vst v19  }
0x143: {  	v9 =	vadd.f32 v9, v13;
	s20 =	sand.u32 $0x78, s30;
	[tilespmem:s12+$0x10] =	vst v11  }
0x144: {  	v11 =	vmov s20;
	v10 =	vmax.f32 v10, $0.0e+00;
	v13 =	vadd.f32 v17, v14;
	[tilespmem:s12+$0xFFFFFFC0] =	vst v15  }
0x145: {  	s18 =	sshll.u32 s18, $0x7;
	v9 =	vmax.f32 v9, $0.0e+00;
	v11 =	vshrl.u32 v11, $0x3;
	v12 =	vadd.f32 v21, v12;
	[tilespmem:s12+$0x0] =	vst v10  }
0x146: {  	s18 =	sand.u32 $0xFFFFF800, s18;
	v10 =	vshll.u32 v11, $0x3;
	v11 =	vmax.f32 v13, $0.0e+00;
	[tilespmem:s12+$0x30] =	vst v9  }
0x147: {  	v9 =	vor.u32 s18, v10;
	v10 =	vmax.f32 v12, $0.0e+00;
	[tilespmem:s12+$0xFFFFFFF0] =	vst v11  }
0x148: {  	v12 =	vbroadcast v9, $0x0;
	[tilespmem:s12+$0xFFFFFFE0] =	vst v10;
	s12 =	smov.u32 s14  }
0x149: {  	v9 =	vld [tilespmem:s3+$0x30]  }
0x14a: {  	v13 =	vor.u32 v0, v12;
	v14 =	vor.u32 v2, v12;
	v15 =	vor.u32 v8, v12;
	v10 =	vld [tilespmem:s3+$0x0]  }
0x14b: {  	v17 =	vor.u32 v3, v12;
	v19 =	vor.u32 v4, v12;
	v16 =	vor.u32 v7, v12;
	v11 =	vld [tilespmem:s3+$0x10]  }
0x14c: {  	v20 =	vor.u32 v5, v12;
	v12 =	vor.u32 v6, v12;
	v21 =	vld [tilespmem:s3+$0xFFFFFFD0]  }
0x14d: {  	v22 =	vld [tilespmem:s3+$0x20]  }
0x14e: {  	v23 =	vld [tilespmem:s3+$0xFFFFFFC0]  }
0x14f: {  	v24 =	vld.idx.msk [tilespmem:v13+s31+$0x0], $0xffff  }
0x150: {  	v25 =	vld.idx.msk [tilespmem:v16+s31+$0x0], $0xffff  }
0x151: {  	v26 =	vld.idx.msk [tilespmem:v14+s31+$0x0], $0xffff  }
0x152: {  	v18 =	vld.idx.msk [tilespmem:v12+s31+$0x0], $0xffff  }
.Ltmp16:
0x153: {  	v13 =	vld.idx.msk [tilespmem:v15+s31+$0x0], $0xffff;
	(pc) =	sbr.rel @p0 .LBB2_21-.Ltmp16, $4  }
0x154: {  	v16 =	vld.idx.msk [tilespmem:v20+s31+$0x0], $0xffff  }
0x155: {  	v15 =	vadd.f32 v23, v24;
	v14 =	vld.idx.msk [tilespmem:v19+s31+$0x0], $0xffff  }
0x156: {  	v20 =	vadd.f32 v22, v25;
	v12 =	vld.idx.msk [tilespmem:v17+s31+$0x0], $0xffff  }
0x157: {  	v15 =	vmax.f32 v15, $0.0e+00;
	v19 =	vadd.f32 v21, v26;
	v17 =	vld [tilespmem:s3+$0xFFFFFFF0]  }
0x158: {  	v21 =	vld [tilespmem:s3+$0xFFFFFFE0]  }
0x159: {  	v11 =	vadd.f32 v11, v18;
	v63 =	vmax.f32 v20, $0.0e+00;
	[tilespmem:s12+$0xFFFFFFC0] =	vst v15  }
0x15a: {  	v9 =	vadd.f32 v9, v13;
	v19 =	vmax.f32 v19, $0.0e+00;
	[tilespmem:s12+$0x20] =	vst v63  }
0x15b: {  	v10 =	vadd.f32 v10, v16;
	v11 =	vmax.f32 v11, $0.0e+00;
	[tilespmem:s12+$0xFFFFFFD0] =	vst v19  }
0x15c: {  	v9 =	vmax.f32 v9, $0.0e+00;
	[tilespmem:s12+$0x10] =	vst v11;
	v11 =	vadd.f32 v17, v14  }
0x15d: {  	v10 =	vmax.f32 v10, $0.0e+00;
	[tilespmem:s12+$0x30] =	vst v9;
	v12 =	vadd.f32 v21, v12  }
0x15e: {  	[tilespmem:s12+$0x0] =	vst v10;
	v10 =	vmax.f32 v11, $0.0e+00  }
0x15f: {  	v9 =	vmax.f32 v12, $0.0e+00;
	[tilespmem:s12+$0xFFFFFFF0] =	vst v10  }
0x160: {  	s2 =	simm.s32 $0x4400;
	[tilespmem:s12+$0xFFFFFFE0] =	vst v9  }
0x161: {  	[spmem:s1] =	stream.indirect.scatter.add.f32 [tilespmem:s2], [sflag:$0x3], $0x10, s28, s28, $0xb8;
	[tilespmem:$0x19400] =	vst v63  }
0x162: {  	s2 =	sadd.s32 $0x2, s15  }
0x163: {  	p0 =	sge.u32 s2, s10  }
0x164: {  	s2 =	sadd.s32 @!p0 s9, s2  }
0x165: {  	_ =	swait.ge [sflag:s11], $0x2000;
	s3 =	sshll.u32 @!p0 s2, $0x6  }
0x166: {  	[sflag:s11] =	ssyncset.done $0x0;
	s3 =	sand.u32 @!p0 $0x1FFFFFC0, s3  }
0x167: {  	s14 =	simm.s32 @!p0 $0x0;
	[sflag:s11] =	ssyncadd.s32 $0xFFFFE000;
	s12 =	sadd.s32 @!p0 s4, s3  }
0x168: {  	[tilespmem:s14], [sflag:$0x7] =	stream.linear.gather @!p0 [hbm4b:s12+s14], $0x200, $0x38;
	[tilespmem:$0x19400] =	vst v63  }
0x169: {  	s12 =	simm.s32 @!p0 $0x7  }
0x16a: {  	_ =	swait.ge @!p0 [sflag:s12], $0x200  }
0x16b: {  	s18 =	simm.s32 @!p0 $0x200;
	[sflag:s12] =	ssyncset.done @!p0 $0x0  }
0x16c: {  	s2 =	sshll.u32 @!p0 s2, $0xB;
	s3 =	sadd.s32 @!p0 s5, s3;
	[sflag:s12] =	ssyncadd.s32 @!p0 $0xFFFFFE00  }
0x16d: {  	[tilespmem:s18], [sflag:$0x7] =	stream.linear.gather @!p0 [hbm4b:s3+s14], $0x200, $0x38;
	[tilespmem:$0x19400] =	vst v63  }
0x16e: {  	s2 =	sand.u32 @!p0 $0x1FFFF800, s2;
	_ =	swait.ge @!p0 [sflag:s12], $0x200  }
0x16f: {  	s20 =	simm.s32 @!p0 $0x400;
	s2 =	sadd.s32 @!p0 s2, s17;
	[sflag:s12] =	ssyncset.done @!p0 $0x0  }
0x170: {  	s3 =	simm.s32 @!p0 $0x800;
	[sflag:s12] =	ssyncadd.s32 @!p0 $0xFFFFFE00;
	s12 =	simm.s32 @!p0 $0x1000  }
0x171: {  	[tilespmem:s20], [sflag:$0x2] =	stream.strided.gather @!p0 [hbm4b:s2+s3], $0x2000, s12, s3, $0x38;
	[tilespmem:$0x19400] =	vst v63  }
0x172: {  	s2 =	simm.s32 @!p0 $0x2400  }
0x173: {  	[tilespmem:s2], [sflag:$0x1] =	stream.indirect.gather @!p0 [hbm4b:s8+s18], $0x10, s14, s18, $0xb8;
	[tilespmem:$0x19400] =	vst v63  }
0x174: {  	p0 =	seq.s32 s29, $0x0  }
.Ltmp17:
0x175: {  	_ = 	snop;
	(pc) =	sbr.rel @p0 .LBB2_26-.Ltmp17, $1  }
0x176: {  	_ =	sdelay $0x3  }
.LBB2_23:
0x177: {  	s29 =	simm.s32 $0x0  }
0x178: {  	_ =	swait.ge [sflag:s0], $0x2000;
	s2 =	sand.u32 $0x78, s29  }
0x179: {  	[sflag:s0] =	ssyncset.done $0x0;
	v9 =	vmov s2  }
0x17a: {  	s30 =	simm.s32 $0x0;
	[sflag:s0] =	ssyncadd.s32 $0xFFFFE000;
	v9 =	vshrl.u32 v9, $0x3  }
0x17b: {  	s2 =	sand.u32 $0xFFFFF800, s30;
	_ =	swait.ge [sflag:s19], $0x2000;
	v9 =	vshll.u32 v9, $0x3  }
0x17c: {  	[sflag:s19] =	ssyncset.done $0x0;
	v9 =	vor.u32 s2, v9  }
0x17d: {  	s3 =	simm.s32 $0x8840;
	[sflag:s19] =	ssyncadd.s32 $0xFFFFE000;
	v12 =	vbroadcast v9, $0x0  }
0x17e: {  	v9 =	vld [tilespmem:s3+$0x30]  }
0x17f: {  	v10 =	vld [tilespmem:s3+$0x0];
	v13 =	vor.u32 v0, v12  }
0x180: {  	v11 =	vld [tilespmem:s3+$0x10];
	v14 =	vor.u32 v7, v12  }
0x181: {  	v17 =	vld [tilespmem:s3+$0xFFFFFFD0];
	v15 =	vor.u32 v2, v12  }
0x182: {  	v19 =	vld [tilespmem:s3+$0x20];
	v16 =	vor.u32 v6, v12  }
0x183: {  	v21 =	vld [tilespmem:s3+$0xFFFFFFC0];
	v20 =	vor.u32 v8, v12  }
0x184: {  	v22 =	vor.u32 v5, v12;
	v23 =	vld.idx.msk [tilespmem:v13+s16+$0x0], $0xffff  }
0x185: {  	v24 =	vor.u32 v4, v12;
	v25 =	vld.idx.msk [tilespmem:v14+s16+$0x0], $0xffff  }
0x186: {  	v12 =	vor.u32 v3, v12;
	v26 =	vld.idx.msk [tilespmem:v15+s16+$0x0], $0xffff  }
0x187: {  	v18 =	vld.idx.msk [tilespmem:v16+s16+$0x0], $0xffff  }
0x188: {  	v13 =	vld.idx.msk [tilespmem:v20+s16+$0x0], $0xffff  }
0x189: {  	v16 =	vld.idx.msk [tilespmem:v22+s16+$0x0], $0xffff  }
0x18a: {  	v14 =	vld.idx.msk [tilespmem:v24+s16+$0x0], $0xffff;
	v15 =	vadd.f32 v21, v23  }
0x18b: {  	v12 =	vld.idx.msk [tilespmem:v12+s16+$0x0], $0xffff;
	v20 =	vadd.f32 v19, v25  }
0x18c: {  	s14 =	simm.s32 $0xA840;
	s12 =	simm.s32 $0xA840;
	s2 =	simm.s32 $0x1;
	v19 =	vadd.f32 v17, v26;
	v17 =	vld [tilespmem:s3+$0xFFFFFFF0];
	v15 =	vmax.f32 v15, $0.0e+00  }
.LBB2_24:
0x18d: {  	v21 =	vld [tilespmem:s3+$0xFFFFFFE0];
	v11 =	vadd.f32 v11, v18;
	v18 =	vmax.f32 v20, $0.0e+00;
	s29 =	sadd.s32 $0x8, s29;
	s3 =	sadd.s32 $0x80, s3;
	s14 =	sadd.s32 $0x80, s14  }
0x18e: {  	p0 =	sne.s32 s2, $0x3F;
	s18 =	smov.u32 s2;
	s2 =	sadd.s32 $0x1, s2;
	v19 =	vmax.f32 v19, $0.0e+00;
	[tilespmem:s12+$0x20] =	vst v18  }
0x18f: {  	v10 =	vadd.f32 v10, v16;
	v11 =	vmax.f32 v11, $0.0e+00;
	[tilespmem:s12+$0xFFFFFFD0] =	vst v19  }
0x190: {  	v9 =	vadd.f32 v9, v13;
	s20 =	sand.u32 $0x78, s29;
	[tilespmem:s12+$0x10] =	vst v11  }
0x191: {  	v11 =	vmov s20;
	v10 =	vmax.f32 v10, $0.0e+00;
	v13 =	vadd.f32 v17, v14;
	[tilespmem:s12+$0xFFFFFFC0] =	vst v15  }
0x192: {  	s18 =	sshll.u32 s18, $0x7;
	v9 =	vmax.f32 v9, $0.0e+00;
	v11 =	vshrl.u32 v11, $0x3;
	v12 =	vadd.f32 v21, v12;
	[tilespmem:s12+$0x0] =	vst v10  }
0x193: {  	s18 =	sand.u32 $0xFFFFF800, s18;
	v10 =	vshll.u32 v11, $0x3;
	v11 =	vmax.f32 v13, $0.0e+00;
	[tilespmem:s12+$0x30] =	vst v9  }
0x194: {  	v9 =	vor.u32 s18, v10;
	v10 =	vmax.f32 v12, $0.0e+00;
	[tilespmem:s12+$0xFFFFFFF0] =	vst v11  }
0x195: {  	v12 =	vbroadcast v9, $0x0;
	[tilespmem:s12+$0xFFFFFFE0] =	vst v10;
	s12 =	smov.u32 s14  }
0x196: {  	v9 =	vld [tilespmem:s3+$0x30]  }
0x197: {  	v13 =	vor.u32 v0, v12;
	v14 =	vor.u32 v2, v12;
	v15 =	vor.u32 v8, v12;
	v10 =	vld [tilespmem:s3+$0x0]  }
0x198: {  	v17 =	vor.u32 v3, v12;
	v19 =	vor.u32 v4, v12;
	v16 =	vor.u32 v7, v12;
	v11 =	vld [tilespmem:s3+$0x10]  }
0x199: {  	v20 =	vor.u32 v5, v12;
	v12 =	vor.u32 v6, v12;
	v21 =	vld [tilespmem:s3+$0xFFFFFFD0]  }
0x19a: {  	v22 =	vld [tilespmem:s3+$0x20]  }
0x19b: {  	v23 =	vld [tilespmem:s3+$0xFFFFFFC0]  }
0x19c: {  	v24 =	vld.idx.msk [tilespmem:v13+s16+$0x0], $0xffff  }
0x19d: {  	v25 =	vld.idx.msk [tilespmem:v16+s16+$0x0], $0xffff  }
0x19e: {  	v26 =	vld.idx.msk [tilespmem:v14+s16+$0x0], $0xffff  }
0x19f: {  	v18 =	vld.idx.msk [tilespmem:v12+s16+$0x0], $0xffff  }
.Ltmp18:
0x1a0: {  	v13 =	vld.idx.msk [tilespmem:v15+s16+$0x0], $0xffff;
	(pc) =	sbr.rel @p0 .LBB2_24-.Ltmp18, $4  }
0x1a1: {  	v16 =	vld.idx.msk [tilespmem:v20+s16+$0x0], $0xffff  }
0x1a2: {  	v15 =	vadd.f32 v23, v24;
	v14 =	vld.idx.msk [tilespmem:v19+s16+$0x0], $0xffff  }
0x1a3: {  	v20 =	vadd.f32 v22, v25;
	v12 =	vld.idx.msk [tilespmem:v17+s16+$0x0], $0xffff  }
0x1a4: {  	v15 =	vmax.f32 v15, $0.0e+00;
	v19 =	vadd.f32 v21, v26;
	v17 =	vld [tilespmem:s3+$0xFFFFFFF0]  }
0x1a5: {  	v21 =	vld [tilespmem:s3+$0xFFFFFFE0]  }
0x1a6: {  	v11 =	vadd.f32 v11, v18;
	v63 =	vmax.f32 v20, $0.0e+00;
	[tilespmem:s12+$0xFFFFFFC0] =	vst v15  }
0x1a7: {  	v9 =	vadd.f32 v9, v13;
	v19 =	vmax.f32 v19, $0.0e+00;
	[tilespmem:s12+$0x20] =	vst v63  }
0x1a8: {  	v10 =	vadd.f32 v10, v16;
	v11 =	vmax.f32 v11, $0.0e+00;
	[tilespmem:s12+$0xFFFFFFD0] =	vst v19  }
0x1a9: {  	v9 =	vmax.f32 v9, $0.0e+00;
	[tilespmem:s12+$0x10] =	vst v11;
	v11 =	vadd.f32 v17, v14  }
0x1aa: {  	v10 =	vmax.f32 v10, $0.0e+00;
	[tilespmem:s12+$0x30] =	vst v9;
	v12 =	vadd.f32 v21, v12  }
0x1ab: {  	[tilespmem:s12+$0x0] =	vst v10;
	v10 =	vmax.f32 v11, $0.0e+00  }
0x1ac: {  	v9 =	vmax.f32 v12, $0.0e+00;
	[tilespmem:s12+$0xFFFFFFF0] =	vst v10  }
0x1ad: {  	s2 =	simm.s32 $0xA800;
	[tilespmem:s12+$0xFFFFFFE0] =	vst v9  }
0x1ae: {  	[spmem:s1] =	stream.indirect.scatter.add.f32 [tilespmem:s2], [sflag:$0x6], $0x10, s13, s28, $0xb8;
	[tilespmem:$0x19400] =	vst v63  }
0x1af: {  	s2 =	sadd.s32 $0x2, s15  }
0x1b0: {  	p0 =	sge.u32 s2, s10  }
0x1b1: {  	s2 =	sadd.s32 @!p0 s9, s2  }
0x1b2: {  	_ =	swait.ge [sflag:s21], $0x2000;
	s3 =	sshll.u32 @!p0 s2, $0x6  }
0x1b3: {  	[sflag:s21] =	ssyncset.done $0x0;
	s14 =	simm.s32 @!p0 $0x0;
	s3 =	sand.u32 @!p0 $0x1FFFFFC0, s3  }
0x1b4: {  	s18 =	simm.s32 @!p0 $0x6400;
	[sflag:s21] =	ssyncadd.s32 $0xFFFFE000;
	s12 =	sadd.s32 @!p0 s4, s3  }
0x1b5: {  	[tilespmem:s18], [sflag:$0x7] =	stream.linear.gather @!p0 [hbm4b:s12+s14], $0x200, $0x38;
	[tilespmem:$0x19400] =	vst v63  }
0x1b6: {  	s12 =	simm.s32 @!p0 $0x7  }
0x1b7: {  	_ =	swait.ge @!p0 [sflag:s12], $0x200  }
0x1b8: {  	s20 =	simm.s32 @!p0 $0x6600;
	s2 =	sshll.u32 @!p0 s2, $0xB;
	[sflag:s12] =	ssyncset.done @!p0 $0x0  }
0x1b9: {  	s2 =	sand.u32 @!p0 $0x1FFFF800, s2;
	s3 =	sadd.s32 @!p0 s5, s3;
	[sflag:s12] =	ssyncadd.s32 @!p0 $0xFFFFFE00  }
0x1ba: {  	[tilespmem:s20], [sflag:$0x7] =	stream.linear.gather @!p0 [hbm4b:s3+s14], $0x200, $0x38;
	[tilespmem:$0x19400] =	vst v63  }
0x1bb: {  	s2 =	sadd.s32 @!p0 s2, s17;
	_ =	swait.ge @!p0 [sflag:s12], $0x200  }
.Ltmp19:
0x1bc: {  	s3 =	simm.s32 @!p0 $0x800;
	[sflag:s12] =	ssyncset.done @!p0 $0x0;
	(pc) =	sbr.rel .LBB2_26-.Ltmp19, $4  }
0x1bd: {  	s14 =	simm.s32 @!p0 $0x6800;
	[sflag:s12] =	ssyncadd.s32 @!p0 $0xFFFFFE00;
	s12 =	simm.s32 @!p0 $0x1000  }
0x1be: {  	[tilespmem:s14], [sflag:$0x5] =	stream.strided.gather @!p0 [hbm4b:s2+s3], $0x2000, s12, s3, $0x38;
	[tilespmem:$0x19400] =	vst v63  }
0x1bf: {  	s2 =	simm.s32 @!p0 $0x200;
	s3 =	simm.s32 @!p0 $0x8800  }
0x1c0: {  	[tilespmem:s3], [sflag:$0x4] =	stream.indirect.gather @!p0 [hbm4b:s8+s2], $0x10, s18, s2, $0xb8;
	[tilespmem:$0x19400] =	vst v63  }
.LBB2_28:
0x1c1: {  	_ =	sfence.sel $0x180000  }
0x1c2: {  	[bflag:$0x0] =	sbarrier.arrive $0xFFFF  }
0x1c3: {  	_ =	strace $0x90000047  }
0x1c4: {  	s0 =	stileid.u32;
	[bflag:$0x2] =	sbarrier.arrive $0xFFFF  }
0x1c5: {  	p0 =	sne.s32 s0, $0x0;
	s0 =	rddreg [dreg:$0x2]  }
0x1c6: {  	s0 =	sadd.s32 @!p0 $0x100000, s0  }
0x1c7: {  	[sflag:s0] =	ssyncadd.tile.s32 @!p0 $0x1;
	_ =	shalt  }
.Lfunc_end2:
_tile_overlayer_lowered:
.L_overlay_start_2:
0x1c8: {  	(tag) =	ssettag $0x2  }
0x1c9: {  	s0 =	rddreg [dreg:$0x0];
	s2 =	stileid.u32  }
0x1ca: {  	s1 =	rddreg [dreg:$0x1];
	p0 =	sne.s32 s2, $0x0  }
0x1cb: {  	s3 =	rddreg [dreg:$0x2];
	[bflag:$0x3] =	sbarrier.arrive $0xFFFF;
	s2 =	simm.s32 @!p0 $0x1C07  }
0x1cc: {  	[timem:s3], [sflag:s2] =	dma.local @!p0 [hbm:s0], s1  }
0x1cd: {  	s0 =	simm.s32 @!p0 $0x7  }
0x1ce: {  	_ =	swait.ge @!p0 [sflag:s0], s1  }
0x1cf: {  	s1 =	ssub.s32 @!p0 $0x0, s1;
	[sflag:s0] =	ssyncset.done @!p0 $0x0  }
0x1d0: {  	[sflag:s0] =	ssyncadd.s32 @!p0 s1  }
0x1d1: {  	[bflag:$0x3] =	sbarrier.arrive $0xFFFF  }
0x1d2: {  	_ =	shalt  }

</sc_bundles>
